<compile_context>
chip_gen: v7x
topology: tpu7x:2x2x1
jax: 0.10.2.dev20260603
libtpu: 0.0.44.dev20260713+nightly
codegen_flags: <defaults>
</compile_context>

<pallas_src>
import functools

import jax
import jax.numpy as jnp
from jax import lax
from jax.experimental import pallas as pl
from jax.experimental.pallas import tpu as pltpu
from jax.experimental.pallas import tpu_sc as plsc

N = 10000
E = 320000
C = 128
CH = C // 2
NG = 128

NC = 2
NS = 16
NW = NC * NS
EPW = E // NW
EPS = E // NS
CHUNK = 125
NCHUNK = EPS // CHUNK
SUB_ROWS = 624
TAIL_OFF = NS * SUB_ROWS
TAIL_ROWS = N - TAIL_OFF

DEPTH = 5
LOOK = 4



def _degree_body(ei_hbm, out_hbm, dst_v, deg_v):
    cid = lax.axis_index("c")
    sid = lax.axis_index("s")
    wid = cid * NS + sid
    pltpu.sync_copy(ei_hbm.at[1, pl.ds(wid * EPW, EPW)], dst_v)

    def zero_body(i, _):
        deg_v[pl.ds(i * 16, 16)] = jnp.zeros((16,), jnp.float32)
        return 0

    lax.fori_loop(0, N // 16, zero_body, 0)

    ones = jnp.ones((16,), jnp.float32)

    def add_body(i, _):
        idx = dst_v[pl.ds(i * 16, 16)]
        plsc.addupdate_scatter(deg_v, [idx], ones)
        return 0

    lax.fori_loop(0, EPW // 16, add_body, 0)
    pltpu.sync_copy(deg_v, out_hbm.at[wid])


def _conv_body(ts_hbm, zeros_hbm, src_hbm, dst_hbm, out_hbm,
               src_v, dst_v, *rest):
    bufs = rest[:DEPTH]
    acc_sh = rest[DEPTH]
    gsem = rest[DEPTH + 1:2 * DEPTH + 1]
    ssem = rest[2 * DEPTH + 1:]
    cid = lax.axis_index("c")
    sid = lax.axis_index("s")
    pltpu.sync_copy(src_hbm.at[cid, sid], src_v)
    pltpu.sync_copy(dst_hbm.at[sid], dst_v)

    base = sid * SUB_ROWS
    pltpu.sync_copy(zeros_hbm.at[pl.ds(base, SUB_ROWS)],
                    acc_sh.at[pl.ds(base, SUB_ROWS)])

    @pl.when(sid == NS - 1)
    def _():
        pltpu.sync_copy(zeros_hbm.at[pl.ds(TAIL_OFF, TAIL_ROWS)],
                        acc_sh.at[pl.ds(TAIL_OFF, TAIL_ROWS)])

    plsc.subcore_barrier()

    def gstart(k, j):
        pltpu.async_copy(ts_hbm.at[src_v.at[k]], bufs[j], gsem[j])

    def gdrain(j):
        pltpu.make_async_copy(ts_hbm.at[src_v.at[0]], bufs[j], gsem[j]).wait()

    def sstart(k, j):
        pltpu.async_copy(bufs[j], acc_sh.at[dst_v.at[k]], ssem[j], add=True)

    def sdrain(j):
        pltpu.make_async_copy(bufs[j], acc_sh.at[dst_v.at[0]], ssem[j]).wait()

    for j in range(DEPTH):
        gstart(j, j)
    for j in range(DEPTH - LOOK):
        gdrain(j)
        sstart(j, j)

    def chunk_body(i, _):
        for j in range(DEPTH):
            k = DEPTH * i + j
            sdrain(j)
            gstart(k, j)
            jj = (j + DEPTH - LOOK) % DEPTH
            gdrain(jj)
            sstart(k - LOOK, jj)
        return 0

    lax.fori_loop(1, NCHUNK // DEPTH, chunk_body, 0)
    for t in range(LOOK):
        jj = DEPTH - LOOK + t
        gdrain(jj)
        sstart(NCHUNK - LOOK + t, jj)
    for j in range(DEPTH):
        sdrain(j)
    plsc.subcore_barrier()

    col = cid * CH
    pltpu.sync_copy(acc_sh.at[pl.ds(base, SUB_ROWS)],
                    out_hbm.at[pl.ds(base, SUB_ROWS), pl.ds(col, CH)])

    @pl.when(sid == NS - 1)
    def _():
        pltpu.sync_copy(acc_sh.at[pl.ds(TAIL_OFF, TAIL_ROWS)],
                        out_hbm.at[pl.ds(TAIL_OFF, TAIL_ROWS), pl.ds(col, CH)])


@functools.cache
def _sc_kernels():
    mesh = plsc.VectorSubcoreMesh(core_axis_name="c", subcore_axis_name="s")
    params = pltpu.CompilerParams(needs_layout_passes=False,
                                  use_tc_tiling_on_sc=False)
    sc_degree = functools.partial(
        pl.kernel,
        out_type=jax.ShapeDtypeStruct((NW, N), jnp.float32),
        mesh=mesh,
        compiler_params=params,
        scratch_types=[
            pltpu.VMEM((EPW,), jnp.int32),
            pltpu.VMEM((N,), jnp.float32),
        ],
    )(_degree_body)
    sc_conv = functools.partial(
        pl.kernel,
        out_type=jax.ShapeDtypeStruct((N, C), jnp.float32),
        mesh=mesh,
        compiler_params=params,
        scratch_types=[
            pltpu.VMEM((NCHUNK, CHUNK), jnp.int32),
            pltpu.VMEM((NCHUNK, CHUNK), jnp.int32),
        ] + [pltpu.VMEM((CHUNK, CH), jnp.float32)] * DEPTH
          + [
            pltpu.VMEM_SHARED((N, CH), jnp.float32),
        ] + [pltpu.SemaphoreType.DMA] * (2 * DEPTH),
    )(_conv_body)
    return sc_degree, sc_conv



def _tc1_body(x_ref, w1_ref, part_ref, xw1s_ref, dinv_ref):
    ones = jnp.ones((NW, C), jnp.float32)
    dn = (((0,), (0,)), ((), ()))
    deg = lax.dot_general(part_ref[...], ones, dn,
                          preferred_element_type=jnp.float32) + 1.0
    dinv = lax.rsqrt(deg)
    xw = jnp.dot(x_ref[...], w1_ref[...], preferred_element_type=jnp.float32)
    xw1s_ref[...] = xw * dinv
    dinv_ref[...] = dinv


_tc1 = pl.pallas_call(
    _tc1_body,
    out_shape=(jax.ShapeDtypeStruct((N, C), jnp.float32),
               jax.ShapeDtypeStruct((N, C), jnp.float32)),
)


def _bn_relu(s, g, be):
    mu = jnp.mean(s, axis=0, keepdims=True)
    xc = s - mu
    var = jnp.mean(xc * xc, axis=0, keepdims=True)
    h = xc * lax.rsqrt(var + 1e-5) * g + be
    return jnp.maximum(h, 0.0)


def _tc2_body(p_ref, ts_ref, dinv_ref, b_ref, g_ref, be_ref, w_ref, out_ref):
    dinv = dinv_ref[...]
    s = (p_ref[...] + ts_ref[...]) * dinv + b_ref[...]
    h = _bn_relu(s, g_ref[...], be_ref[...])
    out_ref[...] = jnp.dot(h, w_ref[...],
                           preferred_element_type=jnp.float32) * dinv


_tc2 = pl.pallas_call(
    _tc2_body,
    out_shape=jax.ShapeDtypeStruct((N, C), jnp.float32),
)


def _tc3_body(p_ref, ts_ref, dinv_ref, b_ref, g_ref, be_ref, lo_ref, hi_ref,
              wl_ref, bl_ref, out_ref):
    s = (p_ref[...] + ts_ref[...]) * dinv_ref[...] + b_ref[...]
    h = _bn_relu(s, g_ref[...], be_ref[...])
    lo, hi = lo_ref[...], hi_ref[...]
    ii = lax.broadcasted_iota(jnp.int32, (N, NG), 0)
    m = ((ii >= lo) & (ii < hi)).astype(jnp.float32)
    cnt = (hi - lo).astype(jnp.float32)
    m = m * (1.0 / jnp.maximum(cnt, 1.0))
    dn = (((0,), (0,)), ((), ()))
    pooled = lax.dot_general(m, h, dn, preferred_element_type=jnp.float32)
    out_ref[...] = jnp.dot(pooled, wl_ref[...],
                           preferred_element_type=jnp.float32) + bl_ref[...]


_tc3 = pl.pallas_call(
    _tc3_body,
    out_shape=jax.ShapeDtypeStruct((NG, C), jnp.float32),
)



def kernel(x, edge_index, batch, W1, b1, g1, be1, W2, b2, g2, be2, Wl, bl):
    src = edge_index[0].astype(jnp.int32)
    dst = edge_index[1].astype(jnp.int32)
    off = jnp.arange(NC, dtype=jnp.int32)[:, None]
    src4 = (src[None, :] * 2 + off).reshape(NC, NS, NCHUNK, CHUNK)
    dst3 = dst.reshape(NS, NCHUNK, CHUNK)
    b32 = batch.astype(jnp.int32)
    g129 = jnp.arange(NG + 1, dtype=jnp.int32)
    lohi = jnp.sum((b32[:, None] < g129[None, :]).astype(jnp.int32), axis=0)
    lo = lohi[:NG].reshape(1, NG)
    hi = lohi[1:].reshape(1, NG)

    zeros = jnp.zeros((N, CH), jnp.float32)
    sc_degree, sc_conv = _sc_kernels()
    ei32 = edge_index.astype(jnp.int32)
    deg_part = sc_degree(ei32)
    xw1s, dinv = _tc1(x, W1, deg_part)
    p1 = sc_conv(xw1s.reshape(NC * N, CH), zeros, src4, dst3)
    xw2s = _tc2(p1, xw1s, dinv, b1, g1, be1, W2)
    p2 = sc_conv(xw2s.reshape(NC * N, CH), zeros, src4, dst3)
    return _tc3(p2, xw2s, dinv, b2, g2, be2, lo, hi, Wl, bl)

# --- scband reference (transcript-rebuilt; emitter-appended) ---
"""Pipeline reference for scband-gcn-53498112639197 (READ-ONLY COPY).

The authoritative reference and input builder live on the scoring server;
editing this copy changes nothing except your own understanding.
"""

import jax, jax.numpy as jnp
import numpy as np

N_NODES = 10000
N_EDGES = 320000
IN_C = 128
HID_C = 128
OUT_C = 128
N_GRAPHS = 128

def setup_inputs(seed: int = 0) -> dict:
    key = jax.random.key(seed)
    ks = jax.random.split(key, 12)
    x = jax.random.normal(ks[0], (N_NODES, IN_C), dtype=jnp.float32)
    edge_index = jax.random.randint(ks[1], (2, N_EDGES), 0, N_NODES, dtype=jnp.int64)
    batch = jnp.sort(jax.random.randint(ks[2], (N_NODES,), 0, N_GRAPHS, dtype=jnp.int64))
    s1 = 1.0 / np.sqrt(IN_C)
    s2 = 1.0 / np.sqrt(HID_C)
    W1 = jax.random.uniform(ks[3], (IN_C, HID_C), jnp.float32, -s1, s1)
    b1 = jnp.zeros((HID_C,), jnp.float32)
    g1 = jnp.ones((HID_C,), jnp.float32)
    be1 = jnp.zeros((HID_C,), jnp.float32)
    W2 = jax.random.uniform(ks[4], (HID_C, OUT_C), jnp.float32, -s2, s2)
    b2 = jnp.zeros((OUT_C,), jnp.float32)
    g2 = jnp.ones((OUT_C,), jnp.float32)
    be2 = jnp.zeros((OUT_C,), jnp.float32)
    Wl = jax.random.uniform(ks[5], (HID_C, OUT_C), jnp.float32, -s2, s2)
    bl = jax.random.uniform(ks[6], (OUT_C,), jnp.float32, -s2, s2)
    return {"x": x, "edge_index": edge_index, "batch": batch, "W1": W1, "b1": b1, "g1": g1, "be1": be1, "W2": W2, "b2": b2, "g2": g2, "be2": be2, "Wl": Wl, "bl": bl}

def _gcn_conv(x, src, dst, W, b, n):
    loop = jnp.arange(n, dtype=src.dtype)
    s = jnp.concatenate([src, loop])
    d = jnp.concatenate([dst, loop])
    xw = x @ W
    deg = jnp.zeros((n,), jnp.float32).at[d].add(1.0)
    dinv = jnp.where(deg > 0, jax.lax.rsqrt(deg), 0.0)
    norm = dinv[s] * dinv[d]
    msg = xw[s] * norm[:, None]
    out = jnp.zeros((n, W.shape[1]), jnp.float32).at[d].add(msg)
    return out + b

def _bn(x, g, b, eps=1e-5):
    mu = jnp.mean(x, axis=0)
    var = jnp.mean((x - mu) ** 2, axis=0)
    return (x - mu) * jax.lax.rsqrt(var + eps) * g + b

def reference(x, edge_index, batch, W1, b1, g1, be1, W2, b2, g2, be2, Wl, bl):
    n = x.shape[0]
    src, dst = edge_index[0], edge_index[1]
    h = _gcn_conv(x, src, dst, W1, b1, n)
    h = _bn(h, g1, be1)
    h = jax.nn.relu(h)
    h = _gcn_conv(h, src, dst, W2, b2, n)
    h = _bn(h, g2, be2)
    h = jax.nn.relu(h)
    sums = jax.ops.segment_sum(h, batch, num_segments=N_GRAPHS)
    cnt = jax.ops.segment_sum(jnp.ones((n,), jnp.float32), batch, num_segments=N_GRAPHS)
    pooled = sums / jnp.maximum(cnt, 1.0)[:, None]
    return pooled @ Wl + bl

if __name__ == "__main__":
    import jax
    _d = setup_inputs()
    print(jax.jit(kernel)(*tuple(_d.values())))

</pallas_src>

<mosaic_0001>
#map = affine_map<(d0, d1) -> (0, 0)>
#map1 = affine_map<(d0, d1) -> (0, 0, 0, 0)>
#map2 = affine_map<(d0, d1) -> (0, 0, 0)>
module attributes {stable_mosaic.version = 14 : i64} {
  func.func @_conv_body(%arg0: i32, %arg1: i32, %arg2: memref<20000x64xf32, #tpu.memory_space<hbm>>, %arg3: memref<10000x64xf32, #tpu.memory_space<hbm>>, %arg4: memref<2x16x160x125xi32, #tpu.memory_space<hbm>>, %arg5: memref<16x160x125xi32, #tpu.memory_space<hbm>>, %arg6: memref<10000x128xf32, #tpu.memory_space<hbm>>, %arg7: memref<160x125xi32, #tpu.memory_space<vmem>>, %arg8: memref<160x125xi32, #tpu.memory_space<vmem>>, %arg9: memref<125x64xf32, #tpu.memory_space<vmem>>, %arg10: memref<125x64xf32, #tpu.memory_space<vmem>>, %arg11: memref<125x64xf32, #tpu.memory_space<vmem>>, %arg12: memref<125x64xf32, #tpu.memory_space<vmem>>, %arg13: memref<125x64xf32, #tpu.memory_space<vmem>>, %arg14: memref<10000x64xf32, #tpu.memory_space<vmem_shared>>, %arg15: memref<!tpu.dma_semaphore, #tpu.memory_space<semaphore_mem>>, %arg16: memref<!tpu.dma_semaphore, #tpu.memory_space<semaphore_mem>>, %arg17: memref<!tpu.dma_semaphore, #tpu.memory_space<semaphore_mem>>, %arg18: memref<!tpu.dma_semaphore, #tpu.memory_space<semaphore_mem>>, %arg19: memref<!tpu.dma_semaphore, #tpu.memory_space<semaphore_mem>>, %arg20: memref<!tpu.dma_semaphore, #tpu.memory_space<semaphore_mem>>, %arg21: memref<!tpu.dma_semaphore, #tpu.memory_space<semaphore_mem>>, %arg22: memref<!tpu.dma_semaphore, #tpu.memory_space<semaphore_mem>>, %arg23: memref<!tpu.dma_semaphore, #tpu.memory_space<semaphore_mem>>, %arg24: memref<!tpu.dma_semaphore, #tpu.memory_space<semaphore_mem>>) attributes {dimension_semantics = [#tpu.dimension_semantics<core_parallel>, #tpu.dimension_semantics<subcore_parallel>], iteration_bounds = array<i64: 2, 16>, scalar_prefetch = 0 : i64, scratch_operands = 18 : i64, tpu.core_type = #tpu.core_type<sc_vector_subcore>, window_params = [{transform_indices = #map}, {transform_indices = #map}, {transform_indices = #map1}, {transform_indices = #map2}, {transform_indices = #map}]} {
    "tpu.region"() ({
      %run_scoped3A = tpu.sem_alloc : memref<!tpu.dma_semaphore, #tpu.memory_space<semaphore_mem>>
      %dma_start3A_155 = arith.constant 0 : i32
      %dma_start3A_156 = arith.constant 0 : i32
      %dma_start3A_157 = tpu.memref_slice %arg4[%arg0, %arg1, %dma_start3A_155, %dma_start3A_156] : memref<2x16x160x125xi32, #tpu.memory_space<hbm>> -> memref<1x1x160x125xi32, #tpu.memory_space<hbm>>
      %dma_start3A_158 = tpu.memref_squeeze %dma_start3A_157 : memref<1x1x160x125xi32, #tpu.memory_space<hbm>> -> memref<160x125xi32, #tpu.memory_space<hbm>>
      %dma_start3A_159 = arith.constant 0 : i32
      %dma_start3A_160 = arith.constant 0 : i32
      %dma_start3A_161 = tpu.memref_slice %arg4[%arg0, %arg1, %dma_start3A_159, %dma_start3A_160] : memref<2x16x160x125xi32, #tpu.memory_space<hbm>> -> memref<1x1x160x125xi32, #tpu.memory_space<hbm>>
      %dma_start3A_162 = tpu.memref_squeeze %dma_start3A_161 : memref<1x1x160x125xi32, #tpu.memory_space<hbm>> -> memref<160x125xi32, #tpu.memory_space<hbm>>
      tpu.enqueue_dma source(%dma_start3A_162 : memref<160x125xi32, #tpu.memory_space<hbm>>) target(%arg7 : memref<160x125xi32, #tpu.memory_space<vmem>>) target_semaphore(%run_scoped3A : memref<!tpu.dma_semaphore, #tpu.memory_space<semaphore_mem>>)
      %dma_wait3A_163 = arith.constant 0 : i32
      %dma_wait3A_164 = arith.constant 0 : i32
      %dma_wait3A_165 = tpu.memref_slice %arg4[%arg0, %arg1, %dma_wait3A_163, %dma_wait3A_164] : memref<2x16x160x125xi32, #tpu.memory_space<hbm>> -> memref<1x1x160x125xi32, #tpu.memory_space<hbm>>
      %dma_wait3A_166 = tpu.memref_squeeze %dma_wait3A_165 : memref<1x1x160x125xi32, #tpu.memory_space<hbm>> -> memref<160x125xi32, #tpu.memory_space<hbm>>
      %dma_wait3A_167 = arith.constant 0 : i32
      %dma_wait3A_168 = arith.constant 0 : i32
      %dma_wait3A_169 = tpu.memref_slice %arg4[%arg0, %arg1, %dma_wait3A_167, %dma_wait3A_168] : memref<2x16x160x125xi32, #tpu.memory_space<hbm>> -> memref<1x1x160x125xi32, #tpu.memory_space<hbm>>
      %dma_wait3A_170 = tpu.memref_squeeze %dma_wait3A_169 : memref<1x1x160x125xi32, #tpu.memory_space<hbm>> -> memref<160x125xi32, #tpu.memory_space<hbm>>
      tpu.wait_dma2 semaphore(%run_scoped3A : memref<!tpu.dma_semaphore, #tpu.memory_space<semaphore_mem>>) src(%dma_wait3A_170 : memref<160x125xi32, #tpu.memory_space<hbm>>) dst(%arg7 : memref<160x125xi32, #tpu.memory_space<vmem>>)
      tpu.yield
    }) : () -> ()
    "tpu.region"() ({
      %run_scoped3A = tpu.sem_alloc : memref<!tpu.dma_semaphore, #tpu.memory_space<semaphore_mem>>
      %dma_start3A_155 = arith.constant 0 : i32
      %dma_start3A_156 = arith.constant 0 : i32
      %dma_start3A_157 = tpu.memref_slice %arg5[%arg1, %dma_start3A_155, %dma_start3A_156] : memref<16x160x125xi32, #tpu.memory_space<hbm>> -> memref<1x160x125xi32, #tpu.memory_space<hbm>>
      %dma_start3A_158 = tpu.memref_squeeze %dma_start3A_157 : memref<1x160x125xi32, #tpu.memory_space<hbm>> -> memref<160x125xi32, #tpu.memory_space<hbm>>
      %dma_start3A_159 = arith.constant 0 : i32
      %dma_start3A_160 = arith.constant 0 : i32
      %dma_start3A_161 = tpu.memref_slice %arg5[%arg1, %dma_start3A_159, %dma_start3A_160] : memref<16x160x125xi32, #tpu.memory_space<hbm>> -> memref<1x160x125xi32, #tpu.memory_space<hbm>>
      %dma_start3A_162 = tpu.memref_squeeze %dma_start3A_161 : memref<1x160x125xi32, #tpu.memory_space<hbm>> -> memref<160x125xi32, #tpu.memory_space<hbm>>
      tpu.enqueue_dma source(%dma_start3A_162 : memref<160x125xi32, #tpu.memory_space<hbm>>) target(%arg8 : memref<160x125xi32, #tpu.memory_space<vmem>>) target_semaphore(%run_scoped3A : memref<!tpu.dma_semaphore, #tpu.memory_space<semaphore_mem>>)
      %dma_wait3A_163 = arith.constant 0 : i32
      %dma_wait3A_164 = arith.constant 0 : i32
      %dma_wait3A_165 = tpu.memref_slice %arg5[%arg1, %dma_wait3A_163, %dma_wait3A_164] : memref<16x160x125xi32, #tpu.memory_space<hbm>> -> memref<1x160x125xi32, #tpu.memory_space<hbm>>
      %dma_wait3A_166 = tpu.memref_squeeze %dma_wait3A_165 : memref<1x160x125xi32, #tpu.memory_space<hbm>> -> memref<160x125xi32, #tpu.memory_space<hbm>>
      %dma_wait3A_167 = arith.constant 0 : i32
      %dma_wait3A_168 = arith.constant 0 : i32
      %dma_wait3A_169 = tpu.memref_slice %arg5[%arg1, %dma_wait3A_167, %dma_wait3A_168] : memref<16x160x125xi32, #tpu.memory_space<hbm>> -> memref<1x160x125xi32, #tpu.memory_space<hbm>>
      %dma_wait3A_170 = tpu.memref_squeeze %dma_wait3A_169 : memref<1x160x125xi32, #tpu.memory_space<hbm>> -> memref<160x125xi32, #tpu.memory_space<hbm>>
      tpu.wait_dma2 semaphore(%run_scoped3A : memref<!tpu.dma_semaphore, #tpu.memory_space<semaphore_mem>>) src(%dma_wait3A_170 : memref<160x125xi32, #tpu.memory_space<hbm>>) dst(%arg8 : memref<160x125xi32, #tpu.memory_space<vmem>>)
      tpu.yield
    }) : () -> ()
    %mul3A = arith.constant 624 : i32
    %mul3A_0 = arith.muli %arg1, %mul3A : i32
    "tpu.region"() ({
      %run_scoped3A = tpu.sem_alloc : memref<!tpu.dma_semaphore, #tpu.memory_space<semaphore_mem>>
      %dma_start3A_155 = arith.constant 0 : i32
      %dma_start3A_156 = tpu.memref_slice %arg14[%mul3A_0, %dma_start3A_155] : memref<10000x64xf32, #tpu.memory_space<vmem_shared>> -> memref<624x64xf32, #tpu.memory_space<vmem_shared>>
      %dma_start3A_157 = arith.constant 0 : i32
      %dma_start3A_158 = tpu.memref_slice %arg3[%mul3A_0, %dma_start3A_157] : memref<10000x64xf32, #tpu.memory_space<hbm>> -> memref<624x64xf32, #tpu.memory_space<hbm>>
      tpu.enqueue_dma source(%dma_start3A_158 : memref<624x64xf32, #tpu.memory_space<hbm>>) target(%dma_start3A_156 : memref<624x64xf32, #tpu.memory_space<vmem_shared>>) target_semaphore(%run_scoped3A : memref<!tpu.dma_semaphore, #tpu.memory_space<semaphore_mem>>)
      %dma_wait3A_159 = arith.constant 0 : i32
      %dma_wait3A_160 = tpu.memref_slice %arg14[%mul3A_0, %dma_wait3A_159] : memref<10000x64xf32, #tpu.memory_space<vmem_shared>> -> memref<624x64xf32, #tpu.memory_space<vmem_shared>>
      %dma_wait3A_161 = arith.constant 0 : i32
      %dma_wait3A_162 = tpu.memref_slice %arg3[%mul3A_0, %dma_wait3A_161] : memref<10000x64xf32, #tpu.memory_space<hbm>> -> memref<624x64xf32, #tpu.memory_space<hbm>>
      tpu.wait_dma2 semaphore(%run_scoped3A : memref<!tpu.dma_semaphore, #tpu.memory_space<semaphore_mem>>) src(%dma_wait3A_162 : memref<624x64xf32, #tpu.memory_space<hbm>>) dst(%dma_wait3A_160 : memref<624x64xf32, #tpu.memory_space<vmem_shared>>)
      tpu.yield
    }) : () -> ()
    %eq3A = arith.constant 15 : i32
    %eq3A_1 = arith.cmpi eq, %arg1, %eq3A : i32
    %convert_element_type3A = arith.extui %eq3A_1 : i1 to i32
    %cond3A = arith.constant 0 : i32
    %cond3A_2 = arith.cmpi ne, %convert_element_type3A, %cond3A : i32
    scf.if %cond3A_2 {
      "tpu.region"() ({
        %run_scoped3A = tpu.sem_alloc : memref<!tpu.dma_semaphore, #tpu.memory_space<semaphore_mem>>
        %dma_start3A_155 = arith.constant 9984 : i32
        %dma_start3A_156 = arith.constant 0 : i32
        %dma_start3A_157 = tpu.memref_slice %arg14[%dma_start3A_155, %dma_start3A_156] : memref<10000x64xf32, #tpu.memory_space<vmem_shared>> -> memref<16x64xf32, #tpu.memory_space<vmem_shared>>
        %dma_start3A_158 = arith.constant 9984 : i32
        %dma_start3A_159 = arith.constant 0 : i32
        %dma_start3A_160 = tpu.memref_slice %arg3[%dma_start3A_158, %dma_start3A_159] : memref<10000x64xf32, #tpu.memory_space<hbm>> -> memref<16x64xf32, #tpu.memory_space<hbm>>
        tpu.enqueue_dma source(%dma_start3A_160 : memref<16x64xf32, #tpu.memory_space<hbm>>) target(%dma_start3A_157 : memref<16x64xf32, #tpu.memory_space<vmem_shared>>) target_semaphore(%run_scoped3A : memref<!tpu.dma_semaphore, #tpu.memory_space<semaphore_mem>>)
        %dma_wait3A_161 = arith.constant 9984 : i32
        %dma_wait3A_162 = arith.constant 0 : i32
        %dma_wait3A_163 = tpu.memref_slice %arg14[%dma_wait3A_161, %dma_wait3A_162] : memref<10000x64xf32, #tpu.memory_space<vmem_shared>> -> memref<16x64xf32, #tpu.memory_space<vmem_shared>>
        %dma_wait3A_164 = arith.constant 9984 : i32
        %dma_wait3A_165 = arith.constant 0 : i32
        %dma_wait3A_166 = tpu.memref_slice %arg3[%dma_wait3A_164, %dma_wait3A_165] : memref<10000x64xf32, #tpu.memory_space<hbm>> -> memref<16x64xf32, #tpu.memory_space<hbm>>
        tpu.wait_dma2 semaphore(%run_scoped3A : memref<!tpu.dma_semaphore, #tpu.memory_space<semaphore_mem>>) src(%dma_wait3A_166 : memref<16x64xf32, #tpu.memory_space<hbm>>) dst(%dma_wait3A_163 : memref<16x64xf32, #tpu.memory_space<vmem_shared>>)
        tpu.yield
      }) : () -> ()
    } else {
    }
    %barrier3A = arith.constant 0 : index
    tpu.barrier barrier_id(%barrier3A)
    %dma_start3A = arith.constant 0 : i32
    %dma_start3A_3 = arith.constant 0 : i32
    %dma_start3A_4 = tpu.memref_slice %arg7[%dma_start3A, %dma_start3A_3] : memref<160x125xi32, #tpu.memory_space<vmem>> -> memref<1x125xi32, #tpu.memory_space<vmem>>
    %dma_start3A_5 = tpu.memref_squeeze %dma_start3A_4 : memref<1x125xi32, #tpu.memory_space<vmem>> -> memref<125xi32, #tpu.memory_space<vmem>>
    %dma_start3A_6 = arith.constant 0 : i32
    %dma_start3A_7 = arith.constant 0 : i32
    %dma_start3A_8 = tpu.memref_slice %arg2[%dma_start3A_6, %dma_start3A_7] : memref<20000x64xf32, #tpu.memory_space<hbm>> -> memref<20000x64xf32, #tpu.memory_space<hbm>>
    tpu.enqueue_indirect_dma source(%dma_start3A_8 : memref<20000x64xf32, #tpu.memory_space<hbm>>) target(%arg9 : memref<125x64xf32, #tpu.memory_space<vmem>>) offsets(%dma_start3A_5 : memref<125xi32, #tpu.memory_space<vmem>>) semaphore(%arg15 : memref<!tpu.dma_semaphore, #tpu.memory_space<semaphore_mem>>)
    %dma_start3A_9 = arith.constant 1 : i32
    %dma_start3A_10 = arith.constant 0 : i32
    %dma_start3A_11 = tpu.memref_slice %arg7[%dma_start3A_9, %dma_start3A_10] : memref<160x125xi32, #tpu.memory_space<vmem>> -> memref<1x125xi32, #tpu.memory_space<vmem>>
    %dma_start3A_12 = tpu.memref_squeeze %dma_start3A_11 : memref<1x125xi32, #tpu.memory_space<vmem>> -> memref<125xi32, #tpu.memory_space<vmem>>
    %dma_start3A_13 = arith.constant 0 : i32
    %dma_start3A_14 = arith.constant 0 : i32
    %dma_start3A_15 = tpu.memref_slice %arg2[%dma_start3A_13, %dma_start3A_14] : memref<20000x64xf32, #tpu.memory_space<hbm>> -> memref<20000x64xf32, #tpu.memory_space<hbm>>
    tpu.enqueue_indirect_dma source(%dma_start3A_15 : memref<20000x64xf32, #tpu.memory_space<hbm>>) target(%arg10 : memref<125x64xf32, #tpu.memory_space<vmem>>) offsets(%dma_start3A_12 : memref<125xi32, #tpu.memory_space<vmem>>) semaphore(%arg16 : memref<!tpu.dma_semaphore, #tpu.memory_space<semaphore_mem>>)
    %dma_start3A_16 = arith.constant 2 : i32
    %dma_start3A_17 = arith.constant 0 : i32
    %dma_start3A_18 = tpu.memref_slice %arg7[%dma_start3A_16, %dma_start3A_17] : memref<160x125xi32, #tpu.memory_space<vmem>> -> memref<1x125xi32, #tpu.memory_space<vmem>>
    %dma_start3A_19 = tpu.memref_squeeze %dma_start3A_18 : memref<1x125xi32, #tpu.memory_space<vmem>> -> memref<125xi32, #tpu.memory_space<vmem>>
    %dma_start3A_20 = arith.constant 0 : i32
    %dma_start3A_21 = arith.constant 0 : i32
    %dma_start3A_22 = tpu.memref_slice %arg2[%dma_start3A_20, %dma_start3A_21] : memref<20000x64xf32, #tpu.memory_space<hbm>> -> memref<20000x64xf32, #tpu.memory_space<hbm>>
    tpu.enqueue_indirect_dma source(%dma_start3A_22 : memref<20000x64xf32, #tpu.memory_space<hbm>>) target(%arg11 : memref<125x64xf32, #tpu.memory_space<vmem>>) offsets(%dma_start3A_19 : memref<125xi32, #tpu.memory_space<vmem>>) semaphore(%arg17 : memref<!tpu.dma_semaphore, #tpu.memory_space<semaphore_mem>>)
    %dma_start3A_23 = arith.constant 3 : i32
    %dma_start3A_24 = arith.constant 0 : i32
    %dma_start3A_25 = tpu.memref_slice %arg7[%dma_start3A_23, %dma_start3A_24] : memref<160x125xi32, #tpu.memory_space<vmem>> -> memref<1x125xi32, #tpu.memory_space<vmem>>
    %dma_start3A_26 = tpu.memref_squeeze %dma_start3A_25 : memref<1x125xi32, #tpu.memory_space<vmem>> -> memref<125xi32, #tpu.memory_space<vmem>>
    %dma_start3A_27 = arith.constant 0 : i32
    %dma_start3A_28 = arith.constant 0 : i32
    %dma_start3A_29 = tpu.memref_slice %arg2[%dma_start3A_27, %dma_start3A_28] : memref<20000x64xf32, #tpu.memory_space<hbm>> -> memref<20000x64xf32, #tpu.memory_space<hbm>>
    tpu.enqueue_indirect_dma source(%dma_start3A_29 : memref<20000x64xf32, #tpu.memory_space<hbm>>) target(%arg12 : memref<125x64xf32, #tpu.memory_space<vmem>>) offsets(%dma_start3A_26 : memref<125xi32, #tpu.memory_space<vmem>>) semaphore(%arg18 : memref<!tpu.dma_semaphore, #tpu.memory_space<semaphore_mem>>)
    %dma_start3A_30 = arith.constant 4 : i32
    %dma_start3A_31 = arith.constant 0 : i32
    %dma_start3A_32 = tpu.memref_slice %arg7[%dma_start3A_30, %dma_start3A_31] : memref<160x125xi32, #tpu.memory_space<vmem>> -> memref<1x125xi32, #tpu.memory_space<vmem>>
    %dma_start3A_33 = tpu.memref_squeeze %dma_start3A_32 : memref<1x125xi32, #tpu.memory_space<vmem>> -> memref<125xi32, #tpu.memory_space<vmem>>
    %dma_start3A_34 = arith.constant 0 : i32
    %dma_start3A_35 = arith.constant 0 : i32
    %dma_start3A_36 = tpu.memref_slice %arg2[%dma_start3A_34, %dma_start3A_35] : memref<20000x64xf32, #tpu.memory_space<hbm>> -> memref<20000x64xf32, #tpu.memory_space<hbm>>
    tpu.enqueue_indirect_dma source(%dma_start3A_36 : memref<20000x64xf32, #tpu.memory_space<hbm>>) target(%arg13 : memref<125x64xf32, #tpu.memory_space<vmem>>) offsets(%dma_start3A_33 : memref<125xi32, #tpu.memory_space<vmem>>) semaphore(%arg19 : memref<!tpu.dma_semaphore, #tpu.memory_space<semaphore_mem>>)
    %dma_wait3A = arith.constant 0 : i32
    %dma_wait3A_37 = arith.constant 0 : i32
    %dma_wait3A_38 = tpu.memref_slice %arg7[%dma_wait3A, %dma_wait3A_37] : memref<160x125xi32, #tpu.memory_space<vmem>> -> memref<1x125xi32, #tpu.memory_space<vmem>>
    %dma_wait3A_39 = tpu.memref_squeeze %dma_wait3A_38 : memref<1x125xi32, #tpu.memory_space<vmem>> -> memref<125xi32, #tpu.memory_space<vmem>>
    %dma_wait3A_40 = arith.constant 0 : i32
    %dma_wait3A_41 = arith.constant 0 : i32
    %dma_wait3A_42 = tpu.memref_slice %arg2[%dma_wait3A_40, %dma_wait3A_41] : memref<20000x64xf32, #tpu.memory_space<hbm>> -> memref<20000x64xf32, #tpu.memory_space<hbm>>
    tpu.wait_indirect_dma semaphore(%arg15 : memref<!tpu.dma_semaphore, #tpu.memory_space<semaphore_mem>>) src(%dma_wait3A_42 : memref<20000x64xf32, #tpu.memory_space<hbm>>) dst(%arg9 : memref<125x64xf32, #tpu.memory_space<vmem>>)
    %dma_start3A_43 = arith.constant 0 : i32
    %dma_start3A_44 = arith.constant 0 : i32
    %dma_start3A_45 = tpu.memref_slice %arg8[%dma_start3A_43, %dma_start3A_44] : memref<160x125xi32, #tpu.memory_space<vmem>> -> memref<1x125xi32, #tpu.memory_space<vmem>>
    %dma_start3A_46 = tpu.memref_squeeze %dma_start3A_45 : memref<1x125xi32, #tpu.memory_space<vmem>> -> memref<125xi32, #tpu.memory_space<vmem>>
    %dma_start3A_47 = arith.constant 0 : i32
    %dma_start3A_48 = arith.constant 0 : i32
    %dma_start3A_49 = tpu.memref_slice %arg14[%dma_start3A_47, %dma_start3A_48] : memref<10000x64xf32, #tpu.memory_space<vmem_shared>> -> memref<10000x64xf32, #tpu.memory_space<vmem_shared>>
    tpu.enqueue_indirect_dma source(%arg9 : memref<125x64xf32, #tpu.memory_space<vmem>>) target(%dma_start3A_49 : memref<10000x64xf32, #tpu.memory_space<vmem_shared>>) offsets(%dma_start3A_46 : memref<125xi32, #tpu.memory_space<vmem>>) semaphore(%arg20 : memref<!tpu.dma_semaphore, #tpu.memory_space<semaphore_mem>>) {add = true}
    %scan3A = arith.constant 0 : i32
    %scan3A_50 = arith.constant 1 : i32
    %scan3A_51 = arith.constant 31 : i32
    %scan3A_52 = arith.addi %scan3A_50, %scan3A_51 : i32
    %scan3A_53 = arith.constant 1 : i32
    %scan3A_54 = scf.for %scan3A_155 = %scan3A_50 to %scan3A_52 step %scan3A_53 iter_args(%scan3A_156 = %scan3A) -> (i32)  : i32 {
      %mul3A_157 = arith.constant 5 : i32
      %mul3A_158 = arith.muli %mul3A_157, %scan3A_155 : i32
      %add3A = arith.constant 0 : i32
      %add3A_159 = arith.addi %mul3A_158, %add3A : i32
      %dma_wait3A_160 = arith.constant 0 : i32
      %dma_wait3A_161 = arith.constant 0 : i32
      %dma_wait3A_162 = tpu.memref_slice %arg8[%dma_wait3A_160, %dma_wait3A_161] : memref<160x125xi32, #tpu.memory_space<vmem>> -> memref<1x125xi32, #tpu.memory_space<vmem>>
      %dma_wait3A_163 = tpu.memref_squeeze %dma_wait3A_162 : memref<1x125xi32, #tpu.memory_space<vmem>> -> memref<125xi32, #tpu.memory_space<vmem>>
      %dma_wait3A_164 = arith.constant 0 : i32
      %dma_wait3A_165 = arith.constant 0 : i32
      %dma_wait3A_166 = tpu.memref_slice %arg14[%dma_wait3A_164, %dma_wait3A_165] : memref<10000x64xf32, #tpu.memory_space<vmem_shared>> -> memref<10000x64xf32, #tpu.memory_space<vmem_shared>>
      tpu.wait_indirect_dma semaphore(%arg20 : memref<!tpu.dma_semaphore, #tpu.memory_space<semaphore_mem>>) src(%arg9 : memref<125x64xf32, #tpu.memory_space<vmem>>) dst(%dma_wait3A_166 : memref<10000x64xf32, #tpu.memory_space<vmem_shared>>)
      %dma_start3A_167 = arith.constant 0 : i32
      %dma_start3A_168 = tpu.memref_slice %arg7[%add3A_159, %dma_start3A_167] : memref<160x125xi32, #tpu.memory_space<vmem>> -> memref<1x125xi32, #tpu.memory_space<vmem>>
      %dma_start3A_169 = tpu.memref_squeeze %dma_start3A_168 : memref<1x125xi32, #tpu.memory_space<vmem>> -> memref<125xi32, #tpu.memory_space<vmem>>
      %dma_start3A_170 = arith.constant 0 : i32
      %dma_start3A_171 = arith.constant 0 : i32
      %dma_start3A_172 = tpu.memref_slice %arg2[%dma_start3A_170, %dma_start3A_171] : memref<20000x64xf32, #tpu.memory_space<hbm>> -> memref<20000x64xf32, #tpu.memory_space<hbm>>
      tpu.enqueue_indirect_dma source(%dma_start3A_172 : memref<20000x64xf32, #tpu.memory_space<hbm>>) target(%arg9 : memref<125x64xf32, #tpu.memory_space<vmem>>) offsets(%dma_start3A_169 : memref<125xi32, #tpu.memory_space<vmem>>) semaphore(%arg15 : memref<!tpu.dma_semaphore, #tpu.memory_space<semaphore_mem>>)
      %dma_wait3A_173 = arith.constant 0 : i32
      %dma_wait3A_174 = arith.constant 0 : i32
      %dma_wait3A_175 = tpu.memref_slice %arg7[%dma_wait3A_173, %dma_wait3A_174] : memref<160x125xi32, #tpu.memory_space<vmem>> -> memref<1x125xi32, #tpu.memory_space<vmem>>
      %dma_wait3A_176 = tpu.memref_squeeze %dma_wait3A_175 : memref<1x125xi32, #tpu.memory_space<vmem>> -> memref<125xi32, #tpu.memory_space<vmem>>
      %dma_wait3A_177 = arith.constant 0 : i32
      %dma_wait3A_178 = arith.constant 0 : i32
      %dma_wait3A_179 = tpu.memref_slice %arg2[%dma_wait3A_177, %dma_wait3A_178] : memref<20000x64xf32, #tpu.memory_space<hbm>> -> memref<20000x64xf32, #tpu.memory_space<hbm>>
      tpu.wait_indirect_dma semaphore(%arg16 : memref<!tpu.dma_semaphore, #tpu.memory_space<semaphore_mem>>) src(%dma_wait3A_179 : memref<20000x64xf32, #tpu.memory_space<hbm>>) dst(%arg10 : memref<125x64xf32, #tpu.memory_space<vmem>>)
      %sub3A = arith.constant 4 : i32
      %sub3A_180 = arith.subi %add3A_159, %sub3A : i32
      %dma_start3A_181 = arith.constant 0 : i32
      %dma_start3A_182 = tpu.memref_slice %arg8[%sub3A_180, %dma_start3A_181] : memref<160x125xi32, #tpu.memory_space<vmem>> -> memref<1x125xi32, #tpu.memory_space<vmem>>
      %dma_start3A_183 = tpu.memref_squeeze %dma_start3A_182 : memref<1x125xi32, #tpu.memory_space<vmem>> -> memref<125xi32, #tpu.memory_space<vmem>>
      %dma_start3A_184 = arith.constant 0 : i32
      %dma_start3A_185 = arith.constant 0 : i32
      %dma_start3A_186 = tpu.memref_slice %arg14[%dma_start3A_184, %dma_start3A_185] : memref<10000x64xf32, #tpu.memory_space<vmem_shared>> -> memref<10000x64xf32, #tpu.memory_space<vmem_shared>>
      tpu.enqueue_indirect_dma source(%arg10 : memref<125x64xf32, #tpu.memory_space<vmem>>) target(%dma_start3A_186 : memref<10000x64xf32, #tpu.memory_space<vmem_shared>>) offsets(%dma_start3A_183 : memref<125xi32, #tpu.memory_space<vmem>>) semaphore(%arg21 : memref<!tpu.dma_semaphore, #tpu.memory_space<semaphore_mem>>) {add = true}
      %mul3A_187 = arith.constant 5 : i32
      %mul3A_188 = arith.muli %mul3A_187, %scan3A_155 : i32
      %add3A_189 = arith.constant 1 : i32
      %add3A_190 = arith.addi %mul3A_188, %add3A_189 : i32
      %dma_wait3A_191 = arith.constant 0 : i32
      %dma_wait3A_192 = arith.constant 0 : i32
      %dma_wait3A_193 = tpu.memref_slice %arg8[%dma_wait3A_191, %dma_wait3A_192] : memref<160x125xi32, #tpu.memory_space<vmem>> -> memref<1x125xi32, #tpu.memory_space<vmem>>
      %dma_wait3A_194 = tpu.memref_squeeze %dma_wait3A_193 : memref<1x125xi32, #tpu.memory_space<vmem>> -> memref<125xi32, #tpu.memory_space<vmem>>
      %dma_wait3A_195 = arith.constant 0 : i32
      %dma_wait3A_196 = arith.constant 0 : i32
      %dma_wait3A_197 = tpu.memref_slice %arg14[%dma_wait3A_195, %dma_wait3A_196] : memref<10000x64xf32, #tpu.memory_space<vmem_shared>> -> memref<10000x64xf32, #tpu.memory_space<vmem_shared>>
      tpu.wait_indirect_dma semaphore(%arg21 : memref<!tpu.dma_semaphore, #tpu.memory_space<semaphore_mem>>) src(%arg10 : memref<125x64xf32, #tpu.memory_space<vmem>>) dst(%dma_wait3A_197 : memref<10000x64xf32, #tpu.memory_space<vmem_shared>>)
      %dma_start3A_198 = arith.constant 0 : i32
      %dma_start3A_199 = tpu.memref_slice %arg7[%add3A_190, %dma_start3A_198] : memref<160x125xi32, #tpu.memory_space<vmem>> -> memref<1x125xi32, #tpu.memory_space<vmem>>
      %dma_start3A_200 = tpu.memref_squeeze %dma_start3A_199 : memref<1x125xi32, #tpu.memory_space<vmem>> -> memref<125xi32, #tpu.memory_space<vmem>>
      %dma_start3A_201 = arith.constant 0 : i32
      %dma_start3A_202 = arith.constant 0 : i32
      %dma_start3A_203 = tpu.memref_slice %arg2[%dma_start3A_201, %dma_start3A_202] : memref<20000x64xf32, #tpu.memory_space<hbm>> -> memref<20000x64xf32, #tpu.memory_space<hbm>>
      tpu.enqueue_indirect_dma source(%dma_start3A_203 : memref<20000x64xf32, #tpu.memory_space<hbm>>) target(%arg10 : memref<125x64xf32, #tpu.memory_space<vmem>>) offsets(%dma_start3A_200 : memref<125xi32, #tpu.memory_space<vmem>>) semaphore(%arg16 : memref<!tpu.dma_semaphore, #tpu.memory_space<semaphore_mem>>)
      %dma_wait3A_204 = arith.constant 0 : i32
      %dma_wait3A_205 = arith.constant 0 : i32
      %dma_wait3A_206 = tpu.memref_slice %arg7[%dma_wait3A_204, %dma_wait3A_205] : memref<160x125xi32, #tpu.memory_space<vmem>> -> memref<1x125xi32, #tpu.memory_space<vmem>>
      %dma_wait3A_207 = tpu.memref_squeeze %dma_wait3A_206 : memref<1x125xi32, #tpu.memory_space<vmem>> -> memref<125xi32, #tpu.memory_space<vmem>>
      %dma_wait3A_208 = arith.constant 0 : i32
      %dma_wait3A_209 = arith.constant 0 : i32
      %dma_wait3A_210 = tpu.memref_slice %arg2[%dma_wait3A_208, %dma_wait3A_209] : memref<20000x64xf32, #tpu.memory_space<hbm>> -> memref<20000x64xf32, #tpu.memory_space<hbm>>
      tpu.wait_indirect_dma semaphore(%arg17 : memref<!tpu.dma_semaphore, #tpu.memory_space<semaphore_mem>>) src(%dma_wait3A_210 : memref<20000x64xf32, #tpu.memory_space<hbm>>) dst(%arg11 : memref<125x64xf32, #tpu.memory_space<vmem>>)
      %sub3A_211 = arith.constant 4 : i32
      %sub3A_212 = arith.subi %add3A_190, %sub3A_211 : i32
      %dma_start3A_213 = arith.constant 0 : i32
      %dma_start3A_214 = tpu.memref_slice %arg8[%sub3A_212, %dma_start3A_213] : memref<160x125xi32, #tpu.memory_space<vmem>> -> memref<1x125xi32, #tpu.memory_space<vmem>>
      %dma_start3A_215 = tpu.memref_squeeze %dma_start3A_214 : memref<1x125xi32, #tpu.memory_space<vmem>> -> memref<125xi32, #tpu.memory_space<vmem>>
      %dma_start3A_216 = arith.constant 0 : i32
      %dma_start3A_217 = arith.constant 0 : i32
      %dma_start3A_218 = tpu.memref_slice %arg14[%dma_start3A_216, %dma_start3A_217] : memref<10000x64xf32, #tpu.memory_space<vmem_shared>> -> memref<10000x64xf32, #tpu.memory_space<vmem_shared>>
      tpu.enqueue_indirect_dma source(%arg11 : memref<125x64xf32, #tpu.memory_space<vmem>>) target(%dma_start3A_218 : memref<10000x64xf32, #tpu.memory_space<vmem_shared>>) offsets(%dma_start3A_215 : memref<125xi32, #tpu.memory_space<vmem>>) semaphore(%arg22 : memref<!tpu.dma_semaphore, #tpu.memory_space<semaphore_mem>>) {add = true}
      %mul3A_219 = arith.constant 5 : i32
      %mul3A_220 = arith.muli %mul3A_219, %scan3A_155 : i32
      %add3A_221 = arith.constant 2 : i32
      %add3A_222 = arith.addi %mul3A_220, %add3A_221 : i32
      %dma_wait3A_223 = arith.constant 0 : i32
      %dma_wait3A_224 = arith.constant 0 : i32
      %dma_wait3A_225 = tpu.memref_slice %arg8[%dma_wait3A_223, %dma_wait3A_224] : memref<160x125xi32, #tpu.memory_space<vmem>> -> memref<1x125xi32, #tpu.memory_space<vmem>>
      %dma_wait3A_226 = tpu.memref_squeeze %dma_wait3A_225 : memref<1x125xi32, #tpu.memory_space<vmem>> -> memref<125xi32, #tpu.memory_space<vmem>>
      %dma_wait3A_227 = arith.constant 0 : i32
      %dma_wait3A_228 = arith.constant 0 : i32
      %dma_wait3A_229 = tpu.memref_slice %arg14[%dma_wait3A_227, %dma_wait3A_228] : memref<10000x64xf32, #tpu.memory_space<vmem_shared>> -> memref<10000x64xf32, #tpu.memory_space<vmem_shared>>
      tpu.wait_indirect_dma semaphore(%arg22 : memref<!tpu.dma_semaphore, #tpu.memory_space<semaphore_mem>>) src(%arg11 : memref<125x64xf32, #tpu.memory_space<vmem>>) dst(%dma_wait3A_229 : memref<10000x64xf32, #tpu.memory_space<vmem_shared>>)
      %dma_start3A_230 = arith.constant 0 : i32
      %dma_start3A_231 = tpu.memref_slice %arg7[%add3A_222, %dma_start3A_230] : memref<160x125xi32, #tpu.memory_space<vmem>> -> memref<1x125xi32, #tpu.memory_space<vmem>>
      %dma_start3A_232 = tpu.memref_squeeze %dma_start3A_231 : memref<1x125xi32, #tpu.memory_space<vmem>> -> memref<125xi32, #tpu.memory_space<vmem>>
      %dma_start3A_233 = arith.constant 0 : i32
      %dma_start3A_234 = arith.constant 0 : i32
      %dma_start3A_235 = tpu.memref_slice %arg2[%dma_start3A_233, %dma_start3A_234] : memref<20000x64xf32, #tpu.memory_space<hbm>> -> memref<20000x64xf32, #tpu.memory_space<hbm>>
      tpu.enqueue_indirect_dma source(%dma_start3A_235 : memref<20000x64xf32, #tpu.memory_space<hbm>>) target(%arg11 : memref<125x64xf32, #tpu.memory_space<vmem>>) offsets(%dma_start3A_232 : memref<125xi32, #tpu.memory_space<vmem>>) semaphore(%arg17 : memref<!tpu.dma_semaphore, #tpu.memory_space<semaphore_mem>>)
      %dma_wait3A_236 = arith.constant 0 : i32
      %dma_wait3A_237 = arith.constant 0 : i32
      %dma_wait3A_238 = tpu.memref_slice %arg7[%dma_wait3A_236, %dma_wait3A_237] : memref<160x125xi32, #tpu.memory_space<vmem>> -> memref<1x125xi32, #tpu.memory_space<vmem>>
      %dma_wait3A_239 = tpu.memref_squeeze %dma_wait3A_238 : memref<1x125xi32, #tpu.memory_space<vmem>> -> memref<125xi32, #tpu.memory_space<vmem>>
      %dma_wait3A_240 = arith.constant 0 : i32
      %dma_wait3A_241 = arith.constant 0 : i32
      %dma_wait3A_242 = tpu.memref_slice %arg2[%dma_wait3A_240, %dma_wait3A_241] : memref<20000x64xf32, #tpu.memory_space<hbm>> -> memref<20000x64xf32, #tpu.memory_space<hbm>>
      tpu.wait_indirect_dma semaphore(%arg18 : memref<!tpu.dma_semaphore, #tpu.memory_space<semaphore_mem>>) src(%dma_wait3A_242 : memref<20000x64xf32, #tpu.memory_space<hbm>>) dst(%arg12 : memref<125x64xf32, #tpu.memory_space<vmem>>)
      %sub3A_243 = arith.constant 4 : i32
      %sub3A_244 = arith.subi %add3A_222, %sub3A_243 : i32
      %dma_start3A_245 = arith.constant 0 : i32
      %dma_start3A_246 = tpu.memref_slice %arg8[%sub3A_244, %dma_start3A_245] : memref<160x125xi32, #tpu.memory_space<vmem>> -> memref<1x125xi32, #tpu.memory_space<vmem>>
      %dma_start3A_247 = tpu.memref_squeeze %dma_start3A_246 : memref<1x125xi32, #tpu.memory_space<vmem>> -> memref<125xi32, #tpu.memory_space<vmem>>
      %dma_start3A_248 = arith.constant 0 : i32
      %dma_start3A_249 = arith.constant 0 : i32
      %dma_start3A_250 = tpu.memref_slice %arg14[%dma_start3A_248, %dma_start3A_249] : memref<10000x64xf32, #tpu.memory_space<vmem_shared>> -> memref<10000x64xf32, #tpu.memory_space<vmem_shared>>
      tpu.enqueue_indirect_dma source(%arg12 : memref<125x64xf32, #tpu.memory_space<vmem>>) target(%dma_start3A_250 : memref<10000x64xf32, #tpu.memory_space<vmem_shared>>) offsets(%dma_start3A_247 : memref<125xi32, #tpu.memory_space<vmem>>) semaphore(%arg23 : memref<!tpu.dma_semaphore, #tpu.memory_space<semaphore_mem>>) {add = true}
      %mul3A_251 = arith.constant 5 : i32
      %mul3A_252 = arith.muli %mul3A_251, %scan3A_155 : i32
      %add3A_253 = arith.constant 3 : i32
      %add3A_254 = arith.addi %mul3A_252, %add3A_253 : i32
      %dma_wait3A_255 = arith.constant 0 : i32
      %dma_wait3A_256 = arith.constant 0 : i32
      %dma_wait3A_257 = tpu.memref_slice %arg8[%dma_wait3A_255, %dma_wait3A_256] : memref<160x125xi32, #tpu.memory_space<vmem>> -> memref<1x125xi32, #tpu.memory_space<vmem>>
      %dma_wait3A_258 = tpu.memref_squeeze %dma_wait3A_257 : memref<1x125xi32, #tpu.memory_space<vmem>> -> memref<125xi32, #tpu.memory_space<vmem>>
      %dma_wait3A_259 = arith.constant 0 : i32
      %dma_wait3A_260 = arith.constant 0 : i32
      %dma_wait3A_261 = tpu.memref_slice %arg14[%dma_wait3A_259, %dma_wait3A_260] : memref<10000x64xf32, #tpu.memory_space<vmem_shared>> -> memref<10000x64xf32, #tpu.memory_space<vmem_shared>>
      tpu.wait_indirect_dma semaphore(%arg23 : memref<!tpu.dma_semaphore, #tpu.memory_space<semaphore_mem>>) src(%arg12 : memref<125x64xf32, #tpu.memory_space<vmem>>) dst(%dma_wait3A_261 : memref<10000x64xf32, #tpu.memory_space<vmem_shared>>)
      %dma_start3A_262 = arith.constant 0 : i32
      %dma_start3A_263 = tpu.memref_slice %arg7[%add3A_254, %dma_start3A_262] : memref<160x125xi32, #tpu.memory_space<vmem>> -> memref<1x125xi32, #tpu.memory_space<vmem>>
      %dma_start3A_264 = tpu.memref_squeeze %dma_start3A_263 : memref<1x125xi32, #tpu.memory_space<vmem>> -> memref<125xi32, #tpu.memory_space<vmem>>
      %dma_start3A_265 = arith.constant 0 : i32
      %dma_start3A_266 = arith.constant 0 : i32
      %dma_start3A_267 = tpu.memref_slice %arg2[%dma_start3A_265, %dma_start3A_266] : memref<20000x64xf32, #tpu.memory_space<hbm>> -> memref<20000x64xf32, #tpu.memory_space<hbm>>
      tpu.enqueue_indirect_dma source(%dma_start3A_267 : memref<20000x64xf32, #tpu.memory_space<hbm>>) target(%arg12 : memref<125x64xf32, #tpu.memory_space<vmem>>) offsets(%dma_start3A_264 : memref<125xi32, #tpu.memory_space<vmem>>) semaphore(%arg18 : memref<!tpu.dma_semaphore, #tpu.memory_space<semaphore_mem>>)
      %dma_wait3A_268 = arith.constant 0 : i32
      %dma_wait3A_269 = arith.constant 0 : i32
      %dma_wait3A_270 = tpu.memref_slice %arg7[%dma_wait3A_268, %dma_wait3A_269] : memref<160x125xi32, #tpu.memory_space<vmem>> -> memref<1x125xi32, #tpu.memory_space<vmem>>
      %dma_wait3A_271 = tpu.memref_squeeze %dma_wait3A_270 : memref<1x125xi32, #tpu.memory_space<vmem>> -> memref<125xi32, #tpu.memory_space<vmem>>
      %dma_wait3A_272 = arith.constant 0 : i32
      %dma_wait3A_273 = arith.constant 0 : i32
      %dma_wait3A_274 = tpu.memref_slice %arg2[%dma_wait3A_272, %dma_wait3A_273] : memref<20000x64xf32, #tpu.memory_space<hbm>> -> memref<20000x64xf32, #tpu.memory_space<hbm>>
      tpu.wait_indirect_dma semaphore(%arg19 : memref<!tpu.dma_semaphore, #tpu.memory_space<semaphore_mem>>) src(%dma_wait3A_274 : memref<20000x64xf32, #tpu.memory_space<hbm>>) dst(%arg13 : memref<125x64xf32, #tpu.memory_space<vmem>>)
      %sub3A_275 = arith.constant 4 : i32
      %sub3A_276 = arith.subi %add3A_254, %sub3A_275 : i32
      %dma_start3A_277 = arith.constant 0 : i32
      %dma_start3A_278 = tpu.memref_slice %arg8[%sub3A_276, %dma_start3A_277] : memref<160x125xi32, #tpu.memory_space<vmem>> -> memref<1x125xi32, #tpu.memory_space<vmem>>
      %dma_start3A_279 = tpu.memref_squeeze %dma_start3A_278 : memref<1x125xi32, #tpu.memory_space<vmem>> -> memref<125xi32, #tpu.memory_space<vmem>>
      %dma_start3A_280 = arith.constant 0 : i32
      %dma_start3A_281 = arith.constant 0 : i32
      %dma_start3A_282 = tpu.memref_slice %arg14[%dma_start3A_280, %dma_start3A_281] : memref<10000x64xf32, #tpu.memory_space<vmem_shared>> -> memref<10000x64xf32, #tpu.memory_space<vmem_shared>>
      tpu.enqueue_indirect_dma source(%arg13 : memref<125x64xf32, #tpu.memory_space<vmem>>) target(%dma_start3A_282 : memref<10000x64xf32, #tpu.memory_space<vmem_shared>>) offsets(%dma_start3A_279 : memref<125xi32, #tpu.memory_space<vmem>>) semaphore(%arg24 : memref<!tpu.dma_semaphore, #tpu.memory_space<semaphore_mem>>) {add = true}
      %mul3A_283 = arith.constant 5 : i32
      %mul3A_284 = arith.muli %mul3A_283, %scan3A_155 : i32
      %add3A_285 = arith.constant 4 : i32
      %add3A_286 = arith.addi %mul3A_284, %add3A_285 : i32
      %dma_wait3A_287 = arith.constant 0 : i32
      %dma_wait3A_288 = arith.constant 0 : i32
      %dma_wait3A_289 = tpu.memref_slice %arg8[%dma_wait3A_287, %dma_wait3A_288] : memref<160x125xi32, #tpu.memory_space<vmem>> -> memref<1x125xi32, #tpu.memory_space<vmem>>
      %dma_wait3A_290 = tpu.memref_squeeze %dma_wait3A_289 : memref<1x125xi32, #tpu.memory_space<vmem>> -> memref<125xi32, #tpu.memory_space<vmem>>
      %dma_wait3A_291 = arith.constant 0 : i32
      %dma_wait3A_292 = arith.constant 0 : i32
      %dma_wait3A_293 = tpu.memref_slice %arg14[%dma_wait3A_291, %dma_wait3A_292] : memref<10000x64xf32, #tpu.memory_space<vmem_shared>> -> memref<10000x64xf32, #tpu.memory_space<vmem_shared>>
      tpu.wait_indirect_dma semaphore(%arg24 : memref<!tpu.dma_semaphore, #tpu.memory_space<semaphore_mem>>) src(%arg13 : memref<125x64xf32, #tpu.memory_space<vmem>>) dst(%dma_wait3A_293 : memref<10000x64xf32, #tpu.memory_space<vmem_shared>>)
      %dma_start3A_294 = arith.constant 0 : i32
      %dma_start3A_295 = tpu.memref_slice %arg7[%add3A_286, %dma_start3A_294] : memref<160x125xi32, #tpu.memory_space<vmem>> -> memref<1x125xi32, #tpu.memory_space<vmem>>
      %dma_start3A_296 = tpu.memref_squeeze %dma_start3A_295 : memref<1x125xi32, #tpu.memory_space<vmem>> -> memref<125xi32, #tpu.memory_space<vmem>>
      %dma_start3A_297 = arith.constant 0 : i32
      %dma_start3A_298 = arith.constant 0 : i32
      %dma_start3A_299 = tpu.memref_slice %arg2[%dma_start3A_297, %dma_start3A_298] : memref<20000x64xf32, #tpu.memory_space<hbm>> -> memref<20000x64xf32, #tpu.memory_space<hbm>>
      tpu.enqueue_indirect_dma source(%dma_start3A_299 : memref<20000x64xf32, #tpu.memory_space<hbm>>) target(%arg13 : memref<125x64xf32, #tpu.memory_space<vmem>>) offsets(%dma_start3A_296 : memref<125xi32, #tpu.memory_space<vmem>>) semaphore(%arg19 : memref<!tpu.dma_semaphore, #tpu.memory_space<semaphore_mem>>)
      %dma_wait3A_300 = arith.constant 0 : i32
      %dma_wait3A_301 = arith.constant 0 : i32
      %dma_wait3A_302 = tpu.memref_slice %arg7[%dma_wait3A_300, %dma_wait3A_301] : memref<160x125xi32, #tpu.memory_space<vmem>> -> memref<1x125xi32, #tpu.memory_space<vmem>>
      %dma_wait3A_303 = tpu.memref_squeeze %dma_wait3A_302 : memref<1x125xi32, #tpu.memory_space<vmem>> -> memref<125xi32, #tpu.memory_space<vmem>>
      %dma_wait3A_304 = arith.constant 0 : i32
      %dma_wait3A_305 = arith.constant 0 : i32
      %dma_wait3A_306 = tpu.memref_slice %arg2[%dma_wait3A_304, %dma_wait3A_305] : memref<20000x64xf32, #tpu.memory_space<hbm>> -> memref<20000x64xf32, #tpu.memory_space<hbm>>
      tpu.wait_indirect_dma semaphore(%arg15 : memref<!tpu.dma_semaphore, #tpu.memory_space<semaphore_mem>>) src(%dma_wait3A_306 : memref<20000x64xf32, #tpu.memory_space<hbm>>) dst(%arg9 : memref<125x64xf32, #tpu.memory_space<vmem>>)
      %sub3A_307 = arith.constant 4 : i32
      %sub3A_308 = arith.subi %add3A_286, %sub3A_307 : i32
      %dma_start3A_309 = arith.constant 0 : i32
      %dma_start3A_310 = tpu.memref_slice %arg8[%sub3A_308, %dma_start3A_309] : memref<160x125xi32, #tpu.memory_space<vmem>> -> memref<1x125xi32, #tpu.memory_space<vmem>>
      %dma_start3A_311 = tpu.memref_squeeze %dma_start3A_310 : memref<1x125xi32, #tpu.memory_space<vmem>> -> memref<125xi32, #tpu.memory_space<vmem>>
      %dma_start3A_312 = arith.constant 0 : i32
      %dma_start3A_313 = arith.constant 0 : i32
      %dma_start3A_314 = tpu.memref_slice %arg14[%dma_start3A_312, %dma_start3A_313] : memref<10000x64xf32, #tpu.memory_space<vmem_shared>> -> memref<10000x64xf32, #tpu.memory_space<vmem_shared>>
      tpu.enqueue_indirect_dma source(%arg9 : memref<125x64xf32, #tpu.memory_space<vmem>>) target(%dma_start3A_314 : memref<10000x64xf32, #tpu.memory_space<vmem_shared>>) offsets(%dma_start3A_311 : memref<125xi32, #tpu.memory_space<vmem>>) semaphore(%arg20 : memref<!tpu.dma_semaphore, #tpu.memory_space<semaphore_mem>>) {add = true}
      %scan3A_315 = arith.constant 0 : i32
      scf.yield %scan3A_315 : i32
    }
    %scan3A_55 = arith.constant 31 : i32
    %dma_wait3A_56 = arith.constant 0 : i32
    %dma_wait3A_57 = arith.constant 0 : i32
    %dma_wait3A_58 = tpu.memref_slice %arg7[%dma_wait3A_56, %dma_wait3A_57] : memref<160x125xi32, #tpu.memory_space<vmem>> -> memref<1x125xi32, #tpu.memory_space<vmem>>
    %dma_wait3A_59 = tpu.memref_squeeze %dma_wait3A_58 : memref<1x125xi32, #tpu.memory_space<vmem>> -> memref<125xi32, #tpu.memory_space<vmem>>
    %dma_wait3A_60 = arith.constant 0 : i32
    %dma_wait3A_61 = arith.constant 0 : i32
    %dma_wait3A_62 = tpu.memref_slice %arg2[%dma_wait3A_60, %dma_wait3A_61] : memref<20000x64xf32, #tpu.memory_space<hbm>> -> memref<20000x64xf32, #tpu.memory_space<hbm>>
    tpu.wait_indirect_dma semaphore(%arg16 : memref<!tpu.dma_semaphore, #tpu.memory_space<semaphore_mem>>) src(%dma_wait3A_62 : memref<20000x64xf32, #tpu.memory_space<hbm>>) dst(%arg10 : memref<125x64xf32, #tpu.memory_space<vmem>>)
    %dma_start3A_63 = arith.constant 156 : i32
    %dma_start3A_64 = arith.constant 0 : i32
    %dma_start3A_65 = tpu.memref_slice %arg8[%dma_start3A_63, %dma_start3A_64] : memref<160x125xi32, #tpu.memory_space<vmem>> -> memref<1x125xi32, #tpu.memory_space<vmem>>
    %dma_start3A_66 = tpu.memref_squeeze %dma_start3A_65 : memref<1x125xi32, #tpu.memory_space<vmem>> -> memref<125xi32, #tpu.memory_space<vmem>>
    %dma_start3A_67 = arith.constant 0 : i32
    %dma_start3A_68 = arith.constant 0 : i32
    %dma_start3A_69 = tpu.memref_slice %arg14[%dma_start3A_67, %dma_start3A_68] : memref<10000x64xf32, #tpu.memory_space<vmem_shared>> -> memref<10000x64xf32, #tpu.memory_space<vmem_shared>>
    tpu.enqueue_indirect_dma source(%arg10 : memref<125x64xf32, #tpu.memory_space<vmem>>) target(%dma_start3A_69 : memref<10000x64xf32, #tpu.memory_space<vmem_shared>>) offsets(%dma_start3A_66 : memref<125xi32, #tpu.memory_space<vmem>>) semaphore(%arg21 : memref<!tpu.dma_semaphore, #tpu.memory_space<semaphore_mem>>) {add = true}
    %dma_wait3A_70 = arith.constant 0 : i32
    %dma_wait3A_71 = arith.constant 0 : i32
    %dma_wait3A_72 = tpu.memref_slice %arg7[%dma_wait3A_70, %dma_wait3A_71] : memref<160x125xi32, #tpu.memory_space<vmem>> -> memref<1x125xi32, #tpu.memory_space<vmem>>
    %dma_wait3A_73 = tpu.memref_squeeze %dma_wait3A_72 : memref<1x125xi32, #tpu.memory_space<vmem>> -> memref<125xi32, #tpu.memory_space<vmem>>
    %dma_wait3A_74 = arith.constant 0 : i32
    %dma_wait3A_75 = arith.constant 0 : i32
    %dma_wait3A_76 = tpu.memref_slice %arg2[%dma_wait3A_74, %dma_wait3A_75] : memref<20000x64xf32, #tpu.memory_space<hbm>> -> memref<20000x64xf32, #tpu.memory_space<hbm>>
    tpu.wait_indirect_dma semaphore(%arg17 : memref<!tpu.dma_semaphore, #tpu.memory_space<semaphore_mem>>) src(%dma_wait3A_76 : memref<20000x64xf32, #tpu.memory_space<hbm>>) dst(%arg11 : memref<125x64xf32, #tpu.memory_space<vmem>>)
    %dma_start3A_77 = arith.constant 157 : i32
    %dma_start3A_78 = arith.constant 0 : i32
    %dma_start3A_79 = tpu.memref_slice %arg8[%dma_start3A_77, %dma_start3A_78] : memref<160x125xi32, #tpu.memory_space<vmem>> -> memref<1x125xi32, #tpu.memory_space<vmem>>
    %dma_start3A_80 = tpu.memref_squeeze %dma_start3A_79 : memref<1x125xi32, #tpu.memory_space<vmem>> -> memref<125xi32, #tpu.memory_space<vmem>>
    %dma_start3A_81 = arith.constant 0 : i32
    %dma_start3A_82 = arith.constant 0 : i32
    %dma_start3A_83 = tpu.memref_slice %arg14[%dma_start3A_81, %dma_start3A_82] : memref<10000x64xf32, #tpu.memory_space<vmem_shared>> -> memref<10000x64xf32, #tpu.memory_space<vmem_shared>>
    tpu.enqueue_indirect_dma source(%arg11 : memref<125x64xf32, #tpu.memory_space<vmem>>) target(%dma_start3A_83 : memref<10000x64xf32, #tpu.memory_space<vmem_shared>>) offsets(%dma_start3A_80 : memref<125xi32, #tpu.memory_space<vmem>>) semaphore(%arg22 : memref<!tpu.dma_semaphore, #tpu.memory_space<semaphore_mem>>) {add = true}
    %dma_wait3A_84 = arith.constant 0 : i32
    %dma_wait3A_85 = arith.constant 0 : i32
    %dma_wait3A_86 = tpu.memref_slice %arg7[%dma_wait3A_84, %dma_wait3A_85] : memref<160x125xi32, #tpu.memory_space<vmem>> -> memref<1x125xi32, #tpu.memory_space<vmem>>
    %dma_wait3A_87 = tpu.memref_squeeze %dma_wait3A_86 : memref<1x125xi32, #tpu.memory_space<vmem>> -> memref<125xi32, #tpu.memory_space<vmem>>
    %dma_wait3A_88 = arith.constant 0 : i32
    %dma_wait3A_89 = arith.constant 0 : i32
    %dma_wait3A_90 = tpu.memref_slice %arg2[%dma_wait3A_88, %dma_wait3A_89] : memref<20000x64xf32, #tpu.memory_space<hbm>> -> memref<20000x64xf32, #tpu.memory_space<hbm>>
    tpu.wait_indirect_dma semaphore(%arg18 : memref<!tpu.dma_semaphore, #tpu.memory_space<semaphore_mem>>) src(%dma_wait3A_90 : memref<20000x64xf32, #tpu.memory_space<hbm>>) dst(%arg12 : memref<125x64xf32, #tpu.memory_space<vmem>>)
    %dma_start3A_91 = arith.constant 158 : i32
    %dma_start3A_92 = arith.constant 0 : i32
    %dma_start3A_93 = tpu.memref_slice %arg8[%dma_start3A_91, %dma_start3A_92] : memref<160x125xi32, #tpu.memory_space<vmem>> -> memref<1x125xi32, #tpu.memory_space<vmem>>
    %dma_start3A_94 = tpu.memref_squeeze %dma_start3A_93 : memref<1x125xi32, #tpu.memory_space<vmem>> -> memref<125xi32, #tpu.memory_space<vmem>>
    %dma_start3A_95 = arith.constant 0 : i32
    %dma_start3A_96 = arith.constant 0 : i32
    %dma_start3A_97 = tpu.memref_slice %arg14[%dma_start3A_95, %dma_start3A_96] : memref<10000x64xf32, #tpu.memory_space<vmem_shared>> -> memref<10000x64xf32, #tpu.memory_space<vmem_shared>>
    tpu.enqueue_indirect_dma source(%arg12 : memref<125x64xf32, #tpu.memory_space<vmem>>) target(%dma_start3A_97 : memref<10000x64xf32, #tpu.memory_space<vmem_shared>>) offsets(%dma_start3A_94 : memref<125xi32, #tpu.memory_space<vmem>>) semaphore(%arg23 : memref<!tpu.dma_semaphore, #tpu.memory_space<semaphore_mem>>) {add = true}
    %dma_wait3A_98 = arith.constant 0 : i32
    %dma_wait3A_99 = arith.constant 0 : i32
    %dma_wait3A_100 = tpu.memref_slice %arg7[%dma_wait3A_98, %dma_wait3A_99] : memref<160x125xi32, #tpu.memory_space<vmem>> -> memref<1x125xi32, #tpu.memory_space<vmem>>
    %dma_wait3A_101 = tpu.memref_squeeze %dma_wait3A_100 : memref<1x125xi32, #tpu.memory_space<vmem>> -> memref<125xi32, #tpu.memory_space<vmem>>
    %dma_wait3A_102 = arith.constant 0 : i32
    %dma_wait3A_103 = arith.constant 0 : i32
    %dma_wait3A_104 = tpu.memref_slice %arg2[%dma_wait3A_102, %dma_wait3A_103] : memref<20000x64xf32, #tpu.memory_space<hbm>> -> memref<20000x64xf32, #tpu.memory_space<hbm>>
    tpu.wait_indirect_dma semaphore(%arg19 : memref<!tpu.dma_semaphore, #tpu.memory_space<semaphore_mem>>) src(%dma_wait3A_104 : memref<20000x64xf32, #tpu.memory_space<hbm>>) dst(%arg13 : memref<125x64xf32, #tpu.memory_space<vmem>>)
    %dma_start3A_105 = arith.constant 159 : i32
    %dma_start3A_106 = arith.constant 0 : i32
    %dma_start3A_107 = tpu.memref_slice %arg8[%dma_start3A_105, %dma_start3A_106] : memref<160x125xi32, #tpu.memory_space<vmem>> -> memref<1x125xi32, #tpu.memory_space<vmem>>
    %dma_start3A_108 = tpu.memref_squeeze %dma_start3A_107 : memref<1x125xi32, #tpu.memory_space<vmem>> -> memref<125xi32, #tpu.memory_space<vmem>>
    %dma_start3A_109 = arith.constant 0 : i32
    %dma_start3A_110 = arith.constant 0 : i32
    %dma_start3A_111 = tpu.memref_slice %arg14[%dma_start3A_109, %dma_start3A_110] : memref<10000x64xf32, #tpu.memory_space<vmem_shared>> -> memref<10000x64xf32, #tpu.memory_space<vmem_shared>>
    tpu.enqueue_indirect_dma source(%arg13 : memref<125x64xf32, #tpu.memory_space<vmem>>) target(%dma_start3A_111 : memref<10000x64xf32, #tpu.memory_space<vmem_shared>>) offsets(%dma_start3A_108 : memref<125xi32, #tpu.memory_space<vmem>>) semaphore(%arg24 : memref<!tpu.dma_semaphore, #tpu.memory_space<semaphore_mem>>) {add = true}
    %dma_wait3A_112 = arith.constant 0 : i32
    %dma_wait3A_113 = arith.constant 0 : i32
    %dma_wait3A_114 = tpu.memref_slice %arg8[%dma_wait3A_112, %dma_wait3A_113] : memref<160x125xi32, #tpu.memory_space<vmem>> -> memref<1x125xi32, #tpu.memory_space<vmem>>
    %dma_wait3A_115 = tpu.memref_squeeze %dma_wait3A_114 : memref<1x125xi32, #tpu.memory_space<vmem>> -> memref<125xi32, #tpu.memory_space<vmem>>
    %dma_wait3A_116 = arith.constant 0 : i32
    %dma_wait3A_117 = arith.constant 0 : i32
    %dma_wait3A_118 = tpu.memref_slice %arg14[%dma_wait3A_116, %dma_wait3A_117] : memref<10000x64xf32, #tpu.memory_space<vmem_shared>> -> memref<10000x64xf32, #tpu.memory_space<vmem_shared>>
    tpu.wait_indirect_dma semaphore(%arg20 : memref<!tpu.dma_semaphore, #tpu.memory_space<semaphore_mem>>) src(%arg9 : memref<125x64xf32, #tpu.memory_space<vmem>>) dst(%dma_wait3A_118 : memref<10000x64xf32, #tpu.memory_space<vmem_shared>>)
    %dma_wait3A_119 = arith.constant 0 : i32
    %dma_wait3A_120 = arith.constant 0 : i32
    %dma_wait3A_121 = tpu.memref_slice %arg8[%dma_wait3A_119, %dma_wait3A_120] : memref<160x125xi32, #tpu.memory_space<vmem>> -> memref<1x125xi32, #tpu.memory_space<vmem>>
    %dma_wait3A_122 = tpu.memref_squeeze %dma_wait3A_121 : memref<1x125xi32, #tpu.memory_space<vmem>> -> memref<125xi32, #tpu.memory_space<vmem>>
    %dma_wait3A_123 = arith.constant 0 : i32
    %dma_wait3A_124 = arith.constant 0 : i32
    %dma_wait3A_125 = tpu.memref_slice %arg14[%dma_wait3A_123, %dma_wait3A_124] : memref<10000x64xf32, #tpu.memory_space<vmem_shared>> -> memref<10000x64xf32, #tpu.memory_space<vmem_shared>>
    tpu.wait_indirect_dma semaphore(%arg21 : memref<!tpu.dma_semaphore, #tpu.memory_space<semaphore_mem>>) src(%arg10 : memref<125x64xf32, #tpu.memory_space<vmem>>) dst(%dma_wait3A_125 : memref<10000x64xf32, #tpu.memory_space<vmem_shared>>)
    %dma_wait3A_126 = arith.constant 0 : i32
    %dma_wait3A_127 = arith.constant 0 : i32
    %dma_wait3A_128 = tpu.memref_slice %arg8[%dma_wait3A_126, %dma_wait3A_127] : memref<160x125xi32, #tpu.memory_space<vmem>> -> memref<1x125xi32, #tpu.memory_space<vmem>>
    %dma_wait3A_129 = tpu.memref_squeeze %dma_wait3A_128 : memref<1x125xi32, #tpu.memory_space<vmem>> -> memref<125xi32, #tpu.memory_space<vmem>>
    %dma_wait3A_130 = arith.constant 0 : i32
    %dma_wait3A_131 = arith.constant 0 : i32
    %dma_wait3A_132 = tpu.memref_slice %arg14[%dma_wait3A_130, %dma_wait3A_131] : memref<10000x64xf32, #tpu.memory_space<vmem_shared>> -> memref<10000x64xf32, #tpu.memory_space<vmem_shared>>
    tpu.wait_indirect_dma semaphore(%arg22 : memref<!tpu.dma_semaphore, #tpu.memory_space<semaphore_mem>>) src(%arg11 : memref<125x64xf32, #tpu.memory_space<vmem>>) dst(%dma_wait3A_132 : memref<10000x64xf32, #tpu.memory_space<vmem_shared>>)
    %dma_wait3A_133 = arith.constant 0 : i32
    %dma_wait3A_134 = arith.constant 0 : i32
    %dma_wait3A_135 = tpu.memref_slice %arg8[%dma_wait3A_133, %dma_wait3A_134] : memref<160x125xi32, #tpu.memory_space<vmem>> -> memref<1x125xi32, #tpu.memory_space<vmem>>
    %dma_wait3A_136 = tpu.memref_squeeze %dma_wait3A_135 : memref<1x125xi32, #tpu.memory_space<vmem>> -> memref<125xi32, #tpu.memory_space<vmem>>
    %dma_wait3A_137 = arith.constant 0 : i32
    %dma_wait3A_138 = arith.constant 0 : i32
    %dma_wait3A_139 = tpu.memref_slice %arg14[%dma_wait3A_137, %dma_wait3A_138] : memref<10000x64xf32, #tpu.memory_space<vmem_shared>> -> memref<10000x64xf32, #tpu.memory_space<vmem_shared>>
    tpu.wait_indirect_dma semaphore(%arg23 : memref<!tpu.dma_semaphore, #tpu.memory_space<semaphore_mem>>) src(%arg12 : memref<125x64xf32, #tpu.memory_space<vmem>>) dst(%dma_wait3A_139 : memref<10000x64xf32, #tpu.memory_space<vmem_shared>>)
    %dma_wait3A_140 = arith.constant 0 : i32
    %dma_wait3A_141 = arith.constant 0 : i32
    %dma_wait3A_142 = tpu.memref_slice %arg8[%dma_wait3A_140, %dma_wait3A_141] : memref<160x125xi32, #tpu.memory_space<vmem>> -> memref<1x125xi32, #tpu.memory_space<vmem>>
    %dma_wait3A_143 = tpu.memref_squeeze %dma_wait3A_142 : memref<1x125xi32, #tpu.memory_space<vmem>> -> memref<125xi32, #tpu.memory_space<vmem>>
    %dma_wait3A_144 = arith.constant 0 : i32
    %dma_wait3A_145 = arith.constant 0 : i32
    %dma_wait3A_146 = tpu.memref_slice %arg14[%dma_wait3A_144, %dma_wait3A_145] : memref<10000x64xf32, #tpu.memory_space<vmem_shared>> -> memref<10000x64xf32, #tpu.memory_space<vmem_shared>>
    tpu.wait_indirect_dma semaphore(%arg24 : memref<!tpu.dma_semaphore, #tpu.memory_space<semaphore_mem>>) src(%arg13 : memref<125x64xf32, #tpu.memory_space<vmem>>) dst(%dma_wait3A_146 : memref<10000x64xf32, #tpu.memory_space<vmem_shared>>)
    %barrier3A_147 = arith.constant 0 : index
    tpu.barrier barrier_id(%barrier3A_147)
    %mul3A_148 = arith.constant 64 : i32
    %mul3A_149 = arith.muli %arg0, %mul3A_148 : i32
    "tpu.region"() ({
      %run_scoped3A = tpu.sem_alloc : memref<!tpu.dma_semaphore, #tpu.memory_space<semaphore_mem>>
      %dma_start3A_155 = tpu.memref_slice %arg6[%mul3A_0, %mul3A_149] : memref<10000x128xf32, #tpu.memory_space<hbm>> -> memref<624x64xf32, #tpu.memory_space<hbm>>
      %dma_start3A_156 = arith.constant 0 : i32
      %dma_start3A_157 = tpu.memref_slice %arg14[%mul3A_0, %dma_start3A_156] : memref<10000x64xf32, #tpu.memory_space<vmem_shared>> -> memref<624x64xf32, #tpu.memory_space<vmem_shared>>
      tpu.enqueue_dma source(%dma_start3A_157 : memref<624x64xf32, #tpu.memory_space<vmem_shared>>) target(%dma_start3A_155 : memref<624x64xf32, #tpu.memory_space<hbm>>) target_semaphore(%run_scoped3A : memref<!tpu.dma_semaphore, #tpu.memory_space<semaphore_mem>>)
      %dma_wait3A_158 = tpu.memref_slice %arg6[%mul3A_0, %mul3A_149] : memref<10000x128xf32, #tpu.memory_space<hbm>> -> memref<624x64xf32, #tpu.memory_space<hbm>>
      %dma_wait3A_159 = arith.constant 0 : i32
      %dma_wait3A_160 = tpu.memref_slice %arg14[%mul3A_0, %dma_wait3A_159] : memref<10000x64xf32, #tpu.memory_space<vmem_shared>> -> memref<624x64xf32, #tpu.memory_space<vmem_shared>>
      tpu.wait_dma2 semaphore(%run_scoped3A : memref<!tpu.dma_semaphore, #tpu.memory_space<semaphore_mem>>) src(%dma_wait3A_160 : memref<624x64xf32, #tpu.memory_space<vmem_shared>>) dst(%dma_wait3A_158 : memref<624x64xf32, #tpu.memory_space<hbm>>)
      tpu.yield
    }) : () -> ()
    %eq3A_150 = arith.constant 15 : i32
    %eq3A_151 = arith.cmpi eq, %arg1, %eq3A_150 : i32
    %convert_element_type3A_152 = arith.extui %eq3A_151 : i1 to i32
    %cond3A_153 = arith.constant 0 : i32
    %cond3A_154 = arith.cmpi ne, %convert_element_type3A_152, %cond3A_153 : i32
    scf.if %cond3A_154 {
      "tpu.region"() ({
        %run_scoped3A = tpu.sem_alloc : memref<!tpu.dma_semaphore, #tpu.memory_space<semaphore_mem>>
        %dma_start3A_155 = arith.constant 9984 : i32
        %dma_start3A_156 = tpu.memref_slice %arg6[%dma_start3A_155, %mul3A_149] : memref<10000x128xf32, #tpu.memory_space<hbm>> -> memref<16x64xf32, #tpu.memory_space<hbm>>
        %dma_start3A_157 = arith.constant 9984 : i32
        %dma_start3A_158 = arith.constant 0 : i32
        %dma_start3A_159 = tpu.memref_slice %arg14[%dma_start3A_157, %dma_start3A_158] : memref<10000x64xf32, #tpu.memory_space<vmem_shared>> -> memref<16x64xf32, #tpu.memory_space<vmem_shared>>
        tpu.enqueue_dma source(%dma_start3A_159 : memref<16x64xf32, #tpu.memory_space<vmem_shared>>) target(%dma_start3A_156 : memref<16x64xf32, #tpu.memory_space<hbm>>) target_semaphore(%run_scoped3A : memref<!tpu.dma_semaphore, #tpu.memory_space<semaphore_mem>>)
        %dma_wait3A_160 = arith.constant 9984 : i32
        %dma_wait3A_161 = tpu.memref_slice %arg6[%dma_wait3A_160, %mul3A_149] : memref<10000x128xf32, #tpu.memory_space<hbm>> -> memref<16x64xf32, #tpu.memory_space<hbm>>
        %dma_wait3A_162 = arith.constant 9984 : i32
        %dma_wait3A_163 = arith.constant 0 : i32
        %dma_wait3A_164 = tpu.memref_slice %arg14[%dma_wait3A_162, %dma_wait3A_163] : memref<10000x64xf32, #tpu.memory_space<vmem_shared>> -> memref<16x64xf32, #tpu.memory_space<vmem_shared>>
        tpu.wait_dma2 semaphore(%run_scoped3A : memref<!tpu.dma_semaphore, #tpu.memory_space<semaphore_mem>>) src(%dma_wait3A_164 : memref<16x64xf32, #tpu.memory_space<vmem_shared>>) dst(%dma_wait3A_161 : memref<16x64xf32, #tpu.memory_space<hbm>>)
        tpu.yield
      }) : () -> ()
    } else {
    }
    return
  }
}

#map = affine_map<(d0, d1) -> (0, 0)>
module attributes {stable_mosaic.version = 14 : i64} {
  func.func @_degree_body(%arg0: i32, %arg1: i32, %arg2: memref<2x320000xi32, #tpu.memory_space<hbm>>, %arg3: memref<32x10000xf32, #tpu.memory_space<hbm>>, %arg4: memref<10000xi32, #tpu.memory_space<vmem>>, %arg5: memref<10000xf32, #tpu.memory_space<vmem>>) attributes {dimension_semantics = [#tpu.dimension_semantics<core_parallel>, #tpu.dimension_semantics<subcore_parallel>], iteration_bounds = array<i64: 2, 16>, scalar_prefetch = 0 : i64, scratch_operands = 2 : i64, tpu.core_type = #tpu.core_type<sc_vector_subcore>, window_params = [{transform_indices = #map}, {transform_indices = #map}]} {
    %mul3A = arith.constant 16 : i32
    %mul3A_0 = arith.muli %arg0, %mul3A : i32
    %add3A = arith.addi %mul3A_0, %arg1 : i32
    %mul3A_1 = arith.constant 10000 : i32
    %mul3A_2 = arith.muli %add3A, %mul3A_1 : i32
    %run_scoped3A = arith.constant 1 : i32
    "tpu.region"() ({
      %run_scoped3A_17 = tpu.sem_alloc : memref<!tpu.dma_semaphore, #tpu.memory_space<semaphore_mem>>
      %dma_start3A = tpu.memref_slice %arg2[%run_scoped3A, %mul3A_2] : memref<2x320000xi32, #tpu.memory_space<hbm>> -> memref<1x10000xi32, #tpu.memory_space<hbm>>
      %dma_start3A_18 = tpu.memref_squeeze %dma_start3A : memref<1x10000xi32, #tpu.memory_space<hbm>> -> memref<10000xi32, #tpu.memory_space<hbm>>
      %dma_start3A_19 = tpu.memref_slice %arg2[%run_scoped3A, %mul3A_2] : memref<2x320000xi32, #tpu.memory_space<hbm>> -> memref<1x10000xi32, #tpu.memory_space<hbm>>
      %dma_start3A_20 = tpu.memref_squeeze %dma_start3A_19 : memref<1x10000xi32, #tpu.memory_space<hbm>> -> memref<10000xi32, #tpu.memory_space<hbm>>
      tpu.enqueue_dma source(%dma_start3A_20 : memref<10000xi32, #tpu.memory_space<hbm>>) target(%arg4 : memref<10000xi32, #tpu.memory_space<vmem>>) target_semaphore(%run_scoped3A_17 : memref<!tpu.dma_semaphore, #tpu.memory_space<semaphore_mem>>)
      %dma_wait3A = tpu.memref_slice %arg2[%run_scoped3A, %mul3A_2] : memref<2x320000xi32, #tpu.memory_space<hbm>> -> memref<1x10000xi32, #tpu.memory_space<hbm>>
      %dma_wait3A_21 = tpu.memref_squeeze %dma_wait3A : memref<1x10000xi32, #tpu.memory_space<hbm>> -> memref<10000xi32, #tpu.memory_space<hbm>>
      %dma_wait3A_22 = tpu.memref_slice %arg2[%run_scoped3A, %mul3A_2] : memref<2x320000xi32, #tpu.memory_space<hbm>> -> memref<1x10000xi32, #tpu.memory_space<hbm>>
      %dma_wait3A_23 = tpu.memref_squeeze %dma_wait3A_22 : memref<1x10000xi32, #tpu.memory_space<hbm>> -> memref<10000xi32, #tpu.memory_space<hbm>>
      tpu.wait_dma2 semaphore(%run_scoped3A_17 : memref<!tpu.dma_semaphore, #tpu.memory_space<semaphore_mem>>) src(%dma_wait3A_23 : memref<10000xi32, #tpu.memory_space<hbm>>) dst(%arg4 : memref<10000xi32, #tpu.memory_space<vmem>>)
      tpu.yield
    }) : () -> ()
    %scan3A = arith.constant 0 : i32
    %scan3A_3 = arith.constant 0 : i32
    %scan3A_4 = arith.constant 625 : i32
    %scan3A_5 = arith.addi %scan3A_3, %scan3A_4 : i32
    %scan3A_6 = arith.constant 1 : i32
    %scan3A_7 = scf.for %scan3A_17 = %scan3A_3 to %scan3A_5 step %scan3A_6 iter_args(%scan3A_18 = %scan3A) -> (i32)  : i32 {
      %broadcast_in_dim3A_19 = arith.constant 0.000000e+00 : f32
      %broadcast_in_dim3A_20 = vector.broadcast %broadcast_in_dim3A_19 : f32 to vector<16xf32>
      %mul3A_21 = arith.constant 16 : i32
      %mul3A_22 = arith.muli %scan3A_17, %mul3A_21 : i32
      %swap3A = arith.index_cast %mul3A_22 : i32 to index
      %swap3A_23 = tpu.vector_load %arg5[%swap3A] {strides = array<i32>} : memref<10000xf32, #tpu.memory_space<vmem>>, vector<16xf32>,
      tpu.vector_store %arg5[%swap3A], %broadcast_in_dim3A_20 {strides = array<i32>} : memref<10000xf32, #tpu.memory_space<vmem>>, vector<16xf32>,
      %scan3A_24 = arith.constant 0 : i32
      scf.yield %scan3A_24 : i32
    }
    %scan3A_8 = arith.constant 625 : i32
    %broadcast_in_dim3A = arith.constant 1.000000e+00 : f32
    %broadcast_in_dim3A_9 = vector.broadcast %broadcast_in_dim3A : f32 to vector<16xf32>
    %scan3A_10 = arith.constant 0 : i32
    %scan3A_11 = arith.constant 0 : i32
    %scan3A_12 = arith.constant 625 : i32
    %scan3A_13 = arith.addi %scan3A_11, %scan3A_12 : i32
    %scan3A_14 = arith.constant 1 : i32
    %scan3A_15 = scf.for %scan3A_17 = %scan3A_11 to %scan3A_13 step %scan3A_14 iter_args(%scan3A_18 = %scan3A_10) -> (i32)  : i32 {
      %mul3A_19 = arith.constant 16 : i32
      %mul3A_20 = arith.muli %scan3A_17, %mul3A_19 : i32
      %get3A = arith.index_cast %mul3A_20 : i32 to index
      %get3A_21 = tpu.vector_load %arg4[%get3A] {strides = array<i32>} : memref<10000xi32, #tpu.memory_space<vmem>>, vector<16xi32>,
      tpu.vector_store_idx %arg5[%get3A_21], %broadcast_in_dim3A_9 {add = true} : memref<10000xf32, #tpu.memory_space<vmem>>[vector<16xi32>], vector<16xf32>,
      %scan3A_22 = arith.constant 0 : i32
      scf.yield %scan3A_22 : i32
    }
    %scan3A_16 = arith.constant 625 : i32
    "tpu.region"() ({
      %run_scoped3A_17 = tpu.sem_alloc : memref<!tpu.dma_semaphore, #tpu.memory_space<semaphore_mem>>
      %dma_start3A = arith.constant 0 : i32
      %dma_start3A_18 = tpu.memref_slice %arg3[%add3A, %dma_start3A] : memref<32x10000xf32, #tpu.memory_space<hbm>> -> memref<1x10000xf32, #tpu.memory_space<hbm>>
      %dma_start3A_19 = tpu.memref_squeeze %dma_start3A_18 : memref<1x10000xf32, #tpu.memory_space<hbm>> -> memref<10000xf32, #tpu.memory_space<hbm>>
      %dma_start3A_20 = arith.constant 0 : i32
      %dma_start3A_21 = tpu.memref_slice %arg3[%add3A, %dma_start3A_20] : memref<32x10000xf32, #tpu.memory_space<hbm>> -> memref<1x10000xf32, #tpu.memory_space<hbm>>
      %dma_start3A_22 = tpu.memref_squeeze %dma_start3A_21 : memref<1x10000xf32, #tpu.memory_space<hbm>> -> memref<10000xf32, #tpu.memory_space<hbm>>
      tpu.enqueue_dma source(%arg5 : memref<10000xf32, #tpu.memory_space<vmem>>) target(%dma_start3A_22 : memref<10000xf32, #tpu.memory_space<hbm>>) target_semaphore(%run_scoped3A_17 : memref<!tpu.dma_semaphore, #tpu.memory_space<semaphore_mem>>)
      %dma_wait3A = arith.constant 0 : i32
      %dma_wait3A_23 = tpu.memref_slice %arg3[%add3A, %dma_wait3A] : memref<32x10000xf32, #tpu.memory_space<hbm>> -> memref<1x10000xf32, #tpu.memory_space<hbm>>
      %dma_wait3A_24 = tpu.memref_squeeze %dma_wait3A_23 : memref<1x10000xf32, #tpu.memory_space<hbm>> -> memref<10000xf32, #tpu.memory_space<hbm>>
      %dma_wait3A_25 = arith.constant 0 : i32
      %dma_wait3A_26 = tpu.memref_slice %arg3[%add3A, %dma_wait3A_25] : memref<32x10000xf32, #tpu.memory_space<hbm>> -> memref<1x10000xf32, #tpu.memory_space<hbm>>
      %dma_wait3A_27 = tpu.memref_squeeze %dma_wait3A_26 : memref<1x10000xf32, #tpu.memory_space<hbm>> -> memref<10000xf32, #tpu.memory_space<hbm>>
      tpu.wait_dma2 semaphore(%run_scoped3A_17 : memref<!tpu.dma_semaphore, #tpu.memory_space<semaphore_mem>>) src(%arg5 : memref<10000xf32, #tpu.memory_space<vmem>>) dst(%dma_wait3A_27 : memref<10000xf32, #tpu.memory_space<hbm>>)
      tpu.yield
    }) : () -> ()
    return
  }
}

#map = affine_map<(d0, d1) -> (0, 0)>
#map1 = affine_map<(d0, d1) -> (0, 0, 0, 0)>
#map2 = affine_map<(d0, d1) -> (0, 0, 0)>
module attributes {stable_mosaic.version = 14 : i64} {
  func.func @_conv_body(%arg0: i32, %arg1: i32, %arg2: memref<20000x64xf32, #tpu.memory_space<hbm>>, %arg3: memref<10000x64xf32, #tpu.memory_space<hbm>>, %arg4: memref<2x16x160x125xi32, #tpu.memory_space<hbm>>, %arg5: memref<16x160x125xi32, #tpu.memory_space<hbm>>, %arg6: memref<10000x128xf32, #tpu.memory_space<hbm>>, %arg7: memref<160x125xi32, #tpu.memory_space<vmem>>, %arg8: memref<160x125xi32, #tpu.memory_space<vmem>>, %arg9: memref<125x64xf32, #tpu.memory_space<vmem>>, %arg10: memref<125x64xf32, #tpu.memory_space<vmem>>, %arg11: memref<125x64xf32, #tpu.memory_space<vmem>>, %arg12: memref<125x64xf32, #tpu.memory_space<vmem>>, %arg13: memref<125x64xf32, #tpu.memory_space<vmem>>, %arg14: memref<10000x64xf32, #tpu.memory_space<vmem_shared>>, %arg15: memref<!tpu.dma_semaphore, #tpu.memory_space<semaphore_mem>>, %arg16: memref<!tpu.dma_semaphore, #tpu.memory_space<semaphore_mem>>, %arg17: memref<!tpu.dma_semaphore, #tpu.memory_space<semaphore_mem>>, %arg18: memref<!tpu.dma_semaphore, #tpu.memory_space<semaphore_mem>>, %arg19: memref<!tpu.dma_semaphore, #tpu.memory_space<semaphore_mem>>, %arg20: memref<!tpu.dma_semaphore, #tpu.memory_space<semaphore_mem>>, %arg21: memref<!tpu.dma_semaphore, #tpu.memory_space<semaphore_mem>>, %arg22: memref<!tpu.dma_semaphore, #tpu.memory_space<semaphore_mem>>, %arg23: memref<!tpu.dma_semaphore, #tpu.memory_space<semaphore_mem>>, %arg24: memref<!tpu.dma_semaphore, #tpu.memory_space<semaphore_mem>>) attributes {dimension_semantics = [#tpu.dimension_semantics<core_parallel>, #tpu.dimension_semantics<subcore_parallel>], iteration_bounds = array<i64: 2, 16>, scalar_prefetch = 0 : i64, scratch_operands = 18 : i64, tpu.core_type = #tpu.core_type<sc_vector_subcore>, window_params = [{transform_indices = #map}, {transform_indices = #map}, {transform_indices = #map1}, {transform_indices = #map2}, {transform_indices = #map}]} {
    "tpu.region"() ({
      %run_scoped3A = tpu.sem_alloc : memref<!tpu.dma_semaphore, #tpu.memory_space<semaphore_mem>>
      %dma_start3A_155 = arith.constant 0 : i32
      %dma_start3A_156 = arith.constant 0 : i32
      %dma_start3A_157 = tpu.memref_slice %arg4[%arg0, %arg1, %dma_start3A_155, %dma_start3A_156] : memref<2x16x160x125xi32, #tpu.memory_space<hbm>> -> memref<1x1x160x125xi32, #tpu.memory_space<hbm>>
      %dma_start3A_158 = tpu.memref_squeeze %dma_start3A_157 : memref<1x1x160x125xi32, #tpu.memory_space<hbm>> -> memref<160x125xi32, #tpu.memory_space<hbm>>
      %dma_start3A_159 = arith.constant 0 : i32
      %dma_start3A_160 = arith.constant 0 : i32
      %dma_start3A_161 = tpu.memref_slice %arg4[%arg0, %arg1, %dma_start3A_159, %dma_start3A_160] : memref<2x16x160x125xi32, #tpu.memory_space<hbm>> -> memref<1x1x160x125xi32, #tpu.memory_space<hbm>>
      %dma_start3A_162 = tpu.memref_squeeze %dma_start3A_161 : memref<1x1x160x125xi32, #tpu.memory_space<hbm>> -> memref<160x125xi32, #tpu.memory_space<hbm>>
      tpu.enqueue_dma source(%dma_start3A_162 : memref<160x125xi32, #tpu.memory_space<hbm>>) target(%arg7 : memref<160x125xi32, #tpu.memory_space<vmem>>) target_semaphore(%run_scoped3A : memref<!tpu.dma_semaphore, #tpu.memory_space<semaphore_mem>>)
      %dma_wait3A_163 = arith.constant 0 : i32
      %dma_wait3A_164 = arith.constant 0 : i32
      %dma_wait3A_165 = tpu.memref_slice %arg4[%arg0, %arg1, %dma_wait3A_163, %dma_wait3A_164] : memref<2x16x160x125xi32, #tpu.memory_space<hbm>> -> memref<1x1x160x125xi32, #tpu.memory_space<hbm>>
      %dma_wait3A_166 = tpu.memref_squeeze %dma_wait3A_165 : memref<1x1x160x125xi32, #tpu.memory_space<hbm>> -> memref<160x125xi32, #tpu.memory_space<hbm>>
      %dma_wait3A_167 = arith.constant 0 : i32
      %dma_wait3A_168 = arith.constant 0 : i32
      %dma_wait3A_169 = tpu.memref_slice %arg4[%arg0, %arg1, %dma_wait3A_167, %dma_wait3A_168] : memref<2x16x160x125xi32, #tpu.memory_space<hbm>> -> memref<1x1x160x125xi32, #tpu.memory_space<hbm>>
      %dma_wait3A_170 = tpu.memref_squeeze %dma_wait3A_169 : memref<1x1x160x125xi32, #tpu.memory_space<hbm>> -> memref<160x125xi32, #tpu.memory_space<hbm>>
      tpu.wait_dma2 semaphore(%run_scoped3A : memref<!tpu.dma_semaphore, #tpu.memory_space<semaphore_mem>>) src(%dma_wait3A_170 : memref<160x125xi32, #tpu.memory_space<hbm>>) dst(%arg7 : memref<160x125xi32, #tpu.memory_space<vmem>>)
      tpu.yield
    }) : () -> ()
    "tpu.region"() ({
      %run_scoped3A = tpu.sem_alloc : memref<!tpu.dma_semaphore, #tpu.memory_space<semaphore_mem>>
      %dma_start3A_155 = arith.constant 0 : i32
      %dma_start3A_156 = arith.constant 0 : i32
      %dma_start3A_157 = tpu.memref_slice %arg5[%arg1, %dma_start3A_155, %dma_start3A_156] : memref<16x160x125xi32, #tpu.memory_space<hbm>> -> memref<1x160x125xi32, #tpu.memory_space<hbm>>
      %dma_start3A_158 = tpu.memref_squeeze %dma_start3A_157 : memref<1x160x125xi32, #tpu.memory_space<hbm>> -> memref<160x125xi32, #tpu.memory_space<hbm>>
      %dma_start3A_159 = arith.constant 0 : i32
      %dma_start3A_160 = arith.constant 0 : i32
      %dma_start3A_161 = tpu.memref_slice %arg5[%arg1, %dma_start3A_159, %dma_start3A_160] : memref<16x160x125xi32, #tpu.memory_space<hbm>> -> memref<1x160x125xi32, #tpu.memory_space<hbm>>
      %dma_start3A_162 = tpu.memref_squeeze %dma_start3A_161 : memref<1x160x125xi32, #tpu.memory_space<hbm>> -> memref<160x125xi32, #tpu.memory_space<hbm>>
      tpu.enqueue_dma source(%dma_start3A_162 : memref<160x125xi32, #tpu.memory_space<hbm>>) target(%arg8 : memref<160x125xi32, #tpu.memory_space<vmem>>) target_semaphore(%run_scoped3A : memref<!tpu.dma_semaphore, #tpu.memory_space<semaphore_mem>>)
      %dma_wait3A_163 = arith.constant 0 : i32
      %dma_wait3A_164 = arith.constant 0 : i32
      %dma_wait3A_165 = tpu.memref_slice %arg5[%arg1, %dma_wait3A_163, %dma_wait3A_164] : memref<16x160x125xi32, #tpu.memory_space<hbm>> -> memref<1x160x125xi32, #tpu.memory_space<hbm>>
      %dma_wait3A_166 = tpu.memref_squeeze %dma_wait3A_165 : memref<1x160x125xi32, #tpu.memory_space<hbm>> -> memref<160x125xi32, #tpu.memory_space<hbm>>
      %dma_wait3A_167 = arith.constant 0 : i32
      %dma_wait3A_168 = arith.constant 0 : i32
      %dma_wait3A_169 = tpu.memref_slice %arg5[%arg1, %dma_wait3A_167, %dma_wait3A_168] : memref<16x160x125xi32, #tpu.memory_space<hbm>> -> memref<1x160x125xi32, #tpu.memory_space<hbm>>
      %dma_wait3A_170 = tpu.memref_squeeze %dma_wait3A_169 : memref<1x160x125xi32, #tpu.memory_space<hbm>> -> memref<160x125xi32, #tpu.memory_space<hbm>>
      tpu.wait_dma2 semaphore(%run_scoped3A : memref<!tpu.dma_semaphore, #tpu.memory_space<semaphore_mem>>) src(%dma_wait3A_170 : memref<160x125xi32, #tpu.memory_space<hbm>>) dst(%arg8 : memref<160x125xi32, #tpu.memory_space<vmem>>)
      tpu.yield
    }) : () -> ()
    %mul3A = arith.constant 624 : i32
    %mul3A_0 = arith.muli %arg1, %mul3A : i32
    "tpu.region"() ({
      %run_scoped3A = tpu.sem_alloc : memref<!tpu.dma_semaphore, #tpu.memory_space<semaphore_mem>>
      %dma_start3A_155 = arith.constant 0 : i32
      %dma_start3A_156 = tpu.memref_slice %arg14[%mul3A_0, %dma_start3A_155] : memref<10000x64xf32, #tpu.memory_space<vmem_shared>> -> memref<624x64xf32, #tpu.memory_space<vmem_shared>>
      %dma_start3A_157 = arith.constant 0 : i32
      %dma_start3A_158 = tpu.memref_slice %arg3[%mul3A_0, %dma_start3A_157] : memref<10000x64xf32, #tpu.memory_space<hbm>> -> memref<624x64xf32, #tpu.memory_space<hbm>>
      tpu.enqueue_dma source(%dma_start3A_158 : memref<624x64xf32, #tpu.memory_space<hbm>>) target(%dma_start3A_156 : memref<624x64xf32, #tpu.memory_space<vmem_shared>>) target_semaphore(%run_scoped3A : memref<!tpu.dma_semaphore, #tpu.memory_space<semaphore_mem>>)
      %dma_wait3A_159 = arith.constant 0 : i32
      %dma_wait3A_160 = tpu.memref_slice %arg14[%mul3A_0, %dma_wait3A_159] : memref<10000x64xf32, #tpu.memory_space<vmem_shared>> -> memref<624x64xf32, #tpu.memory_space<vmem_shared>>
      %dma_wait3A_161 = arith.constant 0 : i32
      %dma_wait3A_162 = tpu.memref_slice %arg3[%mul3A_0, %dma_wait3A_161] : memref<10000x64xf32, #tpu.memory_space<hbm>> -> memref<624x64xf32, #tpu.memory_space<hbm>>
      tpu.wait_dma2 semaphore(%run_scoped3A : memref<!tpu.dma_semaphore, #tpu.memory_space<semaphore_mem>>) src(%dma_wait3A_162 : memref<624x64xf32, #tpu.memory_space<hbm>>) dst(%dma_wait3A_160 : memref<624x64xf32, #tpu.memory_space<vmem_shared>>)
      tpu.yield
    }) : () -> ()
    %eq3A = arith.constant 15 : i32
    %eq3A_1 = arith.cmpi eq, %arg1, %eq3A : i32
    %convert_element_type3A = arith.extui %eq3A_1 : i1 to i32
    %cond3A = arith.constant 0 : i32
    %cond3A_2 = arith.cmpi ne, %convert_element_type3A, %cond3A : i32
    scf.if %cond3A_2 {
      "tpu.region"() ({
        %run_scoped3A = tpu.sem_alloc : memref<!tpu.dma_semaphore, #tpu.memory_space<semaphore_mem>>
        %dma_start3A_155 = arith.constant 9984 : i32
        %dma_start3A_156 = arith.constant 0 : i32
        %dma_start3A_157 = tpu.memref_slice %arg14[%dma_start3A_155, %dma_start3A_156] : memref<10000x64xf32, #tpu.memory_space<vmem_shared>> -> memref<16x64xf32, #tpu.memory_space<vmem_shared>>
        %dma_start3A_158 = arith.constant 9984 : i32
        %dma_start3A_159 = arith.constant 0 : i32
        %dma_start3A_160 = tpu.memref_slice %arg3[%dma_start3A_158, %dma_start3A_159] : memref<10000x64xf32, #tpu.memory_space<hbm>> -> memref<16x64xf32, #tpu.memory_space<hbm>>
        tpu.enqueue_dma source(%dma_start3A_160 : memref<16x64xf32, #tpu.memory_space<hbm>>) target(%dma_start3A_157 : memref<16x64xf32, #tpu.memory_space<vmem_shared>>) target_semaphore(%run_scoped3A : memref<!tpu.dma_semaphore, #tpu.memory_space<semaphore_mem>>)
        %dma_wait3A_161 = arith.constant 9984 : i32
        %dma_wait3A_162 = arith.constant 0 : i32
        %dma_wait3A_163 = tpu.memref_slice %arg14[%dma_wait3A_161, %dma_wait3A_162] : memref<10000x64xf32, #tpu.memory_space<vmem_shared>> -> memref<16x64xf32, #tpu.memory_space<vmem_shared>>
        %dma_wait3A_164 = arith.constant 9984 : i32
        %dma_wait3A_165 = arith.constant 0 : i32
        %dma_wait3A_166 = tpu.memref_slice %arg3[%dma_wait3A_164, %dma_wait3A_165] : memref<10000x64xf32, #tpu.memory_space<hbm>> -> memref<16x64xf32, #tpu.memory_space<hbm>>
        tpu.wait_dma2 semaphore(%run_scoped3A : memref<!tpu.dma_semaphore, #tpu.memory_space<semaphore_mem>>) src(%dma_wait3A_166 : memref<16x64xf32, #tpu.memory_space<hbm>>) dst(%dma_wait3A_163 : memref<16x64xf32, #tpu.memory_space<vmem_shared>>)
        tpu.yield
      }) : () -> ()
    } else {
    }
    %barrier3A = arith.constant 0 : index
    tpu.barrier barrier_id(%barrier3A)
    %dma_start3A = arith.constant 0 : i32
    %dma_start3A_3 = arith.constant 0 : i32
    %dma_start3A_4 = tpu.memref_slice %arg7[%dma_start3A, %dma_start3A_3] : memref<160x125xi32, #tpu.memory_space<vmem>> -> memref<1x125xi32, #tpu.memory_space<vmem>>
    %dma_start3A_5 = tpu.memref_squeeze %dma_start3A_4 : memref<1x125xi32, #tpu.memory_space<vmem>> -> memref<125xi32, #tpu.memory_space<vmem>>
    %dma_start3A_6 = arith.constant 0 : i32
    %dma_start3A_7 = arith.constant 0 : i32
    %dma_start3A_8 = tpu.memref_slice %arg2[%dma_start3A_6, %dma_start3A_7] : memref<20000x64xf32, #tpu.memory_space<hbm>> -> memref<20000x64xf32, #tpu.memory_space<hbm>>
    tpu.enqueue_indirect_dma source(%dma_start3A_8 : memref<20000x64xf32, #tpu.memory_space<hbm>>) target(%arg9 : memref<125x64xf32, #tpu.memory_space<vmem>>) offsets(%dma_start3A_5 : memref<125xi32, #tpu.memory_space<vmem>>) semaphore(%arg15 : memref<!tpu.dma_semaphore, #tpu.memory_space<semaphore_mem>>)
    %dma_start3A_9 = arith.constant 1 : i32
    %dma_start3A_10 = arith.constant 0 : i32
    %dma_start3A_11 = tpu.memref_slice %arg7[%dma_start3A_9, %dma_start3A_10] : memref<160x125xi32, #tpu.memory_space<vmem>> -> memref<1x125xi32, #tpu.memory_space<vmem>>
    %dma_start3A_12 = tpu.memref_squeeze %dma_start3A_11 : memref<1x125xi32, #tpu.memory_space<vmem>> -> memref<125xi32, #tpu.memory_space<vmem>>
    %dma_start3A_13 = arith.constant 0 : i32
    %dma_start3A_14 = arith.constant 0 : i32
    %dma_start3A_15 = tpu.memref_slice %arg2[%dma_start3A_13, %dma_start3A_14] : memref<20000x64xf32, #tpu.memory_space<hbm>> -> memref<20000x64xf32, #tpu.memory_space<hbm>>
    tpu.enqueue_indirect_dma source(%dma_start3A_15 : memref<20000x64xf32, #tpu.memory_space<hbm>>) target(%arg10 : memref<125x64xf32, #tpu.memory_space<vmem>>) offsets(%dma_start3A_12 : memref<125xi32, #tpu.memory_space<vmem>>) semaphore(%arg16 : memref<!tpu.dma_semaphore, #tpu.memory_space<semaphore_mem>>)
    %dma_start3A_16 = arith.constant 2 : i32
    %dma_start3A_17 = arith.constant 0 : i32
    %dma_start3A_18 = tpu.memref_slice %arg7[%dma_start3A_16, %dma_start3A_17] : memref<160x125xi32, #tpu.memory_space<vmem>> -> memref<1x125xi32, #tpu.memory_space<vmem>>
    %dma_start3A_19 = tpu.memref_squeeze %dma_start3A_18 : memref<1x125xi32, #tpu.memory_space<vmem>> -> memref<125xi32, #tpu.memory_space<vmem>>
    %dma_start3A_20 = arith.constant 0 : i32
    %dma_start3A_21 = arith.constant 0 : i32
    %dma_start3A_22 = tpu.memref_slice %arg2[%dma_start3A_20, %dma_start3A_21] : memref<20000x64xf32, #tpu.memory_space<hbm>> -> memref<20000x64xf32, #tpu.memory_space<hbm>>
    tpu.enqueue_indirect_dma source(%dma_start3A_22 : memref<20000x64xf32, #tpu.memory_space<hbm>>) target(%arg11 : memref<125x64xf32, #tpu.memory_space<vmem>>) offsets(%dma_start3A_19 : memref<125xi32, #tpu.memory_space<vmem>>) semaphore(%arg17 : memref<!tpu.dma_semaphore, #tpu.memory_space<semaphore_mem>>)
    %dma_start3A_23 = arith.constant 3 : i32
    %dma_start3A_24 = arith.constant 0 : i32
    %dma_start3A_25 = tpu.memref_slice %arg7[%dma_start3A_23, %dma_start3A_24] : memref<160x125xi32, #tpu.memory_space<vmem>> -> memref<1x125xi32, #tpu.memory_space<vmem>>
    %dma_start3A_26 = tpu.memref_squeeze %dma_start3A_25 : memref<1x125xi32, #tpu.memory_space<vmem>> -> memref<125xi32, #tpu.memory_space<vmem>>
    %dma_start3A_27 = arith.constant 0 : i32
    %dma_start3A_28 = arith.constant 0 : i32
    %dma_start3A_29 = tpu.memref_slice %arg2[%dma_start3A_27, %dma_start3A_28] : memref<20000x64xf32, #tpu.memory_space<hbm>> -> memref<20000x64xf32, #tpu.memory_space<hbm>>
    tpu.enqueue_indirect_dma source(%dma_start3A_29 : memref<20000x64xf32, #tpu.memory_space<hbm>>) target(%arg12 : memref<125x64xf32, #tpu.memory_space<vmem>>) offsets(%dma_start3A_26 : memref<125xi32, #tpu.memory_space<vmem>>) semaphore(%arg18 : memref<!tpu.dma_semaphore, #tpu.memory_space<semaphore_mem>>)
    %dma_start3A_30 = arith.constant 4 : i32
    %dma_start3A_31 = arith.constant 0 : i32
    %dma_start3A_32 = tpu.memref_slice %arg7[%dma_start3A_30, %dma_start3A_31] : memref<160x125xi32, #tpu.memory_space<vmem>> -> memref<1x125xi32, #tpu.memory_space<vmem>>
    %dma_start3A_33 = tpu.memref_squeeze %dma_start3A_32 : memref<1x125xi32, #tpu.memory_space<vmem>> -> memref<125xi32, #tpu.memory_space<vmem>>
    %dma_start3A_34 = arith.constant 0 : i32
    %dma_start3A_35 = arith.constant 0 : i32
    %dma_start3A_36 = tpu.memref_slice %arg2[%dma_start3A_34, %dma_start3A_35] : memref<20000x64xf32, #tpu.memory_space<hbm>> -> memref<20000x64xf32, #tpu.memory_space<hbm>>
    tpu.enqueue_indirect_dma source(%dma_start3A_36 : memref<20000x64xf32, #tpu.memory_space<hbm>>) target(%arg13 : memref<125x64xf32, #tpu.memory_space<vmem>>) offsets(%dma_start3A_33 : memref<125xi32, #tpu.memory_space<vmem>>) semaphore(%arg19 : memref<!tpu.dma_semaphore, #tpu.memory_space<semaphore_mem>>)
    %dma_wait3A = arith.constant 0 : i32
    %dma_wait3A_37 = arith.constant 0 : i32
    %dma_wait3A_38 = tpu.memref_slice %arg7[%dma_wait3A, %dma_wait3A_37] : memref<160x125xi32, #tpu.memory_space<vmem>> -> memref<1x125xi32, #tpu.memory_space<vmem>>
    %dma_wait3A_39 = tpu.memref_squeeze %dma_wait3A_38 : memref<1x125xi32, #tpu.memory_space<vmem>> -> memref<125xi32, #tpu.memory_space<vmem>>
    %dma_wait3A_40 = arith.constant 0 : i32
    %dma_wait3A_41 = arith.constant 0 : i32
    %dma_wait3A_42 = tpu.memref_slice %arg2[%dma_wait3A_40, %dma_wait3A_41] : memref<20000x64xf32, #tpu.memory_space<hbm>> -> memref<20000x64xf32, #tpu.memory_space<hbm>>
    tpu.wait_indirect_dma semaphore(%arg15 : memref<!tpu.dma_semaphore, #tpu.memory_space<semaphore_mem>>) src(%dma_wait3A_42 : memref<20000x64xf32, #tpu.memory_space<hbm>>) dst(%arg9 : memref<125x64xf32, #tpu.memory_space<vmem>>)
    %dma_start3A_43 = arith.constant 0 : i32
    %dma_start3A_44 = arith.constant 0 : i32
    %dma_start3A_45 = tpu.memref_slice %arg8[%dma_start3A_43, %dma_start3A_44] : memref<160x125xi32, #tpu.memory_space<vmem>> -> memref<1x125xi32, #tpu.memory_space<vmem>>
    %dma_start3A_46 = tpu.memref_squeeze %dma_start3A_45 : memref<1x125xi32, #tpu.memory_space<vmem>> -> memref<125xi32, #tpu.memory_space<vmem>>
    %dma_start3A_47 = arith.constant 0 : i32
    %dma_start3A_48 = arith.constant 0 : i32
    %dma_start3A_49 = tpu.memref_slice %arg14[%dma_start3A_47, %dma_start3A_48] : memref<10000x64xf32, #tpu.memory_space<vmem_shared>> -> memref<10000x64xf32, #tpu.memory_space<vmem_shared>>
    tpu.enqueue_indirect_dma source(%arg9 : memref<125x64xf32, #tpu.memory_space<vmem>>) target(%dma_start3A_49 : memref<10000x64xf32, #tpu.memory_space<vmem_shared>>) offsets(%dma_start3A_46 : memref<125xi32, #tpu.memory_space<vmem>>) semaphore(%arg20 : memref<!tpu.dma_semaphore, #tpu.memory_space<semaphore_mem>>) {add = true}
    %scan3A = arith.constant 0 : i32
    %scan3A_50 = arith.constant 1 : i32
    %scan3A_51 = arith.constant 31 : i32
    %scan3A_52 = arith.addi %scan3A_50, %scan3A_51 : i32
    %scan3A_53 = arith.constant 1 : i32
    %scan3A_54 = scf.for %scan3A_155 = %scan3A_50 to %scan3A_52 step %scan3A_53 iter_args(%scan3A_156 = %scan3A) -> (i32)  : i32 {
      %mul3A_157 = arith.constant 5 : i32
      %mul3A_158 = arith.muli %mul3A_157, %scan3A_155 : i32
      %add3A = arith.constant 0 : i32
      %add3A_159 = arith.addi %mul3A_158, %add3A : i32
      %dma_wait3A_160 = arith.constant 0 : i32
      %dma_wait3A_161 = arith.constant 0 : i32
      %dma_wait3A_162 = tpu.memref_slice %arg8[%dma_wait3A_160, %dma_wait3A_161] : memref<160x125xi32, #tpu.memory_space<vmem>> -> memref<1x125xi32, #tpu.memory_space<vmem>>
      %dma_wait3A_163 = tpu.memref_squeeze %dma_wait3A_162 : memref<1x125xi32, #tpu.memory_space<vmem>> -> memref<125xi32, #tpu.memory_space<vmem>>
      %dma_wait3A_164 = arith.constant 0 : i32
      %dma_wait3A_165 = arith.constant 0 : i32
      %dma_wait3A_166 = tpu.memref_slice %arg14[%dma_wait3A_164, %dma_wait3A_165] : memref<10000x64xf32, #tpu.memory_space<vmem_shared>> -> memref<10000x64xf32, #tpu.memory_space<vmem_shared>>
      tpu.wait_indirect_dma semaphore(%arg20 : memref<!tpu.dma_semaphore, #tpu.memory_space<semaphore_mem>>) src(%arg9 : memref<125x64xf32, #tpu.memory_space<vmem>>) dst(%dma_wait3A_166 : memref<10000x64xf32, #tpu.memory_space<vmem_shared>>)
      %dma_start3A_167 = arith.constant 0 : i32
      %dma_start3A_168 = tpu.memref_slice %arg7[%add3A_159, %dma_start3A_167] : memref<160x125xi32, #tpu.memory_space<vmem>> -> memref<1x125xi32, #tpu.memory_space<vmem>>
      %dma_start3A_169 = tpu.memref_squeeze %dma_start3A_168 : memref<1x125xi32, #tpu.memory_space<vmem>> -> memref<125xi32, #tpu.memory_space<vmem>>
      %dma_start3A_170 = arith.constant 0 : i32
      %dma_start3A_171 = arith.constant 0 : i32
      %dma_start3A_172 = tpu.memref_slice %arg2[%dma_start3A_170, %dma_start3A_171] : memref<20000x64xf32, #tpu.memory_space<hbm>> -> memref<20000x64xf32, #tpu.memory_space<hbm>>
      tpu.enqueue_indirect_dma source(%dma_start3A_172 : memref<20000x64xf32, #tpu.memory_space<hbm>>) target(%arg9 : memref<125x64xf32, #tpu.memory_space<vmem>>) offsets(%dma_start3A_169 : memref<125xi32, #tpu.memory_space<vmem>>) semaphore(%arg15 : memref<!tpu.dma_semaphore, #tpu.memory_space<semaphore_mem>>)
      %dma_wait3A_173 = arith.constant 0 : i32
      %dma_wait3A_174 = arith.constant 0 : i32
      %dma_wait3A_175 = tpu.memref_slice %arg7[%dma_wait3A_173, %dma_wait3A_174] : memref<160x125xi32, #tpu.memory_space<vmem>> -> memref<1x125xi32, #tpu.memory_space<vmem>>
      %dma_wait3A_176 = tpu.memref_squeeze %dma_wait3A_175 : memref<1x125xi32, #tpu.memory_space<vmem>> -> memref<125xi32, #tpu.memory_space<vmem>>
      %dma_wait3A_177 = arith.constant 0 : i32
      %dma_wait3A_178 = arith.constant 0 : i32
      %dma_wait3A_179 = tpu.memref_slice %arg2[%dma_wait3A_177, %dma_wait3A_178] : memref<20000x64xf32, #tpu.memory_space<hbm>> -> memref<20000x64xf32, #tpu.memory_space<hbm>>
      tpu.wait_indirect_dma semaphore(%arg16 : memref<!tpu.dma_semaphore, #tpu.memory_space<semaphore_mem>>) src(%dma_wait3A_179 : memref<20000x64xf32, #tpu.memory_space<hbm>>) dst(%arg10 : memref<125x64xf32, #tpu.memory_space<vmem>>)
      %sub3A = arith.constant 4 : i32
      %sub3A_180 = arith.subi %add3A_159, %sub3A : i32
      %dma_start3A_181 = arith.constant 0 : i32
      %dma_start3A_182 = tpu.memref_slice %arg8[%sub3A_180, %dma_start3A_181] : memref<160x125xi32, #tpu.memory_space<vmem>> -> memref<1x125xi32, #tpu.memory_space<vmem>>
      %dma_start3A_183 = tpu.memref_squeeze %dma_start3A_182 : memref<1x125xi32, #tpu.memory_space<vmem>> -> memref<125xi32, #tpu.memory_space<vmem>>
      %dma_start3A_184 = arith.constant 0 : i32
      %dma_start3A_185 = arith.constant 0 : i32
      %dma_start3A_186 = tpu.memref_slice %arg14[%dma_start3A_184, %dma_start3A_185] : memref<10000x64xf32, #tpu.memory_space<vmem_shared>> -> memref<10000x64xf32, #tpu.memory_space<vmem_shared>>
      tpu.enqueue_indirect_dma source(%arg10 : memref<125x64xf32, #tpu.memory_space<vmem>>) target(%dma_start3A_186 : memref<10000x64xf32, #tpu.memory_space<vmem_shared>>) offsets(%dma_start3A_183 : memref<125xi32, #tpu.memory_space<vmem>>) semaphore(%arg21 : memref<!tpu.dma_semaphore, #tpu.memory_space<semaphore_mem>>) {add = true}
      %mul3A_187 = arith.constant 5 : i32
      %mul3A_188 = arith.muli %mul3A_187, %scan3A_155 : i32
      %add3A_189 = arith.constant 1 : i32
      %add3A_190 = arith.addi %mul3A_188, %add3A_189 : i32
      %dma_wait3A_191 = arith.constant 0 : i32
      %dma_wait3A_192 = arith.constant 0 : i32
      %dma_wait3A_193 = tpu.memref_slice %arg8[%dma_wait3A_191, %dma_wait3A_192] : memref<160x125xi32, #tpu.memory_space<vmem>> -> memref<1x125xi32, #tpu.memory_space<vmem>>
      %dma_wait3A_194 = tpu.memref_squeeze %dma_wait3A_193 : memref<1x125xi32, #tpu.memory_space<vmem>> -> memref<125xi32, #tpu.memory_space<vmem>>
      %dma_wait3A_195 = arith.constant 0 : i32
      %dma_wait3A_196 = arith.constant 0 : i32
      %dma_wait3A_197 = tpu.memref_slice %arg14[%dma_wait3A_195, %dma_wait3A_196] : memref<10000x64xf32, #tpu.memory_space<vmem_shared>> -> memref<10000x64xf32, #tpu.memory_space<vmem_shared>>
      tpu.wait_indirect_dma semaphore(%arg21 : memref<!tpu.dma_semaphore, #tpu.memory_space<semaphore_mem>>) src(%arg10 : memref<125x64xf32, #tpu.memory_space<vmem>>) dst(%dma_wait3A_197 : memref<10000x64xf32, #tpu.memory_space<vmem_shared>>)
      %dma_start3A_198 = arith.constant 0 : i32
      %dma_start3A_199 = tpu.memref_slice %arg7[%add3A_190, %dma_start3A_198] : memref<160x125xi32, #tpu.memory_space<vmem>> -> memref<1x125xi32, #tpu.memory_space<vmem>>
      %dma_start3A_200 = tpu.memref_squeeze %dma_start3A_199 : memref<1x125xi32, #tpu.memory_space<vmem>> -> memref<125xi32, #tpu.memory_space<vmem>>
      %dma_start3A_201 = arith.constant 0 : i32
      %dma_start3A_202 = arith.constant 0 : i32
      %dma_start3A_203 = tpu.memref_slice %arg2[%dma_start3A_201, %dma_start3A_202] : memref<20000x64xf32, #tpu.memory_space<hbm>> -> memref<20000x64xf32, #tpu.memory_space<hbm>>
      tpu.enqueue_indirect_dma source(%dma_start3A_203 : memref<20000x64xf32, #tpu.memory_space<hbm>>) target(%arg10 : memref<125x64xf32, #tpu.memory_space<vmem>>) offsets(%dma_start3A_200 : memref<125xi32, #tpu.memory_space<vmem>>) semaphore(%arg16 : memref<!tpu.dma_semaphore, #tpu.memory_space<semaphore_mem>>)
      %dma_wait3A_204 = arith.constant 0 : i32
      %dma_wait3A_205 = arith.constant 0 : i32
      %dma_wait3A_206 = tpu.memref_slice %arg7[%dma_wait3A_204, %dma_wait3A_205] : memref<160x125xi32, #tpu.memory_space<vmem>> -> memref<1x125xi32, #tpu.memory_space<vmem>>
      %dma_wait3A_207 = tpu.memref_squeeze %dma_wait3A_206 : memref<1x125xi32, #tpu.memory_space<vmem>> -> memref<125xi32, #tpu.memory_space<vmem>>
      %dma_wait3A_208 = arith.constant 0 : i32
      %dma_wait3A_209 = arith.constant 0 : i32
      %dma_wait3A_210 = tpu.memref_slice %arg2[%dma_wait3A_208, %dma_wait3A_209] : memref<20000x64xf32, #tpu.memory_space<hbm>> -> memref<20000x64xf32, #tpu.memory_space<hbm>>
      tpu.wait_indirect_dma semaphore(%arg17 : memref<!tpu.dma_semaphore, #tpu.memory_space<semaphore_mem>>) src(%dma_wait3A_210 : memref<20000x64xf32, #tpu.memory_space<hbm>>) dst(%arg11 : memref<125x64xf32, #tpu.memory_space<vmem>>)
      %sub3A_211 = arith.constant 4 : i32
      %sub3A_212 = arith.subi %add3A_190, %sub3A_211 : i32
      %dma_start3A_213 = arith.constant 0 : i32
      %dma_start3A_214 = tpu.memref_slice %arg8[%sub3A_212, %dma_start3A_213] : memref<160x125xi32, #tpu.memory_space<vmem>> -> memref<1x125xi32, #tpu.memory_space<vmem>>
      %dma_start3A_215 = tpu.memref_squeeze %dma_start3A_214 : memref<1x125xi32, #tpu.memory_space<vmem>> -> memref<125xi32, #tpu.memory_space<vmem>>
      %dma_start3A_216 = arith.constant 0 : i32
      %dma_start3A_217 = arith.constant 0 : i32
      %dma_start3A_218 = tpu.memref_slice %arg14[%dma_start3A_216, %dma_start3A_217] : memref<10000x64xf32, #tpu.memory_space<vmem_shared>> -> memref<10000x64xf32, #tpu.memory_space<vmem_shared>>
      tpu.enqueue_indirect_dma source(%arg11 : memref<125x64xf32, #tpu.memory_space<vmem>>) target(%dma_start3A_218 : memref<10000x64xf32, #tpu.memory_space<vmem_shared>>) offsets(%dma_start3A_215 : memref<125xi32, #tpu.memory_space<vmem>>) semaphore(%arg22 : memref<!tpu.dma_semaphore, #tpu.memory_space<semaphore_mem>>) {add = true}
      %mul3A_219 = arith.constant 5 : i32
      %mul3A_220 = arith.muli %mul3A_219, %scan3A_155 : i32
      %add3A_221 = arith.constant 2 : i32
      %add3A_222 = arith.addi %mul3A_220, %add3A_221 : i32
      %dma_wait3A_223 = arith.constant 0 : i32
      %dma_wait3A_224 = arith.constant 0 : i32
      %dma_wait3A_225 = tpu.memref_slice %arg8[%dma_wait3A_223, %dma_wait3A_224] : memref<160x125xi32, #tpu.memory_space<vmem>> -> memref<1x125xi32, #tpu.memory_space<vmem>>
      %dma_wait3A_226 = tpu.memref_squeeze %dma_wait3A_225 : memref<1x125xi32, #tpu.memory_space<vmem>> -> memref<125xi32, #tpu.memory_space<vmem>>
      %dma_wait3A_227 = arith.constant 0 : i32
      %dma_wait3A_228 = arith.constant 0 : i32
      %dma_wait3A_229 = tpu.memref_slice %arg14[%dma_wait3A_227, %dma_wait3A_228] : memref<10000x64xf32, #tpu.memory_space<vmem_shared>> -> memref<10000x64xf32, #tpu.memory_space<vmem_shared>>
      tpu.wait_indirect_dma semaphore(%arg22 : memref<!tpu.dma_semaphore, #tpu.memory_space<semaphore_mem>>) src(%arg11 : memref<125x64xf32, #tpu.memory_space<vmem>>) dst(%dma_wait3A_229 : memref<10000x64xf32, #tpu.memory_space<vmem_shared>>)
      %dma_start3A_230 = arith.constant 0 : i32
      %dma_start3A_231 = tpu.memref_slice %arg7[%add3A_222, %dma_start3A_230] : memref<160x125xi32, #tpu.memory_space<vmem>> -> memref<1x125xi32, #tpu.memory_space<vmem>>
      %dma_start3A_232 = tpu.memref_squeeze %dma_start3A_231 : memref<1x125xi32, #tpu.memory_space<vmem>> -> memref<125xi32, #tpu.memory_space<vmem>>
      %dma_start3A_233 = arith.constant 0 : i32
      %dma_start3A_234 = arith.constant 0 : i32
      %dma_start3A_235 = tpu.memref_slice %arg2[%dma_start3A_233, %dma_start3A_234] : memref<20000x64xf32, #tpu.memory_space<hbm>> -> memref<20000x64xf32, #tpu.memory_space<hbm>>
      tpu.enqueue_indirect_dma source(%dma_start3A_235 : memref<20000x64xf32, #tpu.memory_space<hbm>>) target(%arg11 : memref<125x64xf32, #tpu.memory_space<vmem>>) offsets(%dma_start3A_232 : memref<125xi32, #tpu.memory_space<vmem>>) semaphore(%arg17 : memref<!tpu.dma_semaphore, #tpu.memory_space<semaphore_mem>>)
      %dma_wait3A_236 = arith.constant 0 : i32
      %dma_wait3A_237 = arith.constant 0 : i32
      %dma_wait3A_238 = tpu.memref_slice %arg7[%dma_wait3A_236, %dma_wait3A_237] : memref<160x125xi32, #tpu.memory_space<vmem>> -> memref<1x125xi32, #tpu.memory_space<vmem>>
      %dma_wait3A_239 = tpu.memref_squeeze %dma_wait3A_238 : memref<1x125xi32, #tpu.memory_space<vmem>> -> memref<125xi32, #tpu.memory_space<vmem>>
      %dma_wait3A_240 = arith.constant 0 : i32
      %dma_wait3A_241 = arith.constant 0 : i32
      %dma_wait3A_242 = tpu.memref_slice %arg2[%dma_wait3A_240, %dma_wait3A_241] : memref<20000x64xf32, #tpu.memory_space<hbm>> -> memref<20000x64xf32, #tpu.memory_space<hbm>>
      tpu.wait_indirect_dma semaphore(%arg18 : memref<!tpu.dma_semaphore, #tpu.memory_space<semaphore_mem>>) src(%dma_wait3A_242 : memref<20000x64xf32, #tpu.memory_space<hbm>>) dst(%arg12 : memref<125x64xf32, #tpu.memory_space<vmem>>)
      %sub3A_243 = arith.constant 4 : i32
      %sub3A_244 = arith.subi %add3A_222, %sub3A_243 : i32
      %dma_start3A_245 = arith.constant 0 : i32
      %dma_start3A_246 = tpu.memref_slice %arg8[%sub3A_244, %dma_start3A_245] : memref<160x125xi32, #tpu.memory_space<vmem>> -> memref<1x125xi32, #tpu.memory_space<vmem>>
      %dma_start3A_247 = tpu.memref_squeeze %dma_start3A_246 : memref<1x125xi32, #tpu.memory_space<vmem>> -> memref<125xi32, #tpu.memory_space<vmem>>
      %dma_start3A_248 = arith.constant 0 : i32
      %dma_start3A_249 = arith.constant 0 : i32
      %dma_start3A_250 = tpu.memref_slice %arg14[%dma_start3A_248, %dma_start3A_249] : memref<10000x64xf32, #tpu.memory_space<vmem_shared>> -> memref<10000x64xf32, #tpu.memory_space<vmem_shared>>
      tpu.enqueue_indirect_dma source(%arg12 : memref<125x64xf32, #tpu.memory_space<vmem>>) target(%dma_start3A_250 : memref<10000x64xf32, #tpu.memory_space<vmem_shared>>) offsets(%dma_start3A_247 : memref<125xi32, #tpu.memory_space<vmem>>) semaphore(%arg23 : memref<!tpu.dma_semaphore, #tpu.memory_space<semaphore_mem>>) {add = true}
      %mul3A_251 = arith.constant 5 : i32
      %mul3A_252 = arith.muli %mul3A_251, %scan3A_155 : i32
      %add3A_253 = arith.constant 3 : i32
      %add3A_254 = arith.addi %mul3A_252, %add3A_253 : i32
      %dma_wait3A_255 = arith.constant 0 : i32
      %dma_wait3A_256 = arith.constant 0 : i32
      %dma_wait3A_257 = tpu.memref_slice %arg8[%dma_wait3A_255, %dma_wait3A_256] : memref<160x125xi32, #tpu.memory_space<vmem>> -> memref<1x125xi32, #tpu.memory_space<vmem>>
      %dma_wait3A_258 = tpu.memref_squeeze %dma_wait3A_257 : memref<1x125xi32, #tpu.memory_space<vmem>> -> memref<125xi32, #tpu.memory_space<vmem>>
      %dma_wait3A_259 = arith.constant 0 : i32
      %dma_wait3A_260 = arith.constant 0 : i32
      %dma_wait3A_261 = tpu.memref_slice %arg14[%dma_wait3A_259, %dma_wait3A_260] : memref<10000x64xf32, #tpu.memory_space<vmem_shared>> -> memref<10000x64xf32, #tpu.memory_space<vmem_shared>>
      tpu.wait_indirect_dma semaphore(%arg23 : memref<!tpu.dma_semaphore, #tpu.memory_space<semaphore_mem>>) src(%arg12 : memref<125x64xf32, #tpu.memory_space<vmem>>) dst(%dma_wait3A_261 : memref<10000x64xf32, #tpu.memory_space<vmem_shared>>)
      %dma_start3A_262 = arith.constant 0 : i32
      %dma_start3A_263 = tpu.memref_slice %arg7[%add3A_254, %dma_start3A_262] : memref<160x125xi32, #tpu.memory_space<vmem>> -> memref<1x125xi32, #tpu.memory_space<vmem>>
      %dma_start3A_264 = tpu.memref_squeeze %dma_start3A_263 : memref<1x125xi32, #tpu.memory_space<vmem>> -> memref<125xi32, #tpu.memory_space<vmem>>
      %dma_start3A_265 = arith.constant 0 : i32
      %dma_start3A_266 = arith.constant 0 : i32
      %dma_start3A_267 = tpu.memref_slice %arg2[%dma_start3A_265, %dma_start3A_266] : memref<20000x64xf32, #tpu.memory_space<hbm>> -> memref<20000x64xf32, #tpu.memory_space<hbm>>
      tpu.enqueue_indirect_dma source(%dma_start3A_267 : memref<20000x64xf32, #tpu.memory_space<hbm>>) target(%arg12 : memref<125x64xf32, #tpu.memory_space<vmem>>) offsets(%dma_start3A_264 : memref<125xi32, #tpu.memory_space<vmem>>) semaphore(%arg18 : memref<!tpu.dma_semaphore, #tpu.memory_space<semaphore_mem>>)
      %dma_wait3A_268 = arith.constant 0 : i32
      %dma_wait3A_269 = arith.constant 0 : i32
      %dma_wait3A_270 = tpu.memref_slice %arg7[%dma_wait3A_268, %dma_wait3A_269] : memref<160x125xi32, #tpu.memory_space<vmem>> -> memref<1x125xi32, #tpu.memory_space<vmem>>
      %dma_wait3A_271 = tpu.memref_squeeze %dma_wait3A_270 : memref<1x125xi32, #tpu.memory_space<vmem>> -> memref<125xi32, #tpu.memory_space<vmem>>
      %dma_wait3A_272 = arith.constant 0 : i32
      %dma_wait3A_273 = arith.constant 0 : i32
      %dma_wait3A_274 = tpu.memref_slice %arg2[%dma_wait3A_272, %dma_wait3A_273] : memref<20000x64xf32, #tpu.memory_space<hbm>> -> memref<20000x64xf32, #tpu.memory_space<hbm>>
      tpu.wait_indirect_dma semaphore(%arg19 : memref<!tpu.dma_semaphore, #tpu.memory_space<semaphore_mem>>) src(%dma_wait3A_274 : memref<20000x64xf32, #tpu.memory_space<hbm>>) dst(%arg13 : memref<125x64xf32, #tpu.memory_space<vmem>>)
      %sub3A_275 = arith.constant 4 : i32
      %sub3A_276 = arith.subi %add3A_254, %sub3A_275 : i32
      %dma_start3A_277 = arith.constant 0 : i32
      %dma_start3A_278 = tpu.memref_slice %arg8[%sub3A_276, %dma_start3A_277] : memref<160x125xi32, #tpu.memory_space<vmem>> -> memref<1x125xi32, #tpu.memory_space<vmem>>
      %dma_start3A_279 = tpu.memref_squeeze %dma_start3A_278 : memref<1x125xi32, #tpu.memory_space<vmem>> -> memref<125xi32, #tpu.memory_space<vmem>>
      %dma_start3A_280 = arith.constant 0 : i32
      %dma_start3A_281 = arith.constant 0 : i32
      %dma_start3A_282 = tpu.memref_slice %arg14[%dma_start3A_280, %dma_start3A_281] : memref<10000x64xf32, #tpu.memory_space<vmem_shared>> -> memref<10000x64xf32, #tpu.memory_space<vmem_shared>>
      tpu.enqueue_indirect_dma source(%arg13 : memref<125x64xf32, #tpu.memory_space<vmem>>) target(%dma_start3A_282 : memref<10000x64xf32, #tpu.memory_space<vmem_shared>>) offsets(%dma_start3A_279 : memref<125xi32, #tpu.memory_space<vmem>>) semaphore(%arg24 : memref<!tpu.dma_semaphore, #tpu.memory_space<semaphore_mem>>) {add = true}
      %mul3A_283 = arith.constant 5 : i32
      %mul3A_284 = arith.muli %mul3A_283, %scan3A_155 : i32
      %add3A_285 = arith.constant 4 : i32
      %add3A_286 = arith.addi %mul3A_284, %add3A_285 : i32
      %dma_wait3A_287 = arith.constant 0 : i32
      %dma_wait3A_288 = arith.constant 0 : i32
      %dma_wait3A_289 = tpu.memref_slice %arg8[%dma_wait3A_287, %dma_wait3A_288] : memref<160x125xi32, #tpu.memory_space<vmem>> -> memref<1x125xi32, #tpu.memory_space<vmem>>
      %dma_wait3A_290 = tpu.memref_squeeze %dma_wait3A_289 : memref<1x125xi32, #tpu.memory_space<vmem>> -> memref<125xi32, #tpu.memory_space<vmem>>
      %dma_wait3A_291 = arith.constant 0 : i32
      %dma_wait3A_292 = arith.constant 0 : i32
      %dma_wait3A_293 = tpu.memref_slice %arg14[%dma_wait3A_291, %dma_wait3A_292] : memref<10000x64xf32, #tpu.memory_space<vmem_shared>> -> memref<10000x64xf32, #tpu.memory_space<vmem_shared>>
      tpu.wait_indirect_dma semaphore(%arg24 : memref<!tpu.dma_semaphore, #tpu.memory_space<semaphore_mem>>) src(%arg13 : memref<125x64xf32, #tpu.memory_space<vmem>>) dst(%dma_wait3A_293 : memref<10000x64xf32, #tpu.memory_space<vmem_shared>>)
      %dma_start3A_294 = arith.constant 0 : i32
      %dma_start3A_295 = tpu.memref_slice %arg7[%add3A_286, %dma_start3A_294] : memref<160x125xi32, #tpu.memory_space<vmem>> -> memref<1x125xi32, #tpu.memory_space<vmem>>
      %dma_start3A_296 = tpu.memref_squeeze %dma_start3A_295 : memref<1x125xi32, #tpu.memory_space<vmem>> -> memref<125xi32, #tpu.memory_space<vmem>>
      %dma_start3A_297 = arith.constant 0 : i32
      %dma_start3A_298 = arith.constant 0 : i32
      %dma_start3A_299 = tpu.memref_slice %arg2[%dma_start3A_297, %dma_start3A_298] : memref<20000x64xf32, #tpu.memory_space<hbm>> -> memref<20000x64xf32, #tpu.memory_space<hbm>>
      tpu.enqueue_indirect_dma source(%dma_start3A_299 : memref<20000x64xf32, #tpu.memory_space<hbm>>) target(%arg13 : memref<125x64xf32, #tpu.memory_space<vmem>>) offsets(%dma_start3A_296 : memref<125xi32, #tpu.memory_space<vmem>>) semaphore(%arg19 : memref<!tpu.dma_semaphore, #tpu.memory_space<semaphore_mem>>)
      %dma_wait3A_300 = arith.constant 0 : i32
      %dma_wait3A_301 = arith.constant 0 : i32
      %dma_wait3A_302 = tpu.memref_slice %arg7[%dma_wait3A_300, %dma_wait3A_301] : memref<160x125xi32, #tpu.memory_space<vmem>> -> memref<1x125xi32, #tpu.memory_space<vmem>>
      %dma_wait3A_303 = tpu.memref_squeeze %dma_wait3A_302 : memref<1x125xi32, #tpu.memory_space<vmem>> -> memref<125xi32, #tpu.memory_space<vmem>>
      %dma_wait3A_304 = arith.constant 0 : i32
      %dma_wait3A_305 = arith.constant 0 : i32
      %dma_wait3A_306 = tpu.memref_slice %arg2[%dma_wait3A_304, %dma_wait3A_305] : memref<20000x64xf32, #tpu.memory_space<hbm>> -> memref<20000x64xf32, #tpu.memory_space<hbm>>
      tpu.wait_indirect_dma semaphore(%arg15 : memref<!tpu.dma_semaphore, #tpu.memory_space<semaphore_mem>>) src(%dma_wait3A_306 : memref<20000x64xf32, #tpu.memory_space<hbm>>) dst(%arg9 : memref<125x64xf32, #tpu.memory_space<vmem>>)
      %sub3A_307 = arith.constant 4 : i32
      %sub3A_308 = arith.subi %add3A_286, %sub3A_307 : i32
      %dma_start3A_309 = arith.constant 0 : i32
      %dma_start3A_310 = tpu.memref_slice %arg8[%sub3A_308, %dma_start3A_309] : memref<160x125xi32, #tpu.memory_space<vmem>> -> memref<1x125xi32, #tpu.memory_space<vmem>>
      %dma_start3A_311 = tpu.memref_squeeze %dma_start3A_310 : memref<1x125xi32, #tpu.memory_space<vmem>> -> memref<125xi32, #tpu.memory_space<vmem>>
      %dma_start3A_312 = arith.constant 0 : i32
      %dma_start3A_313 = arith.constant 0 : i32
      %dma_start3A_314 = tpu.memref_slice %arg14[%dma_start3A_312, %dma_start3A_313] : memref<10000x64xf32, #tpu.memory_space<vmem_shared>> -> memref<10000x64xf32, #tpu.memory_space<vmem_shared>>
      tpu.enqueue_indirect_dma source(%arg9 : memref<125x64xf32, #tpu.memory_space<vmem>>) target(%dma_start3A_314 : memref<10000x64xf32, #tpu.memory_space<vmem_shared>>) offsets(%dma_start3A_311 : memref<125xi32, #tpu.memory_space<vmem>>) semaphore(%arg20 : memref<!tpu.dma_semaphore, #tpu.memory_space<semaphore_mem>>) {add = true}
      %scan3A_315 = arith.constant 0 : i32
      scf.yield %scan3A_315 : i32
    }
    %scan3A_55 = arith.constant 31 : i32
    %dma_wait3A_56 = arith.constant 0 : i32
    %dma_wait3A_57 = arith.constant 0 : i32
    %dma_wait3A_58 = tpu.memref_slice %arg7[%dma_wait3A_56, %dma_wait3A_57] : memref<160x125xi32, #tpu.memory_space<vmem>> -> memref<1x125xi32, #tpu.memory_space<vmem>>
    %dma_wait3A_59 = tpu.memref_squeeze %dma_wait3A_58 : memref<1x125xi32, #tpu.memory_space<vmem>> -> memref<125xi32, #tpu.memory_space<vmem>>
    %dma_wait3A_60 = arith.constant 0 : i32
    %dma_wait3A_61 = arith.constant 0 : i32
    %dma_wait3A_62 = tpu.memref_slice %arg2[%dma_wait3A_60, %dma_wait3A_61] : memref<20000x64xf32, #tpu.memory_space<hbm>> -> memref<20000x64xf32, #tpu.memory_space<hbm>>
    tpu.wait_indirect_dma semaphore(%arg16 : memref<!tpu.dma_semaphore, #tpu.memory_space<semaphore_mem>>) src(%dma_wait3A_62 : memref<20000x64xf32, #tpu.memory_space<hbm>>) dst(%arg10 : memref<125x64xf32, #tpu.memory_space<vmem>>)
    %dma_start3A_63 = arith.constant 156 : i32
    %dma_start3A_64 = arith.constant 0 : i32
    %dma_start3A_65 = tpu.memref_slice %arg8[%dma_start3A_63, %dma_start3A_64] : memref<160x125xi32, #tpu.memory_space<vmem>> -> memref<1x125xi32, #tpu.memory_space<vmem>>
    %dma_start3A_66 = tpu.memref_squeeze %dma_start3A_65 : memref<1x125xi32, #tpu.memory_space<vmem>> -> memref<125xi32, #tpu.memory_space<vmem>>
    %dma_start3A_67 = arith.constant 0 : i32
    %dma_start3A_68 = arith.constant 0 : i32
    %dma_start3A_69 = tpu.memref_slice %arg14[%dma_start3A_67, %dma_start3A_68] : memref<10000x64xf32, #tpu.memory_space<vmem_shared>> -> memref<10000x64xf32, #tpu.memory_space<vmem_shared>>
    tpu.enqueue_indirect_dma source(%arg10 : memref<125x64xf32, #tpu.memory_space<vmem>>) target(%dma_start3A_69 : memref<10000x64xf32, #tpu.memory_space<vmem_shared>>) offsets(%dma_start3A_66 : memref<125xi32, #tpu.memory_space<vmem>>) semaphore(%arg21 : memref<!tpu.dma_semaphore, #tpu.memory_space<semaphore_mem>>) {add = true}
    %dma_wait3A_70 = arith.constant 0 : i32
    %dma_wait3A_71 = arith.constant 0 : i32
    %dma_wait3A_72 = tpu.memref_slice %arg7[%dma_wait3A_70, %dma_wait3A_71] : memref<160x125xi32, #tpu.memory_space<vmem>> -> memref<1x125xi32, #tpu.memory_space<vmem>>
    %dma_wait3A_73 = tpu.memref_squeeze %dma_wait3A_72 : memref<1x125xi32, #tpu.memory_space<vmem>> -> memref<125xi32, #tpu.memory_space<vmem>>
    %dma_wait3A_74 = arith.constant 0 : i32
    %dma_wait3A_75 = arith.constant 0 : i32
    %dma_wait3A_76 = tpu.memref_slice %arg2[%dma_wait3A_74, %dma_wait3A_75] : memref<20000x64xf32, #tpu.memory_space<hbm>> -> memref<20000x64xf32, #tpu.memory_space<hbm>>
    tpu.wait_indirect_dma semaphore(%arg17 : memref<!tpu.dma_semaphore, #tpu.memory_space<semaphore_mem>>) src(%dma_wait3A_76 : memref<20000x64xf32, #tpu.memory_space<hbm>>) dst(%arg11 : memref<125x64xf32, #tpu.memory_space<vmem>>)
    %dma_start3A_77 = arith.constant 157 : i32
    %dma_start3A_78 = arith.constant 0 : i32
    %dma_start3A_79 = tpu.memref_slice %arg8[%dma_start3A_77, %dma_start3A_78] : memref<160x125xi32, #tpu.memory_space<vmem>> -> memref<1x125xi32, #tpu.memory_space<vmem>>
    %dma_start3A_80 = tpu.memref_squeeze %dma_start3A_79 : memref<1x125xi32, #tpu.memory_space<vmem>> -> memref<125xi32, #tpu.memory_space<vmem>>
    %dma_start3A_81 = arith.constant 0 : i32
    %dma_start3A_82 = arith.constant 0 : i32
    %dma_start3A_83 = tpu.memref_slice %arg14[%dma_start3A_81, %dma_start3A_82] : memref<10000x64xf32, #tpu.memory_space<vmem_shared>> -> memref<10000x64xf32, #tpu.memory_space<vmem_shared>>
    tpu.enqueue_indirect_dma source(%arg11 : memref<125x64xf32, #tpu.memory_space<vmem>>) target(%dma_start3A_83 : memref<10000x64xf32, #tpu.memory_space<vmem_shared>>) offsets(%dma_start3A_80 : memref<125xi32, #tpu.memory_space<vmem>>) semaphore(%arg22 : memref<!tpu.dma_semaphore, #tpu.memory_space<semaphore_mem>>) {add = true}
    %dma_wait3A_84 = arith.constant 0 : i32
    %dma_wait3A_85 = arith.constant 0 : i32
    %dma_wait3A_86 = tpu.memref_slice %arg7[%dma_wait3A_84, %dma_wait3A_85] : memref<160x125xi32, #tpu.memory_space<vmem>> -> memref<1x125xi32, #tpu.memory_space<vmem>>
    %dma_wait3A_87 = tpu.memref_squeeze %dma_wait3A_86 : memref<1x125xi32, #tpu.memory_space<vmem>> -> memref<125xi32, #tpu.memory_space<vmem>>
    %dma_wait3A_88 = arith.constant 0 : i32
    %dma_wait3A_89 = arith.constant 0 : i32
    %dma_wait3A_90 = tpu.memref_slice %arg2[%dma_wait3A_88, %dma_wait3A_89] : memref<20000x64xf32, #tpu.memory_space<hbm>> -> memref<20000x64xf32, #tpu.memory_space<hbm>>
    tpu.wait_indirect_dma semaphore(%arg18 : memref<!tpu.dma_semaphore, #tpu.memory_space<semaphore_mem>>) src(%dma_wait3A_90 : memref<20000x64xf32, #tpu.memory_space<hbm>>) dst(%arg12 : memref<125x64xf32, #tpu.memory_space<vmem>>)
    %dma_start3A_91 = arith.constant 158 : i32
    %dma_start3A_92 = arith.constant 0 : i32
    %dma_start3A_93 = tpu.memref_slice %arg8[%dma_start3A_91, %dma_start3A_92] : memref<160x125xi32, #tpu.memory_space<vmem>> -> memref<1x125xi32, #tpu.memory_space<vmem>>
    %dma_start3A_94 = tpu.memref_squeeze %dma_start3A_93 : memref<1x125xi32, #tpu.memory_space<vmem>> -> memref<125xi32, #tpu.memory_space<vmem>>
    %dma_start3A_95 = arith.constant 0 : i32
    %dma_start3A_96 = arith.constant 0 : i32
    %dma_start3A_97 = tpu.memref_slice %arg14[%dma_start3A_95, %dma_start3A_96] : memref<10000x64xf32, #tpu.memory_space<vmem_shared>> -> memref<10000x64xf32, #tpu.memory_space<vmem_shared>>
    tpu.enqueue_indirect_dma source(%arg12 : memref<125x64xf32, #tpu.memory_space<vmem>>) target(%dma_start3A_97 : memref<10000x64xf32, #tpu.memory_space<vmem_shared>>) offsets(%dma_start3A_94 : memref<125xi32, #tpu.memory_space<vmem>>) semaphore(%arg23 : memref<!tpu.dma_semaphore, #tpu.memory_space<semaphore_mem>>) {add = true}
    %dma_wait3A_98 = arith.constant 0 : i32
    %dma_wait3A_99 = arith.constant 0 : i32
    %dma_wait3A_100 = tpu.memref_slice %arg7[%dma_wait3A_98, %dma_wait3A_99] : memref<160x125xi32, #tpu.memory_space<vmem>> -> memref<1x125xi32, #tpu.memory_space<vmem>>
    %dma_wait3A_101 = tpu.memref_squeeze %dma_wait3A_100 : memref<1x125xi32, #tpu.memory_space<vmem>> -> memref<125xi32, #tpu.memory_space<vmem>>
    %dma_wait3A_102 = arith.constant 0 : i32
    %dma_wait3A_103 = arith.constant 0 : i32
    %dma_wait3A_104 = tpu.memref_slice %arg2[%dma_wait3A_102, %dma_wait3A_103] : memref<20000x64xf32, #tpu.memory_space<hbm>> -> memref<20000x64xf32, #tpu.memory_space<hbm>>
    tpu.wait_indirect_dma semaphore(%arg19 : memref<!tpu.dma_semaphore, #tpu.memory_space<semaphore_mem>>) src(%dma_wait3A_104 : memref<20000x64xf32, #tpu.memory_space<hbm>>) dst(%arg13 : memref<125x64xf32, #tpu.memory_space<vmem>>)
    %dma_start3A_105 = arith.constant 159 : i32
    %dma_start3A_106 = arith.constant 0 : i32
    %dma_start3A_107 = tpu.memref_slice %arg8[%dma_start3A_105, %dma_start3A_106] : memref<160x125xi32, #tpu.memory_space<vmem>> -> memref<1x125xi32, #tpu.memory_space<vmem>>
    %dma_start3A_108 = tpu.memref_squeeze %dma_start3A_107 : memref<1x125xi32, #tpu.memory_space<vmem>> -> memref<125xi32, #tpu.memory_space<vmem>>
    %dma_start3A_109 = arith.constant 0 : i32
    %dma_start3A_110 = arith.constant 0 : i32
    %dma_start3A_111 = tpu.memref_slice %arg14[%dma_start3A_109, %dma_start3A_110] : memref<10000x64xf32, #tpu.memory_space<vmem_shared>> -> memref<10000x64xf32, #tpu.memory_space<vmem_shared>>
    tpu.enqueue_indirect_dma source(%arg13 : memref<125x64xf32, #tpu.memory_space<vmem>>) target(%dma_start3A_111 : memref<10000x64xf32, #tpu.memory_space<vmem_shared>>) offsets(%dma_start3A_108 : memref<125xi32, #tpu.memory_space<vmem>>) semaphore(%arg24 : memref<!tpu.dma_semaphore, #tpu.memory_space<semaphore_mem>>) {add = true}
    %dma_wait3A_112 = arith.constant 0 : i32
    %dma_wait3A_113 = arith.constant 0 : i32
    %dma_wait3A_114 = tpu.memref_slice %arg8[%dma_wait3A_112, %dma_wait3A_113] : memref<160x125xi32, #tpu.memory_space<vmem>> -> memref<1x125xi32, #tpu.memory_space<vmem>>
    %dma_wait3A_115 = tpu.memref_squeeze %dma_wait3A_114 : memref<1x125xi32, #tpu.memory_space<vmem>> -> memref<125xi32, #tpu.memory_space<vmem>>
    %dma_wait3A_116 = arith.constant 0 : i32
    %dma_wait3A_117 = arith.constant 0 : i32
    %dma_wait3A_118 = tpu.memref_slice %arg14[%dma_wait3A_116, %dma_wait3A_117] : memref<10000x64xf32, #tpu.memory_space<vmem_shared>> -> memref<10000x64xf32, #tpu.memory_space<vmem_shared>>
    tpu.wait_indirect_dma semaphore(%arg20 : memref<!tpu.dma_semaphore, #tpu.memory_space<semaphore_mem>>) src(%arg9 : memref<125x64xf32, #tpu.memory_space<vmem>>) dst(%dma_wait3A_118 : memref<10000x64xf32, #tpu.memory_space<vmem_shared>>)
    %dma_wait3A_119 = arith.constant 0 : i32
    %dma_wait3A_120 = arith.constant 0 : i32
    %dma_wait3A_121 = tpu.memref_slice %arg8[%dma_wait3A_119, %dma_wait3A_120] : memref<160x125xi32, #tpu.memory_space<vmem>> -> memref<1x125xi32, #tpu.memory_space<vmem>>
    %dma_wait3A_122 = tpu.memref_squeeze %dma_wait3A_121 : memref<1x125xi32, #tpu.memory_space<vmem>> -> memref<125xi32, #tpu.memory_space<vmem>>
    %dma_wait3A_123 = arith.constant 0 : i32
    %dma_wait3A_124 = arith.constant 0 : i32
    %dma_wait3A_125 = tpu.memref_slice %arg14[%dma_wait3A_123, %dma_wait3A_124] : memref<10000x64xf32, #tpu.memory_space<vmem_shared>> -> memref<10000x64xf32, #tpu.memory_space<vmem_shared>>
    tpu.wait_indirect_dma semaphore(%arg21 : memref<!tpu.dma_semaphore, #tpu.memory_space<semaphore_mem>>) src(%arg10 : memref<125x64xf32, #tpu.memory_space<vmem>>) dst(%dma_wait3A_125 : memref<10000x64xf32, #tpu.memory_space<vmem_shared>>)
    %dma_wait3A_126 = arith.constant 0 : i32
    %dma_wait3A_127 = arith.constant 0 : i32
    %dma_wait3A_128 = tpu.memref_slice %arg8[%dma_wait3A_126, %dma_wait3A_127] : memref<160x125xi32, #tpu.memory_space<vmem>> -> memref<1x125xi32, #tpu.memory_space<vmem>>
    %dma_wait3A_129 = tpu.memref_squeeze %dma_wait3A_128 : memref<1x125xi32, #tpu.memory_space<vmem>> -> memref<125xi32, #tpu.memory_space<vmem>>
    %dma_wait3A_130 = arith.constant 0 : i32
    %dma_wait3A_131 = arith.constant 0 : i32
    %dma_wait3A_132 = tpu.memref_slice %arg14[%dma_wait3A_130, %dma_wait3A_131] : memref<10000x64xf32, #tpu.memory_space<vmem_shared>> -> memref<10000x64xf32, #tpu.memory_space<vmem_shared>>
    tpu.wait_indirect_dma semaphore(%arg22 : memref<!tpu.dma_semaphore, #tpu.memory_space<semaphore_mem>>) src(%arg11 : memref<125x64xf32, #tpu.memory_space<vmem>>) dst(%dma_wait3A_132 : memref<10000x64xf32, #tpu.memory_space<vmem_shared>>)
    %dma_wait3A_133 = arith.constant 0 : i32
    %dma_wait3A_134 = arith.constant 0 : i32
    %dma_wait3A_135 = tpu.memref_slice %arg8[%dma_wait3A_133, %dma_wait3A_134] : memref<160x125xi32, #tpu.memory_space<vmem>> -> memref<1x125xi32, #tpu.memory_space<vmem>>
    %dma_wait3A_136 = tpu.memref_squeeze %dma_wait3A_135 : memref<1x125xi32, #tpu.memory_space<vmem>> -> memref<125xi32, #tpu.memory_space<vmem>>
    %dma_wait3A_137 = arith.constant 0 : i32
    %dma_wait3A_138 = arith.constant 0 : i32
    %dma_wait3A_139 = tpu.memref_slice %arg14[%dma_wait3A_137, %dma_wait3A_138] : memref<10000x64xf32, #tpu.memory_space<vmem_shared>> -> memref<10000x64xf32, #tpu.memory_space<vmem_shared>>
    tpu.wait_indirect_dma semaphore(%arg23 : memref<!tpu.dma_semaphore, #tpu.memory_space<semaphore_mem>>) src(%arg12 : memref<125x64xf32, #tpu.memory_space<vmem>>) dst(%dma_wait3A_139 : memref<10000x64xf32, #tpu.memory_space<vmem_shared>>)
    %dma_wait3A_140 = arith.constant 0 : i32
    %dma_wait3A_141 = arith.constant 0 : i32
    %dma_wait3A_142 = tpu.memref_slice %arg8[%dma_wait3A_140, %dma_wait3A_141] : memref<160x125xi32, #tpu.memory_space<vmem>> -> memref<1x125xi32, #tpu.memory_space<vmem>>
    %dma_wait3A_143 = tpu.memref_squeeze %dma_wait3A_142 : memref<1x125xi32, #tpu.memory_space<vmem>> -> memref<125xi32, #tpu.memory_space<vmem>>
    %dma_wait3A_144 = arith.constant 0 : i32
    %dma_wait3A_145 = arith.constant 0 : i32
    %dma_wait3A_146 = tpu.memref_slice %arg14[%dma_wait3A_144, %dma_wait3A_145] : memref<10000x64xf32, #tpu.memory_space<vmem_shared>> -> memref<10000x64xf32, #tpu.memory_space<vmem_shared>>
    tpu.wait_indirect_dma semaphore(%arg24 : memref<!tpu.dma_semaphore, #tpu.memory_space<semaphore_mem>>) src(%arg13 : memref<125x64xf32, #tpu.memory_space<vmem>>) dst(%dma_wait3A_146 : memref<10000x64xf32, #tpu.memory_space<vmem_shared>>)
    %barrier3A_147 = arith.constant 0 : index
    tpu.barrier barrier_id(%barrier3A_147)
    %mul3A_148 = arith.constant 64 : i32
    %mul3A_149 = arith.muli %arg0, %mul3A_148 : i32
    "tpu.region"() ({
      %run_scoped3A = tpu.sem_alloc : memref<!tpu.dma_semaphore, #tpu.memory_space<semaphore_mem>>
      %dma_start3A_155 = tpu.memref_slice %arg6[%mul3A_0, %mul3A_149] : memref<10000x128xf32, #tpu.memory_space<hbm>> -> memref<624x64xf32, #tpu.memory_space<hbm>>
      %dma_start3A_156 = arith.constant 0 : i32
      %dma_start3A_157 = tpu.memref_slice %arg14[%mul3A_0, %dma_start3A_156] : memref<10000x64xf32, #tpu.memory_space<vmem_shared>> -> memref<624x64xf32, #tpu.memory_space<vmem_shared>>
      tpu.enqueue_dma source(%dma_start3A_157 : memref<624x64xf32, #tpu.memory_space<vmem_shared>>) target(%dma_start3A_155 : memref<624x64xf32, #tpu.memory_space<hbm>>) target_semaphore(%run_scoped3A : memref<!tpu.dma_semaphore, #tpu.memory_space<semaphore_mem>>)
      %dma_wait3A_158 = tpu.memref_slice %arg6[%mul3A_0, %mul3A_149] : memref<10000x128xf32, #tpu.memory_space<hbm>> -> memref<624x64xf32, #tpu.memory_space<hbm>>
      %dma_wait3A_159 = arith.constant 0 : i32
      %dma_wait3A_160 = tpu.memref_slice %arg14[%mul3A_0, %dma_wait3A_159] : memref<10000x64xf32, #tpu.memory_space<vmem_shared>> -> memref<624x64xf32, #tpu.memory_space<vmem_shared>>
      tpu.wait_dma2 semaphore(%run_scoped3A : memref<!tpu.dma_semaphore, #tpu.memory_space<semaphore_mem>>) src(%dma_wait3A_160 : memref<624x64xf32, #tpu.memory_space<vmem_shared>>) dst(%dma_wait3A_158 : memref<624x64xf32, #tpu.memory_space<hbm>>)
      tpu.yield
    }) : () -> ()
    %eq3A_150 = arith.constant 15 : i32
    %eq3A_151 = arith.cmpi eq, %arg1, %eq3A_150 : i32
    %convert_element_type3A_152 = arith.extui %eq3A_151 : i1 to i32
    %cond3A_153 = arith.constant 0 : i32
    %cond3A_154 = arith.cmpi ne, %convert_element_type3A_152, %cond3A_153 : i32
    scf.if %cond3A_154 {
      "tpu.region"() ({
        %run_scoped3A = tpu.sem_alloc : memref<!tpu.dma_semaphore, #tpu.memory_space<semaphore_mem>>
        %dma_start3A_155 = arith.constant 9984 : i32
        %dma_start3A_156 = tpu.memref_slice %arg6[%dma_start3A_155, %mul3A_149] : memref<10000x128xf32, #tpu.memory_space<hbm>> -> memref<16x64xf32, #tpu.memory_space<hbm>>
        %dma_start3A_157 = arith.constant 9984 : i32
        %dma_start3A_158 = arith.constant 0 : i32
        %dma_start3A_159 = tpu.memref_slice %arg14[%dma_start3A_157, %dma_start3A_158] : memref<10000x64xf32, #tpu.memory_space<vmem_shared>> -> memref<16x64xf32, #tpu.memory_space<vmem_shared>>
        tpu.enqueue_dma source(%dma_start3A_159 : memref<16x64xf32, #tpu.memory_space<vmem_shared>>) target(%dma_start3A_156 : memref<16x64xf32, #tpu.memory_space<hbm>>) target_semaphore(%run_scoped3A : memref<!tpu.dma_semaphore, #tpu.memory_space<semaphore_mem>>)
        %dma_wait3A_160 = arith.constant 9984 : i32
        %dma_wait3A_161 = tpu.memref_slice %arg6[%dma_wait3A_160, %mul3A_149] : memref<10000x128xf32, #tpu.memory_space<hbm>> -> memref<16x64xf32, #tpu.memory_space<hbm>>
        %dma_wait3A_162 = arith.constant 9984 : i32
        %dma_wait3A_163 = arith.constant 0 : i32
        %dma_wait3A_164 = tpu.memref_slice %arg14[%dma_wait3A_162, %dma_wait3A_163] : memref<10000x64xf32, #tpu.memory_space<vmem_shared>> -> memref<16x64xf32, #tpu.memory_space<vmem_shared>>
        tpu.wait_dma2 semaphore(%run_scoped3A : memref<!tpu.dma_semaphore, #tpu.memory_space<semaphore_mem>>) src(%dma_wait3A_164 : memref<16x64xf32, #tpu.memory_space<vmem_shared>>) dst(%dma_wait3A_161 : memref<16x64xf32, #tpu.memory_space<hbm>>)
        tpu.yield
      }) : () -> ()
    } else {
    }
    return
  }
}

module attributes {stable_mosaic.version = 14 : i64} {
  func.func @_tc1_body(%arg0: memref<10000x128xf32, #tpu.memory_space<vmem>>, %arg1: memref<128x128xf32, #tpu.memory_space<vmem>>, %arg2: memref<32x10000xf32, #tpu.memory_space<vmem>>, %arg3: memref<10000x128xf32, #tpu.memory_space<vmem>>, %arg4: memref<10000x128xf32, #tpu.memory_space<vmem>>) attributes {dimension_semantics = [], scalar_prefetch = 0 : i64, scratch_operands = 0 : i64, tpu.core_type = #tpu.core_type<tc>} {
    %broadcast_in_dim3A = arith.constant 1.000000e+00 : f32
    %broadcast_in_dim3A_0 = vector.broadcast %broadcast_in_dim3A : f32 to vector<32x128xf32>
    %get3A = arith.constant 0 : index
    %get3A_1 = arith.constant 0 : index
    %get3A_2 = vector.load %arg2[%get3A, %get3A_1] : memref<32x10000xf32, #tpu.memory_space<vmem>>, vector<32x10000xf32>
    %dot_general3A = arith.constant dense<0.000000e+00> : vector<10000x128xf32>
    %dot_general3A_3 = tpu.matmul %get3A_2, %broadcast_in_dim3A_0, %dot_general3A {dimension_numbers = #tpu.dot_dimension_numbers<[0], [0], [1], [1], [0, 1, 1, 1], [], []>, transpose_lhs_hint = false} : vector<32x10000xf32>, vector<32x128xf32>, vector<10000x128xf32> -> vector<10000x128xf32>
    %add3A = arith.constant 1.000000e+00 : f32
    %add3A_4 = vector.broadcast %add3A : f32 to vector<10000x128xf32>
    %add3A_5 = arith.addf %dot_general3A_3, %add3A_4 : vector<10000x128xf32>
    %rsqrt3A = math.rsqrt %add3A_5 : vector<10000x128xf32>
    %get3A_6 = arith.constant 0 : index
    %get3A_7 = arith.constant 0 : index
    %get3A_8 = vector.load %arg0[%get3A_6, %get3A_7] : memref<10000x128xf32, #tpu.memory_space<vmem>>, vector<10000x128xf32>
    %get3A_9 = arith.constant 0 : index
    %get3A_10 = arith.constant 0 : index
    %get3A_11 = vector.load %arg1[%get3A_9, %get3A_10] : memref<128x128xf32, #tpu.memory_space<vmem>>, vector<128x128xf32>
    %dot_general3A_12 = arith.constant dense<0.000000e+00> : vector<10000x128xf32>
    %dot_general3A_13 = tpu.matmul %get3A_8, %get3A_11, %dot_general3A_12 {dimension_numbers = #tpu.dot_dimension_numbers<[1], [0], [0], [1], [0, 0, 1, 1], [], []>, transpose_lhs_hint = false} : vector<10000x128xf32>, vector<128x128xf32>, vector<10000x128xf32> -> vector<10000x128xf32>
    %mul3A = arith.mulf %dot_general3A_13, %rsqrt3A : vector<10000x128xf32>
    %swap3A = arith.constant 0 : index
    %swap3A_14 = arith.constant 0 : index
    %swap3A_15 = vector.load %arg3[%swap3A, %swap3A_14] : memref<10000x128xf32, #tpu.memory_space<vmem>>, vector<10000x128xf32>
    tpu.vector_store %arg3[%swap3A, %swap3A_14], %mul3A {strides = array<i32>} : memref<10000x128xf32, #tpu.memory_space<vmem>>, vector<10000x128xf32>,
    %swap3A_16 = arith.constant 0 : index
    %swap3A_17 = arith.constant 0 : index
    %swap3A_18 = vector.load %arg4[%swap3A_16, %swap3A_17] : memref<10000x128xf32, #tpu.memory_space<vmem>>, vector<10000x128xf32>
    tpu.vector_store %arg4[%swap3A_16, %swap3A_17], %rsqrt3A {strides = array<i32>} : memref<10000x128xf32, #tpu.memory_space<vmem>>, vector<10000x128xf32>,
    return
  }
}

module attributes {stable_mosaic.version = 14 : i64} {
  func.func @_tc2_body(%arg0: memref<10000x128xf32, #tpu.memory_space<vmem>>, %arg1: memref<10000x128xf32, #tpu.memory_space<vmem>>, %arg2: memref<10000x128xf32, #tpu.memory_space<vmem>>, %arg3: memref<128xf32, #tpu.memory_space<vmem>>, %arg4: memref<128xf32, #tpu.memory_space<vmem>>, %arg5: memref<128xf32, #tpu.memory_space<vmem>>, %arg6: memref<128x128xf32, #tpu.memory_space<vmem>>, %arg7: memref<10000x128xf32, #tpu.memory_space<vmem>>) attributes {dimension_semantics = [], scalar_prefetch = 0 : i64, scratch_operands = 0 : i64, tpu.core_type = #tpu.core_type<tc>} {
    %get3A = arith.constant 0 : index
    %get3A_0 = arith.constant 0 : index
    %get3A_1 = vector.load %arg2[%get3A, %get3A_0] : memref<10000x128xf32, #tpu.memory_space<vmem>>, vector<10000x128xf32>
    %get3A_2 = arith.constant 0 : index
    %get3A_3 = arith.constant 0 : index
    %get3A_4 = vector.load %arg0[%get3A_2, %get3A_3] : memref<10000x128xf32, #tpu.memory_space<vmem>>, vector<10000x128xf32>
    %get3A_5 = arith.constant 0 : index
    %get3A_6 = arith.constant 0 : index
    %get3A_7 = vector.load %arg1[%get3A_5, %get3A_6] : memref<10000x128xf32, #tpu.memory_space<vmem>>, vector<10000x128xf32>
    %add3A = arith.addf %get3A_4, %get3A_7 : vector<10000x128xf32>
    %mul3A = arith.mulf %add3A, %get3A_1 : vector<10000x128xf32>
    %get3A_8 = arith.constant 0 : index
    %get3A_9 = vector.load %arg3[%get3A_8] : memref<128xf32, #tpu.memory_space<vmem>>, vector<128xf32>
    %broadcast_in_dim3A = vector.shape_cast %get3A_9 : vector<128xf32> to vector<1x128xf32>
    %add3A_10 = vector.broadcast %broadcast_in_dim3A : vector<1x128xf32> to vector<10000x128xf32>
    %add3A_11 = arith.addf %mul3A, %add3A_10 : vector<10000x128xf32>
    %get3A_12 = arith.constant 0 : index
    %get3A_13 = vector.load %arg4[%get3A_12] : memref<128xf32, #tpu.memory_space<vmem>>, vector<128xf32>
    %get3A_14 = arith.constant 0 : index
    %get3A_15 = vector.load %arg5[%get3A_14] : memref<128xf32, #tpu.memory_space<vmem>>, vector<128xf32>
    %reduce_sum3A = arith.constant dense<0.000000e+00> : vector<128xf32>
    %reduce_sum3A_16 = vector.multi_reduction <add>, %add3A_11, %reduce_sum3A [0] : vector<10000x128xf32> to vector<128xf32>
    %broadcast_in_dim3A_17 = vector.shape_cast %reduce_sum3A_16 : vector<128xf32> to vector<1x128xf32>
    %div3A = arith.constant 1.000000e+04 : f32
    %div3A_18 = vector.broadcast %div3A : f32 to vector<1x128xf32>
    %div3A_19 = arith.divf %broadcast_in_dim3A_17, %div3A_18 : vector<1x128xf32>
    %sub3A = vector.broadcast %div3A_19 : vector<1x128xf32> to vector<10000x128xf32>
    %sub3A_20 = arith.subf %add3A_11, %sub3A : vector<10000x128xf32>
    %mul3A_21 = arith.mulf %sub3A_20, %sub3A_20 : vector<10000x128xf32>
    %reduce_sum3A_22 = arith.constant dense<0.000000e+00> : vector<128xf32>
    %reduce_sum3A_23 = vector.multi_reduction <add>, %mul3A_21, %reduce_sum3A_22 [0] : vector<10000x128xf32> to vector<128xf32>
    %broadcast_in_dim3A_24 = vector.shape_cast %reduce_sum3A_23 : vector<128xf32> to vector<1x128xf32>
    %div3A_25 = arith.constant 1.000000e+04 : f32
    %div3A_26 = vector.broadcast %div3A_25 : f32 to vector<1x128xf32>
    %div3A_27 = arith.divf %broadcast_in_dim3A_24, %div3A_26 : vector<1x128xf32>
    %add3A_28 = arith.constant 9.99999974E-6 : f32
    %add3A_29 = vector.broadcast %add3A_28 : f32 to vector<1x128xf32>
    %add3A_30 = arith.addf %div3A_27, %add3A_29 : vector<1x128xf32>
    %rsqrt3A = math.rsqrt %add3A_30 : vector<1x128xf32>
    %mul3A_31 = vector.broadcast %rsqrt3A : vector<1x128xf32> to vector<10000x128xf32>
    %mul3A_32 = arith.mulf %sub3A_20, %mul3A_31 : vector<10000x128xf32>
    %broadcast_in_dim3A_33 = vector.shape_cast %get3A_13 : vector<128xf32> to vector<1x128xf32>
    %mul3A_34 = vector.broadcast %broadcast_in_dim3A_33 : vector<1x128xf32> to vector<10000x128xf32>
    %mul3A_35 = arith.mulf %mul3A_32, %mul3A_34 : vector<10000x128xf32>
    %broadcast_in_dim3A_36 = vector.shape_cast %get3A_15 : vector<128xf32> to vector<1x128xf32>
    %add3A_37 = vector.broadcast %broadcast_in_dim3A_36 : vector<1x128xf32> to vector<10000x128xf32>
    %add3A_38 = arith.addf %mul3A_35, %add3A_37 : vector<10000x128xf32>
    %max3A = arith.constant 0.000000e+00 : f32
    %max3A_39 = vector.broadcast %max3A : f32 to vector<10000x128xf32>
    %max3A_40 = arith.maximumf %add3A_38, %max3A_39 : vector<10000x128xf32>
    %get3A_41 = arith.constant 0 : index
    %get3A_42 = arith.constant 0 : index
    %get3A_43 = vector.load %arg6[%get3A_41, %get3A_42] : memref<128x128xf32, #tpu.memory_space<vmem>>, vector<128x128xf32>
    %dot_general3A = arith.constant dense<0.000000e+00> : vector<10000x128xf32>
    %dot_general3A_44 = tpu.matmul %max3A_40, %get3A_43, %dot_general3A {dimension_numbers = #tpu.dot_dimension_numbers<[1], [0], [0], [1], [0, 0, 1, 1], [], []>, transpose_lhs_hint = false} : vector<10000x128xf32>, vector<128x128xf32>, vector<10000x128xf32> -> vector<10000x128xf32>
    %mul3A_45 = arith.mulf %dot_general3A_44, %get3A_1 : vector<10000x128xf32>
    %swap3A = arith.constant 0 : index
    %swap3A_46 = arith.constant 0 : index
    %swap3A_47 = vector.load %arg7[%swap3A, %swap3A_46] : memref<10000x128xf32, #tpu.memory_space<vmem>>, vector<10000x128xf32>
    tpu.vector_store %arg7[%swap3A, %swap3A_46], %mul3A_45 {strides = array<i32>} : memref<10000x128xf32, #tpu.memory_space<vmem>>, vector<10000x128xf32>,
    return
  }
}

module attributes {stable_mosaic.version = 14 : i64} {
  func.func @_tc3_body(%arg0: memref<10000x128xf32, #tpu.memory_space<vmem>>, %arg1: memref<10000x128xf32, #tpu.memory_space<vmem>>, %arg2: memref<10000x128xf32, #tpu.memory_space<vmem>>, %arg3: memref<128xf32, #tpu.memory_space<vmem>>, %arg4: memref<128xf32, #tpu.memory_space<vmem>>, %arg5: memref<128xf32, #tpu.memory_space<vmem>>, %arg6: memref<1x128xi32, #tpu.memory_space<vmem>>, %arg7: memref<1x128xi32, #tpu.memory_space<vmem>>, %arg8: memref<128x128xf32, #tpu.memory_space<vmem>>, %arg9: memref<128xf32, #tpu.memory_space<vmem>>, %arg10: memref<128x128xf32, #tpu.memory_space<vmem>>) attributes {dimension_semantics = [], scalar_prefetch = 0 : i64, scratch_operands = 0 : i64, tpu.core_type = #tpu.core_type<tc>} {
    %get3A = arith.constant 0 : index
    %get3A_0 = arith.constant 0 : index
    %get3A_1 = vector.load %arg0[%get3A, %get3A_0] : memref<10000x128xf32, #tpu.memory_space<vmem>>, vector<10000x128xf32>
    %get3A_2 = arith.constant 0 : index
    %get3A_3 = arith.constant 0 : index
    %get3A_4 = vector.load %arg1[%get3A_2, %get3A_3] : memref<10000x128xf32, #tpu.memory_space<vmem>>, vector<10000x128xf32>
    %add3A = arith.addf %get3A_1, %get3A_4 : vector<10000x128xf32>
    %get3A_5 = arith.constant 0 : index
    %get3A_6 = arith.constant 0 : index
    %get3A_7 = vector.load %arg2[%get3A_5, %get3A_6] : memref<10000x128xf32, #tpu.memory_space<vmem>>, vector<10000x128xf32>
    %mul3A = arith.mulf %add3A, %get3A_7 : vector<10000x128xf32>
    %get3A_8 = arith.constant 0 : index
    %get3A_9 = vector.load %arg3[%get3A_8] : memref<128xf32, #tpu.memory_space<vmem>>, vector<128xf32>
    %broadcast_in_dim3A = vector.shape_cast %get3A_9 : vector<128xf32> to vector<1x128xf32>
    %add3A_10 = vector.broadcast %broadcast_in_dim3A : vector<1x128xf32> to vector<10000x128xf32>
    %add3A_11 = arith.addf %mul3A, %add3A_10 : vector<10000x128xf32>
    %get3A_12 = arith.constant 0 : index
    %get3A_13 = vector.load %arg4[%get3A_12] : memref<128xf32, #tpu.memory_space<vmem>>, vector<128xf32>
    %get3A_14 = arith.constant 0 : index
    %get3A_15 = vector.load %arg5[%get3A_14] : memref<128xf32, #tpu.memory_space<vmem>>, vector<128xf32>
    %reduce_sum3A = arith.constant dense<0.000000e+00> : vector<128xf32>
    %reduce_sum3A_16 = vector.multi_reduction <add>, %add3A_11, %reduce_sum3A [0] : vector<10000x128xf32> to vector<128xf32>
    %broadcast_in_dim3A_17 = vector.shape_cast %reduce_sum3A_16 : vector<128xf32> to vector<1x128xf32>
    %div3A = arith.constant 1.000000e+04 : f32
    %div3A_18 = vector.broadcast %div3A : f32 to vector<1x128xf32>
    %div3A_19 = arith.divf %broadcast_in_dim3A_17, %div3A_18 : vector<1x128xf32>
    %sub3A = vector.broadcast %div3A_19 : vector<1x128xf32> to vector<10000x128xf32>
    %sub3A_20 = arith.subf %add3A_11, %sub3A : vector<10000x128xf32>
    %mul3A_21 = arith.mulf %sub3A_20, %sub3A_20 : vector<10000x128xf32>
    %reduce_sum3A_22 = arith.constant dense<0.000000e+00> : vector<128xf32>
    %reduce_sum3A_23 = vector.multi_reduction <add>, %mul3A_21, %reduce_sum3A_22 [0] : vector<10000x128xf32> to vector<128xf32>
    %broadcast_in_dim3A_24 = vector.shape_cast %reduce_sum3A_23 : vector<128xf32> to vector<1x128xf32>
    %div3A_25 = arith.constant 1.000000e+04 : f32
    %div3A_26 = vector.broadcast %div3A_25 : f32 to vector<1x128xf32>
    %div3A_27 = arith.divf %broadcast_in_dim3A_24, %div3A_26 : vector<1x128xf32>
    %add3A_28 = arith.constant 9.99999974E-6 : f32
    %add3A_29 = vector.broadcast %add3A_28 : f32 to vector<1x128xf32>
    %add3A_30 = arith.addf %div3A_27, %add3A_29 : vector<1x128xf32>
    %rsqrt3A = math.rsqrt %add3A_30 : vector<1x128xf32>
    %mul3A_31 = vector.broadcast %rsqrt3A : vector<1x128xf32> to vector<10000x128xf32>
    %mul3A_32 = arith.mulf %sub3A_20, %mul3A_31 : vector<10000x128xf32>
    %broadcast_in_dim3A_33 = vector.shape_cast %get3A_13 : vector<128xf32> to vector<1x128xf32>
    %mul3A_34 = vector.broadcast %broadcast_in_dim3A_33 : vector<1x128xf32> to vector<10000x128xf32>
    %mul3A_35 = arith.mulf %mul3A_32, %mul3A_34 : vector<10000x128xf32>
    %broadcast_in_dim3A_36 = vector.shape_cast %get3A_15 : vector<128xf32> to vector<1x128xf32>
    %add3A_37 = vector.broadcast %broadcast_in_dim3A_36 : vector<1x128xf32> to vector<10000x128xf32>
    %add3A_38 = arith.addf %mul3A_35, %add3A_37 : vector<10000x128xf32>
    %max3A = arith.constant 0.000000e+00 : f32
    %max3A_39 = vector.broadcast %max3A : f32 to vector<10000x128xf32>
    %max3A_40 = arith.maximumf %add3A_38, %max3A_39 : vector<10000x128xf32>
    %get3A_41 = arith.constant 0 : index
    %get3A_42 = arith.constant 0 : index
    %get3A_43 = vector.load %arg6[%get3A_41, %get3A_42] : memref<1x128xi32, #tpu.memory_space<vmem>>, vector<1x128xi32>
    %get3A_44 = arith.constant 0 : index
    %get3A_45 = arith.constant 0 : index
    %get3A_46 = vector.load %arg7[%get3A_44, %get3A_45] : memref<1x128xi32, #tpu.memory_space<vmem>>, vector<1x128xi32>
    %iota3A = tpu.iota {dimensions = array<i32: 0>} : vector<10000x128xi32>
    %ge3A = vector.broadcast %get3A_43 : vector<1x128xi32> to vector<10000x128xi32>
    %ge3A_47 = arith.cmpi sge, %iota3A, %ge3A : vector<10000x128xi32>
    %lt3A = vector.broadcast %get3A_46 : vector<1x128xi32> to vector<10000x128xi32>
    %lt3A_48 = arith.cmpi slt, %iota3A, %lt3A : vector<10000x128xi32>
    %and3A = arith.andi %ge3A_47, %lt3A_48 : vector<10000x128xi1>
    %convert_element_type3A = arith.extui %and3A : vector<10000x128xi1> to vector<10000x128xi32>
    %convert_element_type3A_49 = arith.sitofp %convert_element_type3A : vector<10000x128xi32> to vector<10000x128xf32>
    %sub3A_50 = arith.subi %get3A_46, %get3A_43 : vector<1x128xi32>
    %convert_element_type3A_51 = arith.sitofp %sub3A_50 : vector<1x128xi32> to vector<1x128xf32>
    %max3A_52 = arith.constant 1.000000e+00 : f32
    %max3A_53 = vector.broadcast %max3A_52 : f32 to vector<1x128xf32>
    %max3A_54 = arith.maximumf %convert_element_type3A_51, %max3A_53 : vector<1x128xf32>
    %div3A_55 = arith.constant 1.000000e+00 : f32
    %div3A_56 = vector.broadcast %div3A_55 : f32 to vector<1x128xf32>
    %div3A_57 = arith.divf %div3A_56, %max3A_54 : vector<1x128xf32>
    %mul3A_58 = vector.broadcast %div3A_57 : vector<1x128xf32> to vector<10000x128xf32>
    %mul3A_59 = arith.mulf %convert_element_type3A_49, %mul3A_58 : vector<10000x128xf32>
    %dot_general3A = arith.constant dense<0.000000e+00> : vector<128x128xf32>
    %dot_general3A_60 = tpu.matmul %mul3A_59, %max3A_40, %dot_general3A {dimension_numbers = #tpu.dot_dimension_numbers<[0], [0], [1], [1], [0, 1, 1, 1], [], []>, transpose_lhs_hint = false} : vector<10000x128xf32>, vector<10000x128xf32>, vector<128x128xf32> -> vector<128x128xf32>
    %get3A_61 = arith.constant 0 : index
    %get3A_62 = arith.constant 0 : index
    %get3A_63 = vector.load %arg8[%get3A_61, %get3A_62] : memref<128x128xf32, #tpu.memory_space<vmem>>, vector<128x128xf32>
    %dot_general3A_64 = arith.constant dense<0.000000e+00> : vector<128x128xf32>
    %dot_general3A_65 = tpu.matmul %dot_general3A_60, %get3A_63, %dot_general3A_64 {dimension_numbers = #tpu.dot_dimension_numbers<[1], [0], [0], [1], [0, 0, 1, 1], [], []>, transpose_lhs_hint = false} : vector<128x128xf32>, vector<128x128xf32>, vector<128x128xf32> -> vector<128x128xf32>
    %get3A_66 = arith.constant 0 : index
    %get3A_67 = vector.load %arg9[%get3A_66] : memref<128xf32, #tpu.memory_space<vmem>>, vector<128xf32>
    %broadcast_in_dim3A_68 = vector.shape_cast %get3A_67 : vector<128xf32> to vector<1x128xf32>
    %add3A_69 = vector.broadcast %broadcast_in_dim3A_68 : vector<1x128xf32> to vector<128x128xf32>
    %add3A_70 = arith.addf %dot_general3A_65, %add3A_69 : vector<128x128xf32>
    %swap3A = arith.constant 0 : index
    %swap3A_71 = arith.constant 0 : index
    %swap3A_72 = vector.load %arg10[%swap3A, %swap3A_71] : memref<128x128xf32, #tpu.memory_space<vmem>>, vector<128x128xf32>
    tpu.vector_store %arg10[%swap3A, %swap3A_71], %add3A_70 {strides = array<i32>} : memref<128x128xf32, #tpu.memory_space<vmem>>, vector<128x128xf32>,
    return
  }
}

</mosaic_0001>

<sc_bundles>
// kernel: kernel.11.cloned.1.call-start
scs
__scs_entry_jumppad:
0x0: {  	(pc) =	sbr.rel $0x88, $3  }
0x1: {  	(tag) =	ssettag $0x0;
	lr =	simm.s32 $0x1  }
0x2: {  	[smem:$0x3F94] =	sst lr;
	_ =	strace $0xD0000000  }
0x3: {  	_ = 	snop  }
0x4: {  	_ = 	snop  }
0x5: {  	_ = 	snop  }
0x6: {  	_ = 	snop  }
0x7: {  	_ = 	snop  }
__scs_overlays_trampoline_lowered:
0x8: {  	[smem:$0x3FA3] =	sst s0  }
0x9: {  	[smem:$0x3FA4] =	sst s1  }
0xa: {  	[smem:$0x3FA5] =	sst s2  }
0xb: {  	[smem:$0x3FA6] =	sst s3  }
0xc: {  	[smem:$0x3FA7] =	sst s4  }
0xd: {  	[smem:$0x3FA8] =	sst s5  }
0xe: {  	[smem:$0x3FA9] =	sst s6  }
0xf: {  	[smem:$0x3FAA] =	sst s7  }
0x10: {  	[smem:$0x3FAB] =	sst s8  }
0x11: {  	[smem:$0x3FAC] =	sst s9;
	s0 =	simm.s32 @!p0 $0x0  }
0x12: {  	s1 =	sld [smem:$0x3F92];
	s0 =	simm.s32 @p0 $0x1  }
0x13: {  	[smem:$0x3FAD] =	sst s0;
	s0 =	simm.s32 @!p1 $0x0  }
0x14: {  	s2 =	sld [smem:$0x3F91];
	s0 =	simm.s32 @p1 $0x1  }
0x15: {  	[smem:$0x3FAE] =	sst s0;
	s0 =	simm.s32 @!p2 $0x0  }
0x16: {  	s3 =	sld [smem:$0x3FDB];
	s0 =	simm.s32 @p2 $0x1  }
0x17: {  	s4 =	simm.s32 $0x1BF5;
	[smem:$0x3FB0] =	sst s0  }
0x18: {  	s0 =	sld [smem:$0x3F93];
	_ =	swait.ge [sflag:s4], $0x0  }
0x19: {  	s7 =	sld [smem:$0x3F94]  }
0x1a: {  	s8 =	sadd.s32 $0xFFFFE003, lr  }
0x1b: {  	s9 =	sadd.s32 $0xFFFFFEF7, lr;
	s5 =	simm.s32 $0xFFFFFFFF;
	p2 =	slt.u32 s8, $0xFFFFF086  }
0x1c: {  	p1 =	slt.u32 s9, $0xF7A;
	s5 =	simm.s32 @!p2 $0x0  }
0x1d: {  	s5 =	simm.s32 @p1 $0x1;
	p0 =	seq.s32 s7, s2  }
0x1e: {  	s7 =	smul.u32 @!p0 $0xF7A, s2;
	p2 =	seq.s32 @!p0 s5, $0x0  }
0x1f: {  	s9 =	smul.u32 $0xF7A, s1;
	s8 =	simm.s32 @!p0 $0x1BF5;
	p2 =	por !p2, p0  }
0x20: {  	[sflag:s8] =	ssyncset.s32 @!p0 $0xFFFFF086;
	s6 =	sadd.s32 @!p0 s3, s7;
	s7 =	simm.s32 @!p0 $0x108  }
0x21: {  	s3 =	sadd.s32 s3, s9;
	s6 =	sadd.s32 @!p0 $0x88, s6;
	s7 =	simm.s32 @p2 $0x1082  }
0x22: {  	[simem:s7], [sflag:s8] =	dma.local @!p0 [hbm:s6], $0xF7A  }
0x23: {  	s9 =	sor.u32 $0xD0000000, s2;
	s6 =	simm.s32 $0x108;
	_ =	swait.ge @!p0 [sflag:s8], $0x0  }
0x24: {  	s3 =	sadd.s32 $0x88, s3;
	s6 =	simm.s32 @!p1 $0x1082;
	[sflag:s4] =	ssyncset.s32 $0xFFFFF086  }
0x25: {  	[simem:s6], [sflag:s4] =	dma.local [hbm:s3], $0xF7A  }
0x26: {  	[smem:$0x3F94] =	sst s1;
	(tag) =	ssettag s2;
	_ =	strace s9  }
0x27: {  	s1 =	sld [smem:$0x3FA4]  }
0x28: {  	s2 =	sld [smem:$0x3FA5]  }
0x29: {  	s4 =	sld [smem:$0x3FA7]  }
0x2a: {  	p0 =	seq.s32 s5, $0x0;
	s5 =	sld [smem:$0x3FA8]  }
0x2b: {  	s6 =	sld [smem:$0x3FA9]  }
0x2c: {  	s7 =	sld [smem:$0x3FAA]  }
0x2d: {  	s3 =	simm.s32 $0x108;
	s8 =	sld [smem:$0x3FAB]  }
0x2e: {  	s3 =	simm.s32 @!p0 $0x1082;
	s9 =	sld [smem:$0x3FAC]  }
0x2f: {  	lr =	sadd.s32 s0, s3;
	s0 =	sld [smem:$0x3FA3]  }
0x30: {  	s3 =	sld [smem:$0x3FA6]  }
0x31: {  	[smem:$0x3FAF] =	sst s10  }
0x32: {  	s10 =	sld [smem:$0x3FAD];
	_ =	sdelay $0x3  }
0x33: {  	p0 =	seq.s32 s10, $0x1;
	s10 =	sld [smem:$0x3FAF];
	_ =	sdelay $0x3  }
0x34: {  	[smem:$0x3FAF] =	sst s10  }
0x35: {  	s10 =	sld [smem:$0x3FAE];
	_ =	sdelay $0x3  }
0x36: {  	p1 =	seq.s32 s10, $0x1;
	s10 =	sld [smem:$0x3FAF];
	_ =	sdelay $0x3  }
0x37: {  	[smem:$0x3FAF] =	sst s10  }
0x38: {  	s10 =	sld [smem:$0x3FB0]  }
0x39: {  	_ = 	snop;
	(pc) =	sbr.ind lr, $3  }
0x3a: {  	_ = 	snop  }
0x3b: {  	_ = 	snop  }
0x3c: {  	p2 =	seq.s32 s10, $0x1;
	s10 =	sld [smem:$0x3FAF]  }
0x3d: {  	_ =	shalt  }
0x3e: {  	_ =	shalt  }
0x3f: {  	_ =	shalt  }
0x40: {  	_ =	shalt  }
0x41: {  	_ =	shalt  }
0x42: {  	_ =	shalt  }
0x43: {  	_ =	shalt  }
0x44: {  	_ =	shalt  }
0x45: {  	_ =	shalt  }
0x46: {  	_ =	shalt  }
0x47: {  	_ =	shalt  }
0x48: {  	_ =	shalt  }
0x49: {  	_ =	shalt  }
0x4a: {  	_ =	shalt  }
0x4b: {  	_ =	shalt  }
0x4c: {  	_ =	shalt  }
0x4d: {  	_ =	shalt  }
0x4e: {  	_ =	shalt  }
0x4f: {  	_ =	shalt  }
0x50: {  	_ =	shalt  }
0x51: {  	_ =	shalt  }
0x52: {  	_ =	shalt  }
0x53: {  	_ =	shalt  }
0x54: {  	_ =	shalt  }
0x55: {  	_ =	shalt  }
0x56: {  	_ =	shalt  }
0x57: {  	_ =	shalt  }
0x58: {  	_ =	shalt  }
0x59: {  	_ =	shalt  }
0x5a: {  	_ =	shalt  }
0x5b: {  	_ =	shalt  }
0x5c: {  	_ =	shalt  }
0x5d: {  	_ =	shalt  }
0x5e: {  	_ =	shalt  }
0x5f: {  	_ =	shalt  }
0x60: {  	_ =	shalt  }
0x61: {  	_ =	shalt  }
0x62: {  	_ =	shalt  }
0x63: {  	_ =	shalt  }
0x64: {  	_ =	shalt  }
0x65: {  	_ =	shalt  }
0x66: {  	_ =	shalt  }
0x67: {  	_ =	shalt  }
0x68: {  	_ =	shalt  }
0x69: {  	_ =	shalt  }
0x6a: {  	_ =	shalt  }
0x6b: {  	_ =	shalt  }
0x6c: {  	_ =	shalt  }
0x6d: {  	_ =	shalt  }
0x6e: {  	_ =	shalt  }
0x6f: {  	_ =	shalt  }
0x70: {  	_ =	shalt  }
0x71: {  	_ =	shalt  }
0x72: {  	_ =	shalt  }
0x73: {  	_ =	shalt  }
0x74: {  	_ =	shalt  }
0x75: {  	_ =	shalt  }
0x76: {  	_ =	shalt  }
0x77: {  	_ =	shalt  }
0x78: {  	_ =	shalt  }
0x79: {  	_ =	shalt  }
0x7a: {  	_ =	shalt  }
0x7b: {  	_ =	shalt  }
0x7c: {  	_ =	shalt  }
0x7d: {  	_ =	shalt  }
0x7e: {  	_ =	shalt  }
0x7f: {  	_ =	shalt  }
0x80: {  	_ =	shalt  }
0x81: {  	_ =	shalt  }
0x82: {  	_ =	shalt  }
0x83: {  	_ =	shalt  }
0x84: {  	_ =	shalt  }
0x85: {  	_ =	shalt  }
0x86: {  	_ =	shalt  }
0x87: {  	_ =	shalt  }
.Lfunc_end0:
.L_simem_size_0:
called_computation.1_lowered:
.L_overlay_start_0:
0x88: {  	s2 =	sld [smem:$0x3FD9]  }
0x89: {  	s3 =	sld [smem:$0x3FFE];
	_ =	sdelay $0x1  }
0x8a: {  	s1 =	srdreg.scid  }
0x8b: {  	s0 =	sand.u32 $0x1, s1  }
0x8c: {  	s16 =	sshll.u32 s0, $0xA;
	s2 =	sadd.s32 s3, s2  }
0x8d: {  	s2 =	sadd.s32 s2, s16  }
0x8e: {  	[smem:$0x3FBB] =	sst s2  }
0x8f: {  	_ = 	snop  }
0x90: {  	(tm) =	ssettm $0x1  }
0x91: {  	s17 =	sld [smem:$0x3FFB];
	_ =	sdelay $0x3  }
0x92: {  	_ =	strace s17  }
0x93: {  	s2 =	sld [smem:$0x3FFC];
	_ =	sdelay $0x3  }
0x94: {  	_ =	strace s2  }
0x95: {  	s2 =	sld [smem:$0x3FFD];
	_ =	sdelay $0x3  }
0x96: {  	_ =	strace s2  }
0x97: {  	_ =	strace $0x8FFFFFFF  }
0x98: {  	s18 =	sld [smem:$0x3FDB];
	_ =	sdelay $0x1  }
0x99: {  	s19 =	simm.s32 $_scs_section_size  }
0x9a: {  	s4 =	simm.s32 $_size__tile_overlayer_lowered;
	s5 =	simm.s32 $_tile_overlayer_lowered  }
0x9b: {  	s22 =	simm.s32 $0x1BFF;
	s21 =	sshll.u32 s5, $0x1;
	s2 =	sadd.s32 s19, s18  }
0x9c: {  	s6 =	simm.s32 $0x0;
	s20 =	sshll.u32 s4, $0x1;
	s4 =	sadd.s32 s21, s2  }
0x9d: {  	[timem:s6], [sflag:s22] =	dma.local [hbm:s4], s20  }
0x9e: {  	_ =	swait.ge [sflag:s22], s20  }
0x9f: {  	s3 =	ssub.s32 $0x0, s20;
	[sflag:s22] =	ssyncset.done $0x0  }
0xa0: {  	[sflag:s22] =	ssyncadd.s32 s3;
	_ =	sdelay $0x1  }
0xa1: {  	s23 =	simm.s32 $0x1B8B  }
0xa2: {  	_ =	swait.ge [sflag:s23], $0x1  }
0xa3: {  	[sflag:s23] =	ssyncset.done $0x0  }
0xa4: {  	s25 =	simm.s32 $0x1B8E;
	s24 =	sld [smem:$0x3FFE];
	[sflag:s23] =	ssyncadd.s32 $0xFFFFFFFF  }
0xa5: {  	s26 =	simm.s32 $execute0_lowered;
	[smem:$0x3FD2] =	sst s25  }
0xa6: {  	s4 =	sshll.u32 s26, $0x1;
	_ =	strace $0x80000049;
	[dreg:$0x1] =	wrdreg $0xFFFFFFFF  }
0xa7: {  	s28 =	simm.s32 $_size_execute0_lowered;
	s2 =	sadd.s32 s2, s4;
	[dreg:$0x0] =	wrdreg $0x0  }
0xa8: {  	s4 =	sshll.u32 s28, $0x1;
	[dreg:$0x2] =	wrdreg s2  }
0xa9: {  	[dreg:$0x3] =	wrdreg s4  }
0xaa: {  	[dreg:$0x4] =	wrdreg $0xC0  }
0xab: {  	_ =	task [dreg:s6], $0x5FFFF  }
0xac: {  	[dreg:$0x1] =	wrdreg $0xFFFFFFFF  }
0xad: {  	[dreg:$0x0] =	wrdreg $0x60  }
0xae: {  	[dreg:$0x2] =	wrdreg s24  }
0xaf: {  	[dreg:$0x3] =	wrdreg $0x13C400  }
0xb0: {  	[dreg:$0x4] =	wrdreg $0x9  }
0xb1: {  	_ =	task.clear_ibuf [dreg:s6], $0x5FFFF;
	_ =	strace $0x90000049  }
0xb2: {  	s29 =	simm.s32 $0x9;
	_ =	strace $0x8000004B  }
0xb3: {  	_ =	swait.ge [sflag:s29], $0x1  }
0xb4: {  	[sflag:s29] =	ssyncadd.s32 $0xFFFFFFFF  }
0xb5: {  	_ =	strace $0x9000004B  }
0xb6: {  	_ =	sfence  }
0xb7: {  	s30 =	sld [smem:$0x0];
	_ =	sdelay $0x2  }
0xb8: {  	s31 =	sshll.u32 s1, $0xD;
	s1 =	sshrl.u32 s1, $0x2  }
0xb9: {  	s3 =	sand.u32 $0x4000, s31;
	s1 =	sadd.s32 s1, s30  }
0xba: {  	s0 =	sor.u32 s3, s0;
	s1 =	sshll.u32 s1, $0x11  }
0xbb: {  	s0 =	sor.u32 s1, s0  }
0xbc: {  	s0 =	sadd.s32 $0x8F2B, s0  }
0xbd: {  	[sflag:s0] =	ssyncadd.remote.s32 $0x1  }
0xbe: {  	_ =	sfence.sel $0xFFFF  }
0xbf: {  	[dreg:$0x0] =	wrdreg $0xFFFFFFFF;
	(pc) =	sbr.abs _section_cstart, $3  }
0xc0: {  	[dreg:$0x1] =	wrdreg $0xFFFFFFFF  }
0xc1: {  	_ =	task.clear_ibuf [dreg:s6], $0x2FFFF;
	_ =	strace $0x9FFFFFFF  }
0xc2: {  	(tm) =	ssettm $0x7FFFFFFF  }
0xc3: {  	_ =	shalt  }
tec
execute0_lowered:
.L_overlay_start_1:
0x0: {  	(tag) =	ssettag $0x1  }
0x1: {  	s0 =	rddreg [dreg:$0x0]  }
0x2: {  	s2 =	rddreg [dreg:$0x1];
	s13 =	stileid.u32  }
0x3: {  	s4 =	srdreg.scid;
	s3 =	simm.s32 $0x0;
	s17 =	simm.s32 $0x7D  }
0x4: {  	s18 =	simm.s32 $0xA000;
	s20 =	simm.s32 $0xBF40;
	s28 =	simm.s32 $0x1  }
0x5: {  	s29 =	simm.s32 $0x6;
	s30 =	simm.s32 $0x2;
	s31 =	simm.s32 $0x7  }
0x6: {  	s19 =	simm.s32 $0x4;
	s21 =	simm.s32 $0x9;
	s1 =	smul.u32 $0x9C00, s13  }
0x7: {  	s5 =	sand.u32 $0x1, s4;
	s6 =	smul.u32 $0x5000, s13;
	[smem:$0x7FF] =	sst s3  }
0x8: {  	s4 =	sadd.s32 $0x3F200, s0;
	s11 =	sadd.s32 $0x66400, s0;
	s22 =	smul.u32 $0x13800, s13  }
0x9: {  	s16 =	sadd.s32 $0x9C000, s2;
	p0 =	sne.s32 s13, $0xF;
	s26 =	sshll.u32 s13, $0x6  }
0xa: {  	s13 =	simm.s32 $0x5000;
	s7 =	smul.u32 $0x50000, s5;
	_ =	strace $0x8000004A  }
0xb: {  	s9 =	ssub.s32 $0x2, s5;
	s24 =	sshll.u32 s5, $0x6;
	s5 =	sshll.u32 s5, $0x3  }
0xc: {  	s14 =	sor.u32 $0x1C0B, s26;
	s16 =	sshrl.u32 @!p0 s16, $0x3;
	s26 =	simm.s32 $0x11D00  }
0xd: {  	s8 =	sshrl.u32 s1, $0x3;
	s10 =	sshrl.u32 s9, $0x1;
	s1 =	sadd.s32 s1, s2  }
0xe: {  	s5 =	sadd.s32 s5, s11;
	s7 =	sadd.s32 s6, s7;
	s8 =	sadd.s32 s8, s0  }
0xf: {  	s6 =	sshrl.u32 s6, $0x3;
	s12 =	ssub.s32 s9, s10;
	s10 =	sadd.s32 $0x27000, s5  }
0x10: {  	s15 =	sshrl.u32 s1, $0x3;
	s1 =	simm.s32 $0x8;
	s5 =	simm.s32 $0x0  }
0x11: {  	s7 =	sshrl.u32 s7, $0x3;
	s6 =	sadd.s32 s6, s0;
	s23 =	sadd.s32 $0x3A00, s8  }
0x12: {  	s7 =	sadd.s32 s7, s0;
	s6 =	sadd.s32 $0x35200, s6;
	[dreg:$0x5] =	wrdreg s23  }
0x13: {  	s0 =	sadd.s32 $0x17200, s0;
	s23 =	simm.s32 $0x5;
	[dreg:$0x4] =	wrdreg s6  }
0x14: {  	s7 =	sadd.s32 $0x21200, s7;
	s6 =	sor.u32 s24, s22;
	[dreg:$0x6] =	wrdreg s0  }
0x15: {  	s22 =	simm.s32 $0xDE80;
	s24 =	simm.s32 $0xFDC0;
	s25 =	sshrl.u32 s6, $0x3  }
0x16: {  	s0 =	simm.s32 $0x3;
	[dreg:$0x3] =	wrdreg s7;
	s9 =	sadd.s32 s11, s25  }
0x17: {  	s11 =	smax.u32 s12, $0x1;
	s12 =	simm.s32 $0xB;
	s25 =	simm.s32 $0xA  }
.LBB2_1:
0x18: {  	s6 =	rddreg [dreg:$0x3]  }
0x19: {  	[tilespmem:s3], [sflag:$0xB] =	stream.linear.gather [hbm4b:s6+s3], $0x5000, $0x38;
	[tilespmem:$0x1D880] =	vst v63  }
0x1a: {  	_ =	swait.ge [sflag:s12], $0x5000  }
0x1b: {  	[sflag:s12] =	ssyncset.done $0x0  }
0x1c: {  	s8 =	rddreg [dreg:$0x4];
	[sflag:s12] =	ssyncadd.s32 $0xFFFFB000  }
0x1d: {  	[tilespmem:s13], [sflag:$0xB] =	stream.linear.gather [hbm4b:s8+s3], $0x5000, $0x38;
	[tilespmem:$0x1D880] =	vst v63  }
0x1e: {  	_ =	swait.ge [sflag:s12], $0x5000  }
0x1f: {  	[sflag:s12] =	ssyncset.done $0x0  }
0x20: {  	s7 =	rddreg [dreg:$0x5];
	[sflag:s12] =	ssyncadd.s32 $0xFFFFB000  }
0x21: {  	[spmem:s15], [sflag:s14] =	dma.local [hbm:s7], $0x1380  }
0x22: {  	_ =	swait.ge [sflag:s12], $0x1380  }
0x23: {  	[sflag:s12] =	ssyncset.done $0x0  }
0x24: {  	s6 =	rddreg [dreg:$0x6];
	[sflag:s12] =	ssyncadd.s32 $0xFFFFEC80  }
0x25: {  	[spmem:s16], [sflag:s14] =	dma.local @!p0 [hbm:s6], $0x80  }
0x26: {  	s6 =	simm.s32 @!p0 $0xB  }
0x27: {  	_ =	swait.ge @!p0 [sflag:s6], $0x80  }
0x28: {  	[sflag:s6] =	ssyncset.done @!p0 $0x0  }
0x29: {  	[sflag:s6] =	ssyncadd.s32 @!p0 $0xFFFFFF80  }
0x2a: {  	[bflag:$0x0] =	sbarrier.arrive $0xFFFF  }
0x2b: {  	[tilespmem:s18], [sflag:$0x1] =	stream.indirect.gather [hbm4b:s4+s17], $0x40, s3, s17, $0xb8;
	[tilespmem:$0x1D880] =	vst v63  }
0x2c: {  	s8 =	simm.s32 $0x80  }
0x2d: {  	[tilespmem:s20], [sflag:$0x2] =	stream.indirect.gather [hbm4b:s4+s17], $0x40, s8, s17, $0xb8;
	[tilespmem:$0x1D880] =	vst v63  }
0x2e: {  	s7 =	simm.s32 $0x100  }
0x2f: {  	[tilespmem:s22], [sflag:$0x3] =	stream.indirect.gather [hbm4b:s4+s17], $0x40, s7, s17, $0xb8;
	[tilespmem:$0x1D880] =	vst v63  }
0x30: {  	s8 =	simm.s32 $0x180  }
0x31: {  	[tilespmem:s24], [sflag:$0x4] =	stream.indirect.gather [hbm4b:s4+s17], $0x40, s8, s17, $0xb8;
	[tilespmem:$0x1D880] =	vst v63  }
0x32: {  	s7 =	simm.s32 $0x200  }
0x33: {  	[tilespmem:s26], [sflag:$0x5] =	stream.indirect.gather [hbm4b:s4+s17], $0x40, s7, s17, $0xb8;
	[tilespmem:$0x1D880] =	vst v63  }
0x34: {  	_ =	swait.ge [sflag:s28], $0x1F40  }
0x35: {  	[sflag:s28] =	ssyncset.done $0x0  }
0x36: {  	[sflag:s28] =	ssyncadd.s32 $0xFFFFE0C0  }
0x37: {  	[spmem:s2] =	stream.indirect.scatter.add.f32 [tilespmem:s18], [sflag:$0x6], $0x40, s13, s17, $0xb8;
	[tilespmem:$0x1D880] =	vst v63  }
0x38: {  	_ =	swait.ge [sflag:s29], $0x1F40  }
0x39: {  	[sflag:s29] =	ssyncset.done $0x0  }
0x3a: {  	s8 =	simm.s32 $0x280;
	[sflag:s29] =	ssyncadd.s32 $0xFFFFE0C0  }
0x3b: {  	[tilespmem:s18], [sflag:$0x1] =	stream.indirect.gather [hbm4b:s4+s17], $0x40, s8, s17, $0xb8;
	[tilespmem:$0x1D880] =	vst v63  }
0x3c: {  	_ =	swait.ge [sflag:s30], $0x1F40  }
0x3d: {  	[sflag:s30] =	ssyncset.done $0x0  }
0x3e: {  	s7 =	simm.s32 $0x5080;
	[sflag:s30] =	ssyncadd.s32 $0xFFFFE0C0  }
0x3f: {  	[spmem:s2] =	stream.indirect.scatter.add.f32 [tilespmem:s20], [sflag:$0x7], $0x40, s7, s17, $0xb8;
	[tilespmem:$0x1D880] =	vst v63  }
0x40: {  	_ =	swait.ge [sflag:s31], $0x1F40  }
0x41: {  	[sflag:s31] =	ssyncset.done $0x0  }
0x42: {  	s8 =	simm.s32 $0x300;
	[sflag:s31] =	ssyncadd.s32 $0xFFFFE0C0  }
0x43: {  	[tilespmem:s20], [sflag:$0x2] =	stream.indirect.gather [hbm4b:s4+s17], $0x40, s8, s17, $0xb8;
	[tilespmem:$0x1D880] =	vst v63  }
0x44: {  	_ =	swait.ge [sflag:s0], $0x1F40  }
0x45: {  	[sflag:s0] =	ssyncset.done $0x0  }
0x46: {  	s7 =	simm.s32 $0x5100;
	[sflag:s0] =	ssyncadd.s32 $0xFFFFE0C0  }
0x47: {  	[spmem:s2] =	stream.indirect.scatter.add.f32 [tilespmem:s22], [sflag:$0x8], $0x40, s7, s17, $0xb8;
	[tilespmem:$0x1D880] =	vst v63  }
0x48: {  	_ =	swait.ge [sflag:s1], $0x1F40  }
0x49: {  	[sflag:s1] =	ssyncset.done $0x0  }
0x4a: {  	s8 =	simm.s32 $0x380;
	[sflag:s1] =	ssyncadd.s32 $0xFFFFE0C0  }
0x4b: {  	[tilespmem:s22], [sflag:$0x3] =	stream.indirect.gather [hbm4b:s4+s17], $0x40, s8, s17, $0xb8;
	[tilespmem:$0x1D880] =	vst v63  }
0x4c: {  	_ =	swait.ge [sflag:s19], $0x1F40  }
0x4d: {  	[sflag:s19] =	ssyncset.done $0x0  }
0x4e: {  	s7 =	simm.s32 $0x5180;
	[sflag:s19] =	ssyncadd.s32 $0xFFFFE0C0  }
0x4f: {  	[spmem:s2] =	stream.indirect.scatter.add.f32 [tilespmem:s24], [sflag:$0x9], $0x40, s7, s17, $0xb8;
	[tilespmem:$0x1D880] =	vst v63  }
0x50: {  	_ =	swait.ge [sflag:s21], $0x1F40  }
0x51: {  	[sflag:s21] =	ssyncset.done $0x0  }
0x52: {  	s8 =	simm.s32 $0x400;
	[sflag:s21] =	ssyncadd.s32 $0xFFFFE0C0  }
0x53: {  	[tilespmem:s24], [sflag:$0x4] =	stream.indirect.gather [hbm4b:s4+s17], $0x40, s8, s17, $0xb8;
	[tilespmem:$0x1D880] =	vst v63  }
0x54: {  	_ =	swait.ge [sflag:s23], $0x1F40  }
0x55: {  	[sflag:s23] =	ssyncset.done $0x0  }
0x56: {  	s7 =	simm.s32 $0x5200;
	[sflag:s23] =	ssyncadd.s32 $0xFFFFE0C0  }
0x57: {  	[spmem:s2] =	stream.indirect.scatter.add.f32 [tilespmem:s26], [sflag:$0xA], $0x40, s7, s17, $0xb8;
	[tilespmem:$0x1D880] =	vst v63  }
0x58: {  	_ =	swait.ge [sflag:s25], $0x1F40  }
0x59: {  	[sflag:s25] =	ssyncset.done $0x0  }
0x5a: {  	s8 =	simm.s32 $0x480;
	[sflag:s25] =	ssyncadd.s32 $0xFFFFE0C0  }
0x5b: {  	[tilespmem:s26], [sflag:$0x5] =	stream.indirect.gather [hbm4b:s4+s17], $0x40, s8, s17, $0xb8;
	[tilespmem:$0x1D880] =	vst v63  }
0x5c: {  	_ =	swait.ge [sflag:s28], $0x1F40  }
0x5d: {  	[sflag:s28] =	ssyncset.done $0x0  }
0x5e: {  	s6 =	simm.s32 $0xA00;
	s7 =	simm.s32 $0x5280;
	[sflag:s28] =	ssyncadd.s32 $0xFFFFE0C0  }
.LBB2_2:
0x5f: {  	[spmem:s2] =	stream.indirect.scatter.add.f32 [tilespmem:s18], [sflag:$0x6], $0x40, s7, s17, $0xb8;
	[tilespmem:$0x1D880] =	vst v63  }
0x60: {  	s7 =	smov.u32 s6  }
0x61: {  	p1 =	sne.s32 s6, $0x12C00;
	s6 =	sadd.s32 $0xA00, s6;
	_ =	swait.ge [sflag:s29], $0x1F40  }
0x62: {  	s7 =	sshra.s32 s7, $0x2;
	[sflag:s29] =	ssyncset.done $0x0  }
0x63: {  	s8 =	sadd.s32 $0x280, s7;
	[sflag:s29] =	ssyncadd.s32 $0xFFFFE0C0  }
0x64: {  	[tilespmem:s18], [sflag:$0x1] =	stream.indirect.gather [hbm4b:s4+s17], $0x40, s8, s17, $0xb8;
	[tilespmem:$0x1D880] =	vst v63  }
0x65: {  	_ =	swait.ge [sflag:s30], $0x1F40  }
0x66: {  	[sflag:s30] =	ssyncset.done $0x0  }
0x67: {  	s8 =	sadd.s32 $0x5080, s7;
	[sflag:s30] =	ssyncadd.s32 $0xFFFFE0C0  }
0x68: {  	[spmem:s2] =	stream.indirect.scatter.add.f32 [tilespmem:s20], [sflag:$0x7], $0x40, s8, s17, $0xb8;
	[tilespmem:$0x1D880] =	vst v63  }
0x69: {  	_ =	swait.ge [sflag:s31], $0x1F40  }
0x6a: {  	[sflag:s31] =	ssyncset.done $0x0  }
0x6b: {  	s8 =	sadd.s32 $0x300, s7;
	[sflag:s31] =	ssyncadd.s32 $0xFFFFE0C0  }
0x6c: {  	[tilespmem:s20], [sflag:$0x2] =	stream.indirect.gather [hbm4b:s4+s17], $0x40, s8, s17, $0xb8;
	[tilespmem:$0x1D880] =	vst v63  }
0x6d: {  	_ =	swait.ge [sflag:s0], $0x1F40  }
0x6e: {  	[sflag:s0] =	ssyncset.done $0x0  }
0x6f: {  	s8 =	sadd.s32 $0x5100, s7;
	[sflag:s0] =	ssyncadd.s32 $0xFFFFE0C0  }
0x70: {  	[spmem:s2] =	stream.indirect.scatter.add.f32 [tilespmem:s22], [sflag:$0x8], $0x40, s8, s17, $0xb8;
	[tilespmem:$0x1D880] =	vst v63  }
0x71: {  	_ =	swait.ge [sflag:s1], $0x1F40  }
0x72: {  	[sflag:s1] =	ssyncset.done $0x0  }
0x73: {  	s8 =	sadd.s32 $0x380, s7;
	[sflag:s1] =	ssyncadd.s32 $0xFFFFE0C0  }
0x74: {  	[tilespmem:s22], [sflag:$0x3] =	stream.indirect.gather [hbm4b:s4+s17], $0x40, s8, s17, $0xb8;
	[tilespmem:$0x1D880] =	vst v63  }
0x75: {  	_ =	swait.ge [sflag:s19], $0x1F40  }
0x76: {  	[sflag:s19] =	ssyncset.done $0x0  }
0x77: {  	s8 =	sadd.s32 $0x5180, s7;
	[sflag:s19] =	ssyncadd.s32 $0xFFFFE0C0  }
0x78: {  	[spmem:s2] =	stream.indirect.scatter.add.f32 [tilespmem:s24], [sflag:$0x9], $0x40, s8, s17, $0xb8;
	[tilespmem:$0x1D880] =	vst v63  }
0x79: {  	_ =	swait.ge [sflag:s21], $0x1F40  }
0x7a: {  	[sflag:s21] =	ssyncset.done $0x0  }
0x7b: {  	s8 =	sadd.s32 $0x400, s7;
	[sflag:s21] =	ssyncadd.s32 $0xFFFFE0C0  }
0x7c: {  	[tilespmem:s24], [sflag:$0x4] =	stream.indirect.gather [hbm4b:s4+s17], $0x40, s8, s17, $0xb8;
	[tilespmem:$0x1D880] =	vst v63  }
0x7d: {  	_ =	swait.ge [sflag:s23], $0x1F40  }
0x7e: {  	[sflag:s23] =	ssyncset.done $0x0  }
0x7f: {  	s8 =	sadd.s32 $0x5200, s7;
	[sflag:s23] =	ssyncadd.s32 $0xFFFFE0C0  }
0x80: {  	[spmem:s2] =	stream.indirect.scatter.add.f32 [tilespmem:s26], [sflag:$0xA], $0x40, s8, s17, $0xb8;
	[tilespmem:$0x1D880] =	vst v63  }
0x81: {  	_ =	swait.ge [sflag:s25], $0x1F40  }
0x82: {  	[sflag:s25] =	ssyncset.done $0x0  }
.Ltmp0:
0x83: {  	s8 =	sadd.s32 $0x480, s7;
	[sflag:s25] =	ssyncadd.s32 $0xFFFFE0C0;
	(pc) =	sbr.rel @p1 .LBB2_2-.Ltmp0, $4  }
0x84: {  	[tilespmem:s26], [sflag:$0x5] =	stream.indirect.gather [hbm4b:s4+s17], $0x40, s8, s17, $0xb8;
	[tilespmem:$0x1D880] =	vst v63  }
0x85: {  	_ =	swait.ge [sflag:s28], $0x1F40  }
0x86: {  	[sflag:s28] =	ssyncset.done $0x0  }
0x87: {  	s7 =	sadd.s32 $0x5280, s7;
	[sflag:s28] =	ssyncadd.s32 $0xFFFFE0C0  }
0x88: {  	[spmem:s2] =	stream.indirect.scatter.add.f32 [tilespmem:s18], [sflag:$0x6], $0x40, s7, s17, $0xb8;
	[tilespmem:$0x1D880] =	vst v63  }
0x89: {  	_ =	swait.ge [sflag:s30], $0x1F40  }
0x8a: {  	[sflag:s30] =	ssyncset.done $0x0  }
0x8b: {  	s6 =	simm.s32 $0x9E00;
	[sflag:s30] =	ssyncadd.s32 $0xFFFFE0C0  }
0x8c: {  	[spmem:s2] =	stream.indirect.scatter.add.f32 [tilespmem:s20], [sflag:$0x7], $0x40, s6, s17, $0xb8;
	[tilespmem:$0x1D880] =	vst v63  }
0x8d: {  	_ =	swait.ge [sflag:s0], $0x1F40  }
0x8e: {  	[sflag:s0] =	ssyncset.done $0x0  }
0x8f: {  	s7 =	simm.s32 $0x9E80;
	[sflag:s0] =	ssyncadd.s32 $0xFFFFE0C0  }
0x90: {  	[spmem:s2] =	stream.indirect.scatter.add.f32 [tilespmem:s22], [sflag:$0x8], $0x40, s7, s17, $0xb8;
	[tilespmem:$0x1D880] =	vst v63  }
0x91: {  	_ =	swait.ge [sflag:s19], $0x1F40  }
0x92: {  	[sflag:s19] =	ssyncset.done $0x0  }
0x93: {  	s8 =	simm.s32 $0x9F00;
	[sflag:s19] =	ssyncadd.s32 $0xFFFFE0C0  }
0x94: {  	[spmem:s2] =	stream.indirect.scatter.add.f32 [tilespmem:s24], [sflag:$0x9], $0x40, s8, s17, $0xb8;
	[tilespmem:$0x1D880] =	vst v63  }
0x95: {  	_ =	swait.ge [sflag:s23], $0x1F40  }
0x96: {  	[sflag:s23] =	ssyncset.done $0x0  }
0x97: {  	s7 =	simm.s32 $0x9F80;
	[sflag:s23] =	ssyncadd.s32 $0xFFFFE0C0  }
0x98: {  	[spmem:s2] =	stream.indirect.scatter.add.f32 [tilespmem:s26], [sflag:$0xA], $0x40, s7, s17, $0xb8;
	[tilespmem:$0x1D880] =	vst v63  }
0x99: {  	_ =	swait.ge [sflag:s29], $0x1F40  }
0x9a: {  	[sflag:s29] =	ssyncset.done $0x0  }
0x9b: {  	[sflag:s29] =	ssyncadd.s32 $0xFFFFE0C0  }
0x9c: {  	_ =	swait.ge [sflag:s31], $0x1F40  }
0x9d: {  	[sflag:s31] =	ssyncset.done $0x0  }
0x9e: {  	[sflag:s31] =	ssyncadd.s32 $0xFFFFE0C0  }
0x9f: {  	_ =	swait.ge [sflag:s1], $0x1F40  }
0xa0: {  	[sflag:s1] =	ssyncset.done $0x0  }
0xa1: {  	[sflag:s1] =	ssyncadd.s32 $0xFFFFE0C0  }
0xa2: {  	_ =	swait.ge [sflag:s21], $0x1F40  }
0xa3: {  	[sflag:s21] =	ssyncset.done $0x0  }
0xa4: {  	[sflag:s21] =	ssyncadd.s32 $0xFFFFE0C0  }
0xa5: {  	_ =	swait.ge [sflag:s25], $0x1F40  }
0xa6: {  	[sflag:s25] =	ssyncset.done $0x0  }
0xa7: {  	[sflag:s25] =	ssyncadd.s32 $0xFFFFE0C0  }
0xa8: {  	s8 =	simm.s32 $0x10;
	[bflag:$0x0] =	sbarrier.arrive $0xFFFF  }
0xa9: {  	[hbm:s9@s8], [sflag:s14] =	dma.strided [spmem:s15@s1], $0x1380, s28, $0x8   }
0xaa: {  	s5 =	sadd.s32 $0x1, s5;
	_ =	swait.ge [sflag:s12], $0x1380  }
0xab: {  	p1 =	sne.s32 s5, s11;
	s6 =	simm.s32 @!p0 $0x1;
	[sflag:s12] =	ssyncset.done $0x0  }
0xac: {  	s7 =	simm.s32 @!p0 $0x10;
	s8 =	simm.s32 @!p0 $0x8;
	[sflag:s12] =	ssyncadd.s32 $0xFFFFEC80  }
0xad: {  	[hbm:s10@s7], [sflag:s14] =	dma.strided @!p0 [spmem:s16@s8], $0x80, s6, $0x8   }
.Ltmp1:
0xae: {  	_ = 	snop;
	(pc) =	sbr.rel @p1 .LBB2_1-.Ltmp1, $4  }
0xaf: {  	s6 =	simm.s32 @!p0 $0xB  }
0xb0: {  	_ =	swait.ge @!p0 [sflag:s6], $0x80  }
0xb1: {  	[sflag:s6] =	ssyncset.done @!p0 $0x0  }
0xb2: {  	[sflag:s6] =	ssyncadd.s32 @!p0 $0xFFFFFF80  }
0xb3: {  	_ =	sfence.sel $0x180000  }
0xb4: {  	[bflag:$0x0] =	sbarrier.arrive $0xFFFF  }
0xb5: {  	_ =	strace $0x9000004A  }
0xb6: {  	s0 =	stileid.u32;
	[bflag:$0x2] =	sbarrier.arrive $0xFFFF  }
0xb7: {  	p0 =	sne.s32 s0, $0x0;
	s0 =	rddreg [dreg:$0x2]  }
0xb8: {  	s0 =	sadd.s32 @!p0 $0x100000, s0  }
0xb9: {  	[sflag:s0] =	ssyncadd.tile.s32 @!p0 $0x1;
	_ =	shalt  }
.Lfunc_end2:
_tile_overlayer_lowered:
.L_overlay_start_2:
0xba: {  	(tag) =	ssettag $0x2  }
0xbb: {  	s0 =	rddreg [dreg:$0x0];
	s2 =	stileid.u32  }
0xbc: {  	s1 =	rddreg [dreg:$0x1];
	p0 =	sne.s32 s2, $0x0  }
0xbd: {  	s3 =	rddreg [dreg:$0x2];
	[bflag:$0x3] =	sbarrier.arrive $0xFFFF;
	s2 =	simm.s32 @!p0 $0x1C0B  }
0xbe: {  	[timem:s3], [sflag:s2] =	dma.local @!p0 [hbm:s0], s1  }
0xbf: {  	s0 =	simm.s32 @!p0 $0xB  }
0xc0: {  	_ =	swait.ge @!p0 [sflag:s0], s1  }
0xc1: {  	s1 =	ssub.s32 @!p0 $0x0, s1;
	[sflag:s0] =	ssyncset.done @!p0 $0x0  }
0xc2: {  	[sflag:s0] =	ssyncadd.s32 @!p0 s1  }
0xc3: {  	[bflag:$0x3] =	sbarrier.arrive $0xFFFF  }
0xc4: {  	_ =	shalt  }

// kernel: kernel.14.cloned.1.call-start
scs
__scs_entry_jumppad:
0x0: {  	(pc) =	sbr.rel $0x88, $3  }
0x1: {  	(tag) =	ssettag $0x0;
	lr =	simm.s32 $0x1  }
0x2: {  	[smem:$0x3F94] =	sst lr;
	_ =	strace $0xD0000000  }
0x3: {  	_ = 	snop  }
0x4: {  	_ = 	snop  }
0x5: {  	_ = 	snop  }
0x6: {  	_ = 	snop  }
0x7: {  	_ = 	snop  }
__scs_overlays_trampoline_lowered:
0x8: {  	[smem:$0x3FA3] =	sst s0  }
0x9: {  	[smem:$0x3FA4] =	sst s1  }
0xa: {  	[smem:$0x3FA5] =	sst s2  }
0xb: {  	[smem:$0x3FA6] =	sst s3  }
0xc: {  	[smem:$0x3FA7] =	sst s4  }
0xd: {  	[smem:$0x3FA8] =	sst s5  }
0xe: {  	[smem:$0x3FA9] =	sst s6  }
0xf: {  	[smem:$0x3FAA] =	sst s7  }
0x10: {  	[smem:$0x3FAB] =	sst s8  }
0x11: {  	[smem:$0x3FAC] =	sst s9;
	s0 =	simm.s32 @!p0 $0x0  }
0x12: {  	s1 =	sld [smem:$0x3F92];
	s0 =	simm.s32 @p0 $0x1  }
0x13: {  	[smem:$0x3FAD] =	sst s0;
	s0 =	simm.s32 @!p1 $0x0  }
0x14: {  	s2 =	sld [smem:$0x3F91];
	s0 =	simm.s32 @p1 $0x1  }
0x15: {  	[smem:$0x3FAE] =	sst s0;
	s0 =	simm.s32 @!p2 $0x0  }
0x16: {  	s3 =	sld [smem:$0x3FDB];
	s0 =	simm.s32 @p2 $0x1  }
0x17: {  	s4 =	simm.s32 $0x1BF5;
	[smem:$0x3FB0] =	sst s0  }
0x18: {  	s0 =	sld [smem:$0x3F93];
	_ =	swait.ge [sflag:s4], $0x0  }
0x19: {  	s7 =	sld [smem:$0x3F94]  }
0x1a: {  	s8 =	sadd.s32 $0xFFFFE003, lr  }
0x1b: {  	s9 =	sadd.s32 $0xFFFFFEF7, lr;
	s5 =	simm.s32 $0xFFFFFFFF;
	p2 =	slt.u32 s8, $0xFFFFF086  }
0x1c: {  	p1 =	slt.u32 s9, $0xF7A;
	s5 =	simm.s32 @!p2 $0x0  }
0x1d: {  	s5 =	simm.s32 @p1 $0x1;
	p0 =	seq.s32 s7, s2  }
0x1e: {  	s7 =	smul.u32 @!p0 $0xF7A, s2;
	p2 =	seq.s32 @!p0 s5, $0x0  }
0x1f: {  	s9 =	smul.u32 $0xF7A, s1;
	s8 =	simm.s32 @!p0 $0x1BF5;
	p2 =	por !p2, p0  }
0x20: {  	[sflag:s8] =	ssyncset.s32 @!p0 $0xFFFFF086;
	s6 =	sadd.s32 @!p0 s3, s7;
	s7 =	simm.s32 @!p0 $0x108  }
0x21: {  	s3 =	sadd.s32 s3, s9;
	s6 =	sadd.s32 @!p0 $0x88, s6;
	s7 =	simm.s32 @p2 $0x1082  }
0x22: {  	[simem:s7], [sflag:s8] =	dma.local @!p0 [hbm:s6], $0xF7A  }
0x23: {  	s9 =	sor.u32 $0xD0000000, s2;
	s6 =	simm.s32 $0x108;
	_ =	swait.ge @!p0 [sflag:s8], $0x0  }
0x24: {  	s3 =	sadd.s32 $0x88, s3;
	s6 =	simm.s32 @!p1 $0x1082;
	[sflag:s4] =	ssyncset.s32 $0xFFFFF086  }
0x25: {  	[simem:s6], [sflag:s4] =	dma.local [hbm:s3], $0xF7A  }
0x26: {  	[smem:$0x3F94] =	sst s1;
	(tag) =	ssettag s2;
	_ =	strace s9  }
0x27: {  	s1 =	sld [smem:$0x3FA4]  }
0x28: {  	s2 =	sld [smem:$0x3FA5]  }
0x29: {  	s4 =	sld [smem:$0x3FA7]  }
0x2a: {  	p0 =	seq.s32 s5, $0x0;
	s5 =	sld [smem:$0x3FA8]  }
0x2b: {  	s6 =	sld [smem:$0x3FA9]  }
0x2c: {  	s7 =	sld [smem:$0x3FAA]  }
0x2d: {  	s3 =	simm.s32 $0x108;
	s8 =	sld [smem:$0x3FAB]  }
0x2e: {  	s3 =	simm.s32 @!p0 $0x1082;
	s9 =	sld [smem:$0x3FAC]  }
0x2f: {  	lr =	sadd.s32 s0, s3;
	s0 =	sld [smem:$0x3FA3]  }
0x30: {  	s3 =	sld [smem:$0x3FA6]  }
0x31: {  	[smem:$0x3FAF] =	sst s10  }
0x32: {  	s10 =	sld [smem:$0x3FAD];
	_ =	sdelay $0x3  }
0x33: {  	p0 =	seq.s32 s10, $0x1;
	s10 =	sld [smem:$0x3FAF];
	_ =	sdelay $0x3  }
0x34: {  	[smem:$0x3FAF] =	sst s10  }
0x35: {  	s10 =	sld [smem:$0x3FAE];
	_ =	sdelay $0x3  }
0x36: {  	p1 =	seq.s32 s10, $0x1;
	s10 =	sld [smem:$0x3FAF];
	_ =	sdelay $0x3  }
0x37: {  	[smem:$0x3FAF] =	sst s10  }
0x38: {  	s10 =	sld [smem:$0x3FB0]  }
0x39: {  	_ = 	snop;
	(pc) =	sbr.ind lr, $3  }
0x3a: {  	_ = 	snop  }
0x3b: {  	_ = 	snop  }
0x3c: {  	p2 =	seq.s32 s10, $0x1;
	s10 =	sld [smem:$0x3FAF]  }
0x3d: {  	_ =	shalt  }
0x3e: {  	_ =	shalt  }
0x3f: {  	_ =	shalt  }
0x40: {  	_ =	shalt  }
0x41: {  	_ =	shalt  }
0x42: {  	_ =	shalt  }
0x43: {  	_ =	shalt  }
0x44: {  	_ =	shalt  }
0x45: {  	_ =	shalt  }
0x46: {  	_ =	shalt  }
0x47: {  	_ =	shalt  }
0x48: {  	_ =	shalt  }
0x49: {  	_ =	shalt  }
0x4a: {  	_ =	shalt  }
0x4b: {  	_ =	shalt  }
0x4c: {  	_ =	shalt  }
0x4d: {  	_ =	shalt  }
0x4e: {  	_ =	shalt  }
0x4f: {  	_ =	shalt  }
0x50: {  	_ =	shalt  }
0x51: {  	_ =	shalt  }
0x52: {  	_ =	shalt  }
0x53: {  	_ =	shalt  }
0x54: {  	_ =	shalt  }
0x55: {  	_ =	shalt  }
0x56: {  	_ =	shalt  }
0x57: {  	_ =	shalt  }
0x58: {  	_ =	shalt  }
0x59: {  	_ =	shalt  }
0x5a: {  	_ =	shalt  }
0x5b: {  	_ =	shalt  }
0x5c: {  	_ =	shalt  }
0x5d: {  	_ =	shalt  }
0x5e: {  	_ =	shalt  }
0x5f: {  	_ =	shalt  }
0x60: {  	_ =	shalt  }
0x61: {  	_ =	shalt  }
0x62: {  	_ =	shalt  }
0x63: {  	_ =	shalt  }
0x64: {  	_ =	shalt  }
0x65: {  	_ =	shalt  }
0x66: {  	_ =	shalt  }
0x67: {  	_ =	shalt  }
0x68: {  	_ =	shalt  }
0x69: {  	_ =	shalt  }
0x6a: {  	_ =	shalt  }
0x6b: {  	_ =	shalt  }
0x6c: {  	_ =	shalt  }
0x6d: {  	_ =	shalt  }
0x6e: {  	_ =	shalt  }
0x6f: {  	_ =	shalt  }
0x70: {  	_ =	shalt  }
0x71: {  	_ =	shalt  }
0x72: {  	_ =	shalt  }
0x73: {  	_ =	shalt  }
0x74: {  	_ =	shalt  }
0x75: {  	_ =	shalt  }
0x76: {  	_ =	shalt  }
0x77: {  	_ =	shalt  }
0x78: {  	_ =	shalt  }
0x79: {  	_ =	shalt  }
0x7a: {  	_ =	shalt  }
0x7b: {  	_ =	shalt  }
0x7c: {  	_ =	shalt  }
0x7d: {  	_ =	shalt  }
0x7e: {  	_ =	shalt  }
0x7f: {  	_ =	shalt  }
0x80: {  	_ =	shalt  }
0x81: {  	_ =	shalt  }
0x82: {  	_ =	shalt  }
0x83: {  	_ =	shalt  }
0x84: {  	_ =	shalt  }
0x85: {  	_ =	shalt  }
0x86: {  	_ =	shalt  }
0x87: {  	_ =	shalt  }
.Lfunc_end0:
.L_simem_size_0:
called_computation.2_lowered:
.L_overlay_start_0:
0x88: {  	s2 =	sld [smem:$0x3FD9]  }
0x89: {  	s3 =	sld [smem:$0x3FFE];
	_ =	sdelay $0x1  }
0x8a: {  	s1 =	srdreg.scid  }
0x8b: {  	s0 =	sand.u32 $0x1, s1  }
0x8c: {  	s16 =	sshll.u32 s0, $0xA;
	s2 =	sadd.s32 s3, s2  }
0x8d: {  	s2 =	sadd.s32 s2, s16  }
0x8e: {  	[smem:$0x3FBB] =	sst s2  }
0x8f: {  	_ = 	snop  }
0x90: {  	(tm) =	ssettm $0x1  }
0x91: {  	s17 =	sld [smem:$0x3FFB];
	_ =	sdelay $0x3  }
0x92: {  	_ =	strace s17  }
0x93: {  	s2 =	sld [smem:$0x3FFC];
	_ =	sdelay $0x3  }
0x94: {  	_ =	strace s2  }
0x95: {  	s2 =	sld [smem:$0x3FFD];
	_ =	sdelay $0x3  }
0x96: {  	_ =	strace s2  }
0x97: {  	_ =	strace $0x8FFFFFFF  }
0x98: {  	s18 =	sld [smem:$0x3FDB];
	_ =	sdelay $0x1  }
0x99: {  	s19 =	simm.s32 $_scs_section_size  }
0x9a: {  	s4 =	simm.s32 $_size__tile_overlayer_lowered;
	s5 =	simm.s32 $_tile_overlayer_lowered  }
0x9b: {  	s22 =	simm.s32 $0x1BFF;
	s21 =	sshll.u32 s5, $0x1;
	s2 =	sadd.s32 s19, s18  }
0x9c: {  	s6 =	simm.s32 $0x0;
	s20 =	sshll.u32 s4, $0x1;
	s4 =	sadd.s32 s21, s2  }
0x9d: {  	[timem:s6], [sflag:s22] =	dma.local [hbm:s4], s20  }
0x9e: {  	_ =	swait.ge [sflag:s22], s20  }
0x9f: {  	s3 =	ssub.s32 $0x0, s20;
	[sflag:s22] =	ssyncset.done $0x0  }
0xa0: {  	[sflag:s22] =	ssyncadd.s32 s3;
	_ =	sdelay $0x1  }
0xa1: {  	s23 =	simm.s32 $0x1B8B  }
0xa2: {  	_ =	swait.ge [sflag:s23], $0x1  }
0xa3: {  	[sflag:s23] =	ssyncset.done $0x0  }
0xa4: {  	s25 =	simm.s32 $0x1B8E;
	s24 =	sld [smem:$0x3FFE];
	[sflag:s23] =	ssyncadd.s32 $0xFFFFFFFF  }
0xa5: {  	s26 =	simm.s32 $execute0_lowered;
	[smem:$0x3FD2] =	sst s25  }
0xa6: {  	s4 =	sshll.u32 s26, $0x1;
	_ =	strace $0x8000004C;
	[dreg:$0x1] =	wrdreg $0xFFFFFFFF  }
0xa7: {  	s28 =	simm.s32 $_size_execute0_lowered;
	s2 =	sadd.s32 s2, s4;
	[dreg:$0x0] =	wrdreg $0x0  }
0xa8: {  	s4 =	sshll.u32 s28, $0x1;
	[dreg:$0x2] =	wrdreg s2  }
0xa9: {  	[dreg:$0x3] =	wrdreg s4  }
0xaa: {  	[dreg:$0x4] =	wrdreg $0xC0  }
0xab: {  	_ =	task [dreg:s6], $0x5FFFF  }
0xac: {  	[dreg:$0x1] =	wrdreg $0xFFFFFFFF  }
0xad: {  	[dreg:$0x0] =	wrdreg $0x60  }
0xae: {  	[dreg:$0x2] =	wrdreg s24  }
0xaf: {  	[dreg:$0x3] =	wrdreg $0x13C400  }
0xb0: {  	[dreg:$0x4] =	wrdreg $0x9  }
0xb1: {  	_ =	task.clear_ibuf [dreg:s6], $0x5FFFF;
	_ =	strace $0x9000004C  }
0xb2: {  	s29 =	simm.s32 $0x9;
	_ =	strace $0x8000004E  }
0xb3: {  	_ =	swait.ge [sflag:s29], $0x1  }
0xb4: {  	[sflag:s29] =	ssyncadd.s32 $0xFFFFFFFF  }
0xb5: {  	_ =	strace $0x9000004E  }
0xb6: {  	_ =	sfence  }
0xb7: {  	s30 =	sld [smem:$0x0];
	_ =	sdelay $0x2  }
0xb8: {  	s31 =	sshll.u32 s1, $0xD;
	s1 =	sshrl.u32 s1, $0x2  }
0xb9: {  	s3 =	sand.u32 $0x4000, s31;
	s1 =	sadd.s32 s1, s30  }
0xba: {  	s0 =	sor.u32 s3, s0;
	s1 =	sshll.u32 s1, $0x11  }
0xbb: {  	s0 =	sor.u32 s1, s0  }
0xbc: {  	s0 =	sadd.s32 $0x8F2B, s0  }
0xbd: {  	[sflag:s0] =	ssyncadd.remote.s32 $0x1  }
0xbe: {  	_ =	sfence.sel $0xFFFF  }
0xbf: {  	[dreg:$0x0] =	wrdreg $0xFFFFFFFF;
	(pc) =	sbr.abs _section_cstart, $3  }
0xc0: {  	[dreg:$0x1] =	wrdreg $0xFFFFFFFF  }
0xc1: {  	_ =	task.clear_ibuf [dreg:s6], $0x2FFFF;
	_ =	strace $0x9FFFFFFF  }
0xc2: {  	(tm) =	ssettm $0x7FFFFFFF  }
0xc3: {  	_ =	shalt  }
tec
execute0_lowered:
.L_overlay_start_1:
0x0: {  	(tag) =	ssettag $0x1  }
0x1: {  	s0 =	rddreg [dreg:$0x0]  }
0x2: {  	s2 =	rddreg [dreg:$0x1];
	s13 =	stileid.u32  }
0x3: {  	s4 =	srdreg.scid;
	s3 =	simm.s32 $0x0;
	s17 =	simm.s32 $0x7D  }
0x4: {  	s18 =	simm.s32 $0xA000;
	s20 =	simm.s32 $0xBF40;
	s28 =	simm.s32 $0x1  }
0x5: {  	s29 =	simm.s32 $0x6;
	s30 =	simm.s32 $0x2;
	s31 =	simm.s32 $0x7  }
0x6: {  	s19 =	simm.s32 $0x4;
	s21 =	simm.s32 $0x9;
	s1 =	smul.u32 $0x9C00, s13  }
0x7: {  	s5 =	sand.u32 $0x1, s4;
	s6 =	smul.u32 $0x5000, s13;
	[smem:$0x7FF] =	sst s3  }
0x8: {  	s4 =	sadd.s32 $0x3F200, s0;
	s11 =	sadd.s32 $0x66400, s0;
	s22 =	smul.u32 $0x13800, s13  }
0x9: {  	s16 =	sadd.s32 $0x9C000, s2;
	p0 =	sne.s32 s13, $0xF;
	s26 =	sshll.u32 s13, $0x6  }
0xa: {  	s13 =	simm.s32 $0x5000;
	s7 =	smul.u32 $0x50000, s5;
	_ =	strace $0x8000004D  }
0xb: {  	s9 =	ssub.s32 $0x2, s5;
	s24 =	sshll.u32 s5, $0x6;
	s5 =	sshll.u32 s5, $0x3  }
0xc: {  	s14 =	sor.u32 $0x1C0B, s26;
	s16 =	sshrl.u32 @!p0 s16, $0x3;
	s26 =	simm.s32 $0x11D00  }
0xd: {  	s8 =	sshrl.u32 s1, $0x3;
	s10 =	sshrl.u32 s9, $0x1;
	s1 =	sadd.s32 s1, s2  }
0xe: {  	s5 =	sadd.s32 s5, s11;
	s7 =	sadd.s32 s6, s7;
	s8 =	sadd.s32 s8, s0  }
0xf: {  	s6 =	sshrl.u32 s6, $0x3;
	s12 =	ssub.s32 s9, s10;
	s10 =	sadd.s32 $0x27000, s5  }
0x10: {  	s15 =	sshrl.u32 s1, $0x3;
	s1 =	simm.s32 $0x8;
	s5 =	simm.s32 $0x0  }
0x11: {  	s7 =	sshrl.u32 s7, $0x3;
	s6 =	sadd.s32 s6, s0;
	s23 =	sadd.s32 $0x3A00, s8  }
0x12: {  	s7 =	sadd.s32 s7, s0;
	s6 =	sadd.s32 $0x35200, s6;
	[dreg:$0x5] =	wrdreg s23  }
0x13: {  	s0 =	sadd.s32 $0x17200, s0;
	s23 =	simm.s32 $0x5;
	[dreg:$0x4] =	wrdreg s6  }
0x14: {  	s7 =	sadd.s32 $0x21200, s7;
	s6 =	sor.u32 s24, s22;
	[dreg:$0x6] =	wrdreg s0  }
0x15: {  	s22 =	simm.s32 $0xDE80;
	s24 =	simm.s32 $0xFDC0;
	s25 =	sshrl.u32 s6, $0x3  }
0x16: {  	s0 =	simm.s32 $0x3;
	[dreg:$0x3] =	wrdreg s7;
	s9 =	sadd.s32 s11, s25  }
0x17: {  	s11 =	smax.u32 s12, $0x1;
	s12 =	simm.s32 $0xB;
	s25 =	simm.s32 $0xA  }
.LBB2_1:
0x18: {  	s6 =	rddreg [dreg:$0x3]  }
0x19: {  	[tilespmem:s3], [sflag:$0xB] =	stream.linear.gather [hbm4b:s6+s3], $0x5000, $0x38;
	[tilespmem:$0x1D880] =	vst v63  }
0x1a: {  	_ =	swait.ge [sflag:s12], $0x5000  }
0x1b: {  	[sflag:s12] =	ssyncset.done $0x0  }
0x1c: {  	s8 =	rddreg [dreg:$0x4];
	[sflag:s12] =	ssyncadd.s32 $0xFFFFB000  }
0x1d: {  	[tilespmem:s13], [sflag:$0xB] =	stream.linear.gather [hbm4b:s8+s3], $0x5000, $0x38;
	[tilespmem:$0x1D880] =	vst v63  }
0x1e: {  	_ =	swait.ge [sflag:s12], $0x5000  }
0x1f: {  	[sflag:s12] =	ssyncset.done $0x0  }
0x20: {  	s7 =	rddreg [dreg:$0x5];
	[sflag:s12] =	ssyncadd.s32 $0xFFFFB000  }
0x21: {  	[spmem:s15], [sflag:s14] =	dma.local [hbm:s7], $0x1380  }
0x22: {  	_ =	swait.ge [sflag:s12], $0x1380  }
0x23: {  	[sflag:s12] =	ssyncset.done $0x0  }
0x24: {  	s6 =	rddreg [dreg:$0x6];
	[sflag:s12] =	ssyncadd.s32 $0xFFFFEC80  }
0x25: {  	[spmem:s16], [sflag:s14] =	dma.local @!p0 [hbm:s6], $0x80  }
0x26: {  	s6 =	simm.s32 @!p0 $0xB  }
0x27: {  	_ =	swait.ge @!p0 [sflag:s6], $0x80  }
0x28: {  	[sflag:s6] =	ssyncset.done @!p0 $0x0  }
0x29: {  	[sflag:s6] =	ssyncadd.s32 @!p0 $0xFFFFFF80  }
0x2a: {  	[bflag:$0x0] =	sbarrier.arrive $0xFFFF  }
0x2b: {  	[tilespmem:s18], [sflag:$0x1] =	stream.indirect.gather [hbm4b:s4+s17], $0x40, s3, s17, $0xb8;
	[tilespmem:$0x1D880] =	vst v63  }
0x2c: {  	s8 =	simm.s32 $0x80  }
0x2d: {  	[tilespmem:s20], [sflag:$0x2] =	stream.indirect.gather [hbm4b:s4+s17], $0x40, s8, s17, $0xb8;
	[tilespmem:$0x1D880] =	vst v63  }
0x2e: {  	s7 =	simm.s32 $0x100  }
0x2f: {  	[tilespmem:s22], [sflag:$0x3] =	stream.indirect.gather [hbm4b:s4+s17], $0x40, s7, s17, $0xb8;
	[tilespmem:$0x1D880] =	vst v63  }
0x30: {  	s8 =	simm.s32 $0x180  }
0x31: {  	[tilespmem:s24], [sflag:$0x4] =	stream.indirect.gather [hbm4b:s4+s17], $0x40, s8, s17, $0xb8;
	[tilespmem:$0x1D880] =	vst v63  }
0x32: {  	s7 =	simm.s32 $0x200  }
0x33: {  	[tilespmem:s26], [sflag:$0x5] =	stream.indirect.gather [hbm4b:s4+s17], $0x40, s7, s17, $0xb8;
	[tilespmem:$0x1D880] =	vst v63  }
0x34: {  	_ =	swait.ge [sflag:s28], $0x1F40  }
0x35: {  	[sflag:s28] =	ssyncset.done $0x0  }
0x36: {  	[sflag:s28] =	ssyncadd.s32 $0xFFFFE0C0  }
0x37: {  	[spmem:s2] =	stream.indirect.scatter.add.f32 [tilespmem:s18], [sflag:$0x6], $0x40, s13, s17, $0xb8;
	[tilespmem:$0x1D880] =	vst v63  }
0x38: {  	_ =	swait.ge [sflag:s29], $0x1F40  }
0x39: {  	[sflag:s29] =	ssyncset.done $0x0  }
0x3a: {  	s8 =	simm.s32 $0x280;
	[sflag:s29] =	ssyncadd.s32 $0xFFFFE0C0  }
0x3b: {  	[tilespmem:s18], [sflag:$0x1] =	stream.indirect.gather [hbm4b:s4+s17], $0x40, s8, s17, $0xb8;
	[tilespmem:$0x1D880] =	vst v63  }
0x3c: {  	_ =	swait.ge [sflag:s30], $0x1F40  }
0x3d: {  	[sflag:s30] =	ssyncset.done $0x0  }
0x3e: {  	s7 =	simm.s32 $0x5080;
	[sflag:s30] =	ssyncadd.s32 $0xFFFFE0C0  }
0x3f: {  	[spmem:s2] =	stream.indirect.scatter.add.f32 [tilespmem:s20], [sflag:$0x7], $0x40, s7, s17, $0xb8;
	[tilespmem:$0x1D880] =	vst v63  }
0x40: {  	_ =	swait.ge [sflag:s31], $0x1F40  }
0x41: {  	[sflag:s31] =	ssyncset.done $0x0  }
0x42: {  	s8 =	simm.s32 $0x300;
	[sflag:s31] =	ssyncadd.s32 $0xFFFFE0C0  }
0x43: {  	[tilespmem:s20], [sflag:$0x2] =	stream.indirect.gather [hbm4b:s4+s17], $0x40, s8, s17, $0xb8;
	[tilespmem:$0x1D880] =	vst v63  }
0x44: {  	_ =	swait.ge [sflag:s0], $0x1F40  }
0x45: {  	[sflag:s0] =	ssyncset.done $0x0  }
0x46: {  	s7 =	simm.s32 $0x5100;
	[sflag:s0] =	ssyncadd.s32 $0xFFFFE0C0  }
0x47: {  	[spmem:s2] =	stream.indirect.scatter.add.f32 [tilespmem:s22], [sflag:$0x8], $0x40, s7, s17, $0xb8;
	[tilespmem:$0x1D880] =	vst v63  }
0x48: {  	_ =	swait.ge [sflag:s1], $0x1F40  }
0x49: {  	[sflag:s1] =	ssyncset.done $0x0  }
0x4a: {  	s8 =	simm.s32 $0x380;
	[sflag:s1] =	ssyncadd.s32 $0xFFFFE0C0  }
0x4b: {  	[tilespmem:s22], [sflag:$0x3] =	stream.indirect.gather [hbm4b:s4+s17], $0x40, s8, s17, $0xb8;
	[tilespmem:$0x1D880] =	vst v63  }
0x4c: {  	_ =	swait.ge [sflag:s19], $0x1F40  }
0x4d: {  	[sflag:s19] =	ssyncset.done $0x0  }
0x4e: {  	s7 =	simm.s32 $0x5180;
	[sflag:s19] =	ssyncadd.s32 $0xFFFFE0C0  }
0x4f: {  	[spmem:s2] =	stream.indirect.scatter.add.f32 [tilespmem:s24], [sflag:$0x9], $0x40, s7, s17, $0xb8;
	[tilespmem:$0x1D880] =	vst v63  }
0x50: {  	_ =	swait.ge [sflag:s21], $0x1F40  }
0x51: {  	[sflag:s21] =	ssyncset.done $0x0  }
0x52: {  	s8 =	simm.s32 $0x400;
	[sflag:s21] =	ssyncadd.s32 $0xFFFFE0C0  }
0x53: {  	[tilespmem:s24], [sflag:$0x4] =	stream.indirect.gather [hbm4b:s4+s17], $0x40, s8, s17, $0xb8;
	[tilespmem:$0x1D880] =	vst v63  }
0x54: {  	_ =	swait.ge [sflag:s23], $0x1F40  }
0x55: {  	[sflag:s23] =	ssyncset.done $0x0  }
0x56: {  	s7 =	simm.s32 $0x5200;
	[sflag:s23] =	ssyncadd.s32 $0xFFFFE0C0  }
0x57: {  	[spmem:s2] =	stream.indirect.scatter.add.f32 [tilespmem:s26], [sflag:$0xA], $0x40, s7, s17, $0xb8;
	[tilespmem:$0x1D880] =	vst v63  }
0x58: {  	_ =	swait.ge [sflag:s25], $0x1F40  }
0x59: {  	[sflag:s25] =	ssyncset.done $0x0  }
0x5a: {  	s8 =	simm.s32 $0x480;
	[sflag:s25] =	ssyncadd.s32 $0xFFFFE0C0  }
0x5b: {  	[tilespmem:s26], [sflag:$0x5] =	stream.indirect.gather [hbm4b:s4+s17], $0x40, s8, s17, $0xb8;
	[tilespmem:$0x1D880] =	vst v63  }
0x5c: {  	_ =	swait.ge [sflag:s28], $0x1F40  }
0x5d: {  	[sflag:s28] =	ssyncset.done $0x0  }
0x5e: {  	s6 =	simm.s32 $0xA00;
	s7 =	simm.s32 $0x5280;
	[sflag:s28] =	ssyncadd.s32 $0xFFFFE0C0  }
.LBB2_2:
0x5f: {  	[spmem:s2] =	stream.indirect.scatter.add.f32 [tilespmem:s18], [sflag:$0x6], $0x40, s7, s17, $0xb8;
	[tilespmem:$0x1D880] =	vst v63  }
0x60: {  	s7 =	smov.u32 s6  }
0x61: {  	p1 =	sne.s32 s6, $0x12C00;
	s6 =	sadd.s32 $0xA00, s6;
	_ =	swait.ge [sflag:s29], $0x1F40  }
0x62: {  	s7 =	sshra.s32 s7, $0x2;
	[sflag:s29] =	ssyncset.done $0x0  }
0x63: {  	s8 =	sadd.s32 $0x280, s7;
	[sflag:s29] =	ssyncadd.s32 $0xFFFFE0C0  }
0x64: {  	[tilespmem:s18], [sflag:$0x1] =	stream.indirect.gather [hbm4b:s4+s17], $0x40, s8, s17, $0xb8;
	[tilespmem:$0x1D880] =	vst v63  }
0x65: {  	_ =	swait.ge [sflag:s30], $0x1F40  }
0x66: {  	[sflag:s30] =	ssyncset.done $0x0  }
0x67: {  	s8 =	sadd.s32 $0x5080, s7;
	[sflag:s30] =	ssyncadd.s32 $0xFFFFE0C0  }
0x68: {  	[spmem:s2] =	stream.indirect.scatter.add.f32 [tilespmem:s20], [sflag:$0x7], $0x40, s8, s17, $0xb8;
	[tilespmem:$0x1D880] =	vst v63  }
0x69: {  	_ =	swait.ge [sflag:s31], $0x1F40  }
0x6a: {  	[sflag:s31] =	ssyncset.done $0x0  }
0x6b: {  	s8 =	sadd.s32 $0x300, s7;
	[sflag:s31] =	ssyncadd.s32 $0xFFFFE0C0  }
0x6c: {  	[tilespmem:s20], [sflag:$0x2] =	stream.indirect.gather [hbm4b:s4+s17], $0x40, s8, s17, $0xb8;
	[tilespmem:$0x1D880] =	vst v63  }
0x6d: {  	_ =	swait.ge [sflag:s0], $0x1F40  }
0x6e: {  	[sflag:s0] =	ssyncset.done $0x0  }
0x6f: {  	s8 =	sadd.s32 $0x5100, s7;
	[sflag:s0] =	ssyncadd.s32 $0xFFFFE0C0  }
0x70: {  	[spmem:s2] =	stream.indirect.scatter.add.f32 [tilespmem:s22], [sflag:$0x8], $0x40, s8, s17, $0xb8;
	[tilespmem:$0x1D880] =	vst v63  }
0x71: {  	_ =	swait.ge [sflag:s1], $0x1F40  }
0x72: {  	[sflag:s1] =	ssyncset.done $0x0  }
0x73: {  	s8 =	sadd.s32 $0x380, s7;
	[sflag:s1] =	ssyncadd.s32 $0xFFFFE0C0  }
0x74: {  	[tilespmem:s22], [sflag:$0x3] =	stream.indirect.gather [hbm4b:s4+s17], $0x40, s8, s17, $0xb8;
	[tilespmem:$0x1D880] =	vst v63  }
0x75: {  	_ =	swait.ge [sflag:s19], $0x1F40  }
0x76: {  	[sflag:s19] =	ssyncset.done $0x0  }
0x77: {  	s8 =	sadd.s32 $0x5180, s7;
	[sflag:s19] =	ssyncadd.s32 $0xFFFFE0C0  }
0x78: {  	[spmem:s2] =	stream.indirect.scatter.add.f32 [tilespmem:s24], [sflag:$0x9], $0x40, s8, s17, $0xb8;
	[tilespmem:$0x1D880] =	vst v63  }
0x79: {  	_ =	swait.ge [sflag:s21], $0x1F40  }
0x7a: {  	[sflag:s21] =	ssyncset.done $0x0  }
0x7b: {  	s8 =	sadd.s32 $0x400, s7;
	[sflag:s21] =	ssyncadd.s32 $0xFFFFE0C0  }
0x7c: {  	[tilespmem:s24], [sflag:$0x4] =	stream.indirect.gather [hbm4b:s4+s17], $0x40, s8, s17, $0xb8;
	[tilespmem:$0x1D880] =	vst v63  }
0x7d: {  	_ =	swait.ge [sflag:s23], $0x1F40  }
0x7e: {  	[sflag:s23] =	ssyncset.done $0x0  }
0x7f: {  	s8 =	sadd.s32 $0x5200, s7;
	[sflag:s23] =	ssyncadd.s32 $0xFFFFE0C0  }
0x80: {  	[spmem:s2] =	stream.indirect.scatter.add.f32 [tilespmem:s26], [sflag:$0xA], $0x40, s8, s17, $0xb8;
	[tilespmem:$0x1D880] =	vst v63  }
0x81: {  	_ =	swait.ge [sflag:s25], $0x1F40  }
0x82: {  	[sflag:s25] =	ssyncset.done $0x0  }
.Ltmp0:
0x83: {  	s8 =	sadd.s32 $0x480, s7;
	[sflag:s25] =	ssyncadd.s32 $0xFFFFE0C0;
	(pc) =	sbr.rel @p1 .LBB2_2-.Ltmp0, $4  }
0x84: {  	[tilespmem:s26], [sflag:$0x5] =	stream.indirect.gather [hbm4b:s4+s17], $0x40, s8, s17, $0xb8;
	[tilespmem:$0x1D880] =	vst v63  }
0x85: {  	_ =	swait.ge [sflag:s28], $0x1F40  }
0x86: {  	[sflag:s28] =	ssyncset.done $0x0  }
0x87: {  	s7 =	sadd.s32 $0x5280, s7;
	[sflag:s28] =	ssyncadd.s32 $0xFFFFE0C0  }
0x88: {  	[spmem:s2] =	stream.indirect.scatter.add.f32 [tilespmem:s18], [sflag:$0x6], $0x40, s7, s17, $0xb8;
	[tilespmem:$0x1D880] =	vst v63  }
0x89: {  	_ =	swait.ge [sflag:s30], $0x1F40  }
0x8a: {  	[sflag:s30] =	ssyncset.done $0x0  }
0x8b: {  	s6 =	simm.s32 $0x9E00;
	[sflag:s30] =	ssyncadd.s32 $0xFFFFE0C0  }
0x8c: {  	[spmem:s2] =	stream.indirect.scatter.add.f32 [tilespmem:s20], [sflag:$0x7], $0x40, s6, s17, $0xb8;
	[tilespmem:$0x1D880] =	vst v63  }
0x8d: {  	_ =	swait.ge [sflag:s0], $0x1F40  }
0x8e: {  	[sflag:s0] =	ssyncset.done $0x0  }
0x8f: {  	s7 =	simm.s32 $0x9E80;
	[sflag:s0] =	ssyncadd.s32 $0xFFFFE0C0  }
0x90: {  	[spmem:s2] =	stream.indirect.scatter.add.f32 [tilespmem:s22], [sflag:$0x8], $0x40, s7, s17, $0xb8;
	[tilespmem:$0x1D880] =	vst v63  }
0x91: {  	_ =	swait.ge [sflag:s19], $0x1F40  }
0x92: {  	[sflag:s19] =	ssyncset.done $0x0  }
0x93: {  	s8 =	simm.s32 $0x9F00;
	[sflag:s19] =	ssyncadd.s32 $0xFFFFE0C0  }
0x94: {  	[spmem:s2] =	stream.indirect.scatter.add.f32 [tilespmem:s24], [sflag:$0x9], $0x40, s8, s17, $0xb8;
	[tilespmem:$0x1D880] =	vst v63  }
0x95: {  	_ =	swait.ge [sflag:s23], $0x1F40  }
0x96: {  	[sflag:s23] =	ssyncset.done $0x0  }
0x97: {  	s7 =	simm.s32 $0x9F80;
	[sflag:s23] =	ssyncadd.s32 $0xFFFFE0C0  }
0x98: {  	[spmem:s2] =	stream.indirect.scatter.add.f32 [tilespmem:s26], [sflag:$0xA], $0x40, s7, s17, $0xb8;
	[tilespmem:$0x1D880] =	vst v63  }
0x99: {  	_ =	swait.ge [sflag:s29], $0x1F40  }
0x9a: {  	[sflag:s29] =	ssyncset.done $0x0  }
0x9b: {  	[sflag:s29] =	ssyncadd.s32 $0xFFFFE0C0  }
0x9c: {  	_ =	swait.ge [sflag:s31], $0x1F40  }
0x9d: {  	[sflag:s31] =	ssyncset.done $0x0  }
0x9e: {  	[sflag:s31] =	ssyncadd.s32 $0xFFFFE0C0  }
0x9f: {  	_ =	swait.ge [sflag:s1], $0x1F40  }
0xa0: {  	[sflag:s1] =	ssyncset.done $0x0  }
0xa1: {  	[sflag:s1] =	ssyncadd.s32 $0xFFFFE0C0  }
0xa2: {  	_ =	swait.ge [sflag:s21], $0x1F40  }
0xa3: {  	[sflag:s21] =	ssyncset.done $0x0  }
0xa4: {  	[sflag:s21] =	ssyncadd.s32 $0xFFFFE0C0  }
0xa5: {  	_ =	swait.ge [sflag:s25], $0x1F40  }
0xa6: {  	[sflag:s25] =	ssyncset.done $0x0  }
0xa7: {  	[sflag:s25] =	ssyncadd.s32 $0xFFFFE0C0  }
0xa8: {  	s8 =	simm.s32 $0x10;
	[bflag:$0x0] =	sbarrier.arrive $0xFFFF  }
0xa9: {  	[hbm:s9@s8], [sflag:s14] =	dma.strided [spmem:s15@s1], $0x1380, s28, $0x8   }
0xaa: {  	s5 =	sadd.s32 $0x1, s5;
	_ =	swait.ge [sflag:s12], $0x1380  }
0xab: {  	p1 =	sne.s32 s5, s11;
	s6 =	simm.s32 @!p0 $0x1;
	[sflag:s12] =	ssyncset.done $0x0  }
0xac: {  	s7 =	simm.s32 @!p0 $0x10;
	s8 =	simm.s32 @!p0 $0x8;
	[sflag:s12] =	ssyncadd.s32 $0xFFFFEC80  }
0xad: {  	[hbm:s10@s7], [sflag:s14] =	dma.strided @!p0 [spmem:s16@s8], $0x80, s6, $0x8   }
.Ltmp1:
0xae: {  	_ = 	snop;
	(pc) =	sbr.rel @p1 .LBB2_1-.Ltmp1, $4  }
0xaf: {  	s6 =	simm.s32 @!p0 $0xB  }
0xb0: {  	_ =	swait.ge @!p0 [sflag:s6], $0x80  }
0xb1: {  	[sflag:s6] =	ssyncset.done @!p0 $0x0  }
0xb2: {  	[sflag:s6] =	ssyncadd.s32 @!p0 $0xFFFFFF80  }
0xb3: {  	_ =	sfence.sel $0x180000  }
0xb4: {  	[bflag:$0x0] =	sbarrier.arrive $0xFFFF  }
0xb5: {  	_ =	strace $0x9000004D  }
0xb6: {  	s0 =	stileid.u32;
	[bflag:$0x2] =	sbarrier.arrive $0xFFFF  }
0xb7: {  	p0 =	sne.s32 s0, $0x0;
	s0 =	rddreg [dreg:$0x2]  }
0xb8: {  	s0 =	sadd.s32 @!p0 $0x100000, s0  }
0xb9: {  	[sflag:s0] =	ssyncadd.tile.s32 @!p0 $0x1;
	_ =	shalt  }
.Lfunc_end2:
_tile_overlayer_lowered:
.L_overlay_start_2:
0xba: {  	(tag) =	ssettag $0x2  }
0xbb: {  	s0 =	rddreg [dreg:$0x0];
	s2 =	stileid.u32  }
0xbc: {  	s1 =	rddreg [dreg:$0x1];
	p0 =	sne.s32 s2, $0x0  }
0xbd: {  	s3 =	rddreg [dreg:$0x2];
	[bflag:$0x3] =	sbarrier.arrive $0xFFFF;
	s2 =	simm.s32 @!p0 $0x1C0B  }
0xbe: {  	[timem:s3], [sflag:s2] =	dma.local @!p0 [hbm:s0], s1  }
0xbf: {  	s0 =	simm.s32 @!p0 $0xB  }
0xc0: {  	_ =	swait.ge @!p0 [sflag:s0], s1  }
0xc1: {  	s1 =	ssub.s32 @!p0 $0x0, s1;
	[sflag:s0] =	ssyncset.done @!p0 $0x0  }
0xc2: {  	[sflag:s0] =	ssyncadd.s32 @!p0 s1  }
0xc3: {  	[bflag:$0x3] =	sbarrier.arrive $0xFFFF  }
0xc4: {  	_ =	shalt  }

// kernel: kernel.8.cloned.1.call-start
scs
__scs_entry_jumppad:
0x0: {  	(pc) =	sbr.rel $0x88, $3  }
0x1: {  	(tag) =	ssettag $0x0;
	lr =	simm.s32 $0x1  }
0x2: {  	[smem:$0x3F94] =	sst lr;
	_ =	strace $0xD0000000  }
0x3: {  	_ = 	snop  }
0x4: {  	_ = 	snop  }
0x5: {  	_ = 	snop  }
0x6: {  	_ = 	snop  }
0x7: {  	_ = 	snop  }
__scs_overlays_trampoline_lowered:
0x8: {  	[smem:$0x3FA3] =	sst s0  }
0x9: {  	[smem:$0x3FA4] =	sst s1  }
0xa: {  	[smem:$0x3FA5] =	sst s2  }
0xb: {  	[smem:$0x3FA6] =	sst s3  }
0xc: {  	[smem:$0x3FA7] =	sst s4  }
0xd: {  	[smem:$0x3FA8] =	sst s5  }
0xe: {  	[smem:$0x3FA9] =	sst s6  }
0xf: {  	[smem:$0x3FAA] =	sst s7  }
0x10: {  	[smem:$0x3FAB] =	sst s8  }
0x11: {  	[smem:$0x3FAC] =	sst s9;
	s0 =	simm.s32 @!p0 $0x0  }
0x12: {  	s1 =	sld [smem:$0x3F92];
	s0 =	simm.s32 @p0 $0x1  }
0x13: {  	[smem:$0x3FAD] =	sst s0;
	s0 =	simm.s32 @!p1 $0x0  }
0x14: {  	s2 =	sld [smem:$0x3F91];
	s0 =	simm.s32 @p1 $0x1  }
0x15: {  	[smem:$0x3FAE] =	sst s0;
	s0 =	simm.s32 @!p2 $0x0  }
0x16: {  	s3 =	sld [smem:$0x3FDB];
	s0 =	simm.s32 @p2 $0x1  }
0x17: {  	s4 =	simm.s32 $0x1BF5;
	[smem:$0x3FB0] =	sst s0  }
0x18: {  	s0 =	sld [smem:$0x3F93];
	_ =	swait.ge [sflag:s4], $0x0  }
0x19: {  	s7 =	sld [smem:$0x3F94]  }
0x1a: {  	s8 =	sadd.s32 $0xFFFFE003, lr  }
0x1b: {  	s9 =	sadd.s32 $0xFFFFFEF7, lr;
	s5 =	simm.s32 $0xFFFFFFFF;
	p2 =	slt.u32 s8, $0xFFFFF086  }
0x1c: {  	p1 =	slt.u32 s9, $0xF7A;
	s5 =	simm.s32 @!p2 $0x0  }
0x1d: {  	s5 =	simm.s32 @p1 $0x1;
	p0 =	seq.s32 s7, s2  }
0x1e: {  	s7 =	smul.u32 @!p0 $0xF7A, s2;
	p2 =	seq.s32 @!p0 s5, $0x0  }
0x1f: {  	s9 =	smul.u32 $0xF7A, s1;
	s8 =	simm.s32 @!p0 $0x1BF5;
	p2 =	por !p2, p0  }
0x20: {  	[sflag:s8] =	ssyncset.s32 @!p0 $0xFFFFF086;
	s6 =	sadd.s32 @!p0 s3, s7;
	s7 =	simm.s32 @!p0 $0x108  }
0x21: {  	s3 =	sadd.s32 s3, s9;
	s6 =	sadd.s32 @!p0 $0x88, s6;
	s7 =	simm.s32 @p2 $0x1082  }
0x22: {  	[simem:s7], [sflag:s8] =	dma.local @!p0 [hbm:s6], $0xF7A  }
0x23: {  	s9 =	sor.u32 $0xD0000000, s2;
	s6 =	simm.s32 $0x108;
	_ =	swait.ge @!p0 [sflag:s8], $0x0  }
0x24: {  	s3 =	sadd.s32 $0x88, s3;
	s6 =	simm.s32 @!p1 $0x1082;
	[sflag:s4] =	ssyncset.s32 $0xFFFFF086  }
0x25: {  	[simem:s6], [sflag:s4] =	dma.local [hbm:s3], $0xF7A  }
0x26: {  	[smem:$0x3F94] =	sst s1;
	(tag) =	ssettag s2;
	_ =	strace s9  }
0x27: {  	s1 =	sld [smem:$0x3FA4]  }
0x28: {  	s2 =	sld [smem:$0x3FA5]  }
0x29: {  	s4 =	sld [smem:$0x3FA7]  }
0x2a: {  	p0 =	seq.s32 s5, $0x0;
	s5 =	sld [smem:$0x3FA8]  }
0x2b: {  	s6 =	sld [smem:$0x3FA9]  }
0x2c: {  	s7 =	sld [smem:$0x3FAA]  }
0x2d: {  	s3 =	simm.s32 $0x108;
	s8 =	sld [smem:$0x3FAB]  }
0x2e: {  	s3 =	simm.s32 @!p0 $0x1082;
	s9 =	sld [smem:$0x3FAC]  }
0x2f: {  	lr =	sadd.s32 s0, s3;
	s0 =	sld [smem:$0x3FA3]  }
0x30: {  	s3 =	sld [smem:$0x3FA6]  }
0x31: {  	[smem:$0x3FAF] =	sst s10  }
0x32: {  	s10 =	sld [smem:$0x3FAD];
	_ =	sdelay $0x3  }
0x33: {  	p0 =	seq.s32 s10, $0x1;
	s10 =	sld [smem:$0x3FAF];
	_ =	sdelay $0x3  }
0x34: {  	[smem:$0x3FAF] =	sst s10  }
0x35: {  	s10 =	sld [smem:$0x3FAE];
	_ =	sdelay $0x3  }
0x36: {  	p1 =	seq.s32 s10, $0x1;
	s10 =	sld [smem:$0x3FAF];
	_ =	sdelay $0x3  }
0x37: {  	[smem:$0x3FAF] =	sst s10  }
0x38: {  	s10 =	sld [smem:$0x3FB0]  }
0x39: {  	_ = 	snop;
	(pc) =	sbr.ind lr, $3  }
0x3a: {  	_ = 	snop  }
0x3b: {  	_ = 	snop  }
0x3c: {  	p2 =	seq.s32 s10, $0x1;
	s10 =	sld [smem:$0x3FAF]  }
0x3d: {  	_ =	shalt  }
0x3e: {  	_ =	shalt  }
0x3f: {  	_ =	shalt  }
0x40: {  	_ =	shalt  }
0x41: {  	_ =	shalt  }
0x42: {  	_ =	shalt  }
0x43: {  	_ =	shalt  }
0x44: {  	_ =	shalt  }
0x45: {  	_ =	shalt  }
0x46: {  	_ =	shalt  }
0x47: {  	_ =	shalt  }
0x48: {  	_ =	shalt  }
0x49: {  	_ =	shalt  }
0x4a: {  	_ =	shalt  }
0x4b: {  	_ =	shalt  }
0x4c: {  	_ =	shalt  }
0x4d: {  	_ =	shalt  }
0x4e: {  	_ =	shalt  }
0x4f: {  	_ =	shalt  }
0x50: {  	_ =	shalt  }
0x51: {  	_ =	shalt  }
0x52: {  	_ =	shalt  }
0x53: {  	_ =	shalt  }
0x54: {  	_ =	shalt  }
0x55: {  	_ =	shalt  }
0x56: {  	_ =	shalt  }
0x57: {  	_ =	shalt  }
0x58: {  	_ =	shalt  }
0x59: {  	_ =	shalt  }
0x5a: {  	_ =	shalt  }
0x5b: {  	_ =	shalt  }
0x5c: {  	_ =	shalt  }
0x5d: {  	_ =	shalt  }
0x5e: {  	_ =	shalt  }
0x5f: {  	_ =	shalt  }
0x60: {  	_ =	shalt  }
0x61: {  	_ =	shalt  }
0x62: {  	_ =	shalt  }
0x63: {  	_ =	shalt  }
0x64: {  	_ =	shalt  }
0x65: {  	_ =	shalt  }
0x66: {  	_ =	shalt  }
0x67: {  	_ =	shalt  }
0x68: {  	_ =	shalt  }
0x69: {  	_ =	shalt  }
0x6a: {  	_ =	shalt  }
0x6b: {  	_ =	shalt  }
0x6c: {  	_ =	shalt  }
0x6d: {  	_ =	shalt  }
0x6e: {  	_ =	shalt  }
0x6f: {  	_ =	shalt  }
0x70: {  	_ =	shalt  }
0x71: {  	_ =	shalt  }
0x72: {  	_ =	shalt  }
0x73: {  	_ =	shalt  }
0x74: {  	_ =	shalt  }
0x75: {  	_ =	shalt  }
0x76: {  	_ =	shalt  }
0x77: {  	_ =	shalt  }
0x78: {  	_ =	shalt  }
0x79: {  	_ =	shalt  }
0x7a: {  	_ =	shalt  }
0x7b: {  	_ =	shalt  }
0x7c: {  	_ =	shalt  }
0x7d: {  	_ =	shalt  }
0x7e: {  	_ =	shalt  }
0x7f: {  	_ =	shalt  }
0x80: {  	_ =	shalt  }
0x81: {  	_ =	shalt  }
0x82: {  	_ =	shalt  }
0x83: {  	_ =	shalt  }
0x84: {  	_ =	shalt  }
0x85: {  	_ =	shalt  }
0x86: {  	_ =	shalt  }
0x87: {  	_ =	shalt  }
.Lfunc_end0:
.L_simem_size_0:
called_computation_lowered:
.L_overlay_start_0:
0x88: {  	s2 =	sld [smem:$0x3FD9]  }
0x89: {  	s3 =	sld [smem:$0x3FFE];
	_ =	sdelay $0x1  }
0x8a: {  	s1 =	srdreg.scid  }
0x8b: {  	s0 =	sand.u32 $0x1, s1  }
0x8c: {  	s16 =	sshll.u32 s0, $0xA;
	s2 =	sadd.s32 s3, s2  }
0x8d: {  	s2 =	sadd.s32 s2, s16  }
0x8e: {  	[smem:$0x3FBB] =	sst s2  }
0x8f: {  	_ = 	snop  }
0x90: {  	(tm) =	ssettm $0x1  }
0x91: {  	s17 =	sld [smem:$0x3FFB];
	_ =	sdelay $0x3  }
0x92: {  	_ =	strace s17  }
0x93: {  	s2 =	sld [smem:$0x3FFC];
	_ =	sdelay $0x3  }
0x94: {  	_ =	strace s2  }
0x95: {  	s2 =	sld [smem:$0x3FFD];
	_ =	sdelay $0x3  }
0x96: {  	_ =	strace s2  }
0x97: {  	_ =	strace $0x8FFFFFFF  }
0x98: {  	s18 =	sld [smem:$0x3FDB];
	_ =	sdelay $0x1  }
0x99: {  	s19 =	simm.s32 $_scs_section_size  }
0x9a: {  	s4 =	simm.s32 $_size__tile_overlayer_lowered;
	s5 =	simm.s32 $_tile_overlayer_lowered  }
0x9b: {  	s22 =	simm.s32 $0x1BFF;
	s21 =	sshll.u32 s5, $0x1;
	s2 =	sadd.s32 s19, s18  }
0x9c: {  	s6 =	simm.s32 $0x0;
	s20 =	sshll.u32 s4, $0x1;
	s4 =	sadd.s32 s21, s2  }
0x9d: {  	[timem:s6], [sflag:s22] =	dma.local [hbm:s4], s20  }
0x9e: {  	_ =	swait.ge [sflag:s22], s20  }
0x9f: {  	s3 =	ssub.s32 $0x0, s20;
	[sflag:s22] =	ssyncset.done $0x0  }
0xa0: {  	[sflag:s22] =	ssyncadd.s32 s3;
	_ =	sdelay $0x1  }
0xa1: {  	s23 =	simm.s32 $0x1B8B  }
0xa2: {  	_ =	swait.ge [sflag:s23], $0x1  }
0xa3: {  	[sflag:s23] =	ssyncset.done $0x0  }
0xa4: {  	s25 =	simm.s32 $0x1B8E;
	s24 =	sld [smem:$0x3FFE];
	[sflag:s23] =	ssyncadd.s32 $0xFFFFFFFF  }
0xa5: {  	s26 =	simm.s32 $execute0_lowered;
	[smem:$0x3FD2] =	sst s25  }
0xa6: {  	s4 =	sshll.u32 s26, $0x1;
	_ =	strace $0x80000046;
	[dreg:$0x1] =	wrdreg $0xFFFFFFFF  }
0xa7: {  	s28 =	simm.s32 $_size_execute0_lowered;
	s2 =	sadd.s32 s2, s4;
	[dreg:$0x0] =	wrdreg $0x0  }
0xa8: {  	s4 =	sshll.u32 s28, $0x1;
	[dreg:$0x2] =	wrdreg s2  }
0xa9: {  	[dreg:$0x3] =	wrdreg s4  }
0xaa: {  	[dreg:$0x4] =	wrdreg $0xC0  }
0xab: {  	_ =	task [dreg:s6], $0x5FFFF  }
0xac: {  	[dreg:$0x1] =	wrdreg $0xFFFFFFFF  }
0xad: {  	[dreg:$0x0] =	wrdreg $0x60  }
0xae: {  	[dreg:$0x2] =	wrdreg s24  }
0xaf: {  	[dreg:$0x3] =	wrdreg $0x9  }
0xb0: {  	_ =	task.clear_ibuf [dreg:s6], $0x4FFFF;
	_ =	strace $0x90000046  }
0xb1: {  	s29 =	simm.s32 $0x9;
	_ =	strace $0x80000048  }
0xb2: {  	_ =	swait.ge [sflag:s29], $0x1  }
0xb3: {  	[sflag:s29] =	ssyncadd.s32 $0xFFFFFFFF  }
0xb4: {  	_ =	strace $0x90000048  }
0xb5: {  	_ =	sfence  }
0xb6: {  	s30 =	sld [smem:$0x0];
	_ =	sdelay $0x2  }
0xb7: {  	s31 =	sshll.u32 s1, $0xD;
	s1 =	sshrl.u32 s1, $0x2  }
0xb8: {  	s3 =	sand.u32 $0x4000, s31;
	s1 =	sadd.s32 s1, s30  }
0xb9: {  	s0 =	sor.u32 s3, s0;
	s1 =	sshll.u32 s1, $0x11  }
0xba: {  	s0 =	sor.u32 s1, s0  }
0xbb: {  	s0 =	sadd.s32 $0x8F2B, s0  }
0xbc: {  	[sflag:s0] =	ssyncadd.remote.s32 $0x1  }
0xbd: {  	_ =	sfence.sel $0xFFFF  }
0xbe: {  	[dreg:$0x0] =	wrdreg $0xFFFFFFFF;
	(pc) =	sbr.abs _section_cstart, $3  }
0xbf: {  	[dreg:$0x1] =	wrdreg $0xFFFFFFFF  }
0xc0: {  	_ =	task.clear_ibuf [dreg:s6], $0x2FFFF;
	_ =	strace $0x9FFFFFFF  }
0xc1: {  	(tm) =	ssettm $0x7FFFFFFF  }
tec
execute0_lowered:
.L_overlay_start_1:
0x0: {  	(tag) =	ssettag $0x1  }
0x1: {  	s0 =	srdreg.scid  }
0x2: {  	s3 =	sand.u32 $0x1, s0  }
0x3: {  	s0 =	stileid.u32;
	s1 =	sshll.u32 s3, $0x4  }
0x4: {  	s4 =	rddreg [dreg:$0x0];
	s2 =	simm.s32 $0x0;
	s1 =	sor.u32 s0, s1  }
0x5: {  	s7 =	simm.s32 $0x2710;
	s3 =	ssub.s32 $0x2, s3;
	s5 =	smul.u32 $0x2710, s1  }
0x6: {  	s8 =	simm.s32 $0x0;
	[smem:$0x7FF] =	sst s2;
	s6 =	sshrl.u32 s3, $0x1  }
0x7: {  	s1 =	rddreg [dreg:$0x1];
	_ =	strace $0x80000047;
	s5 =	sshrl.u32 s5, $0x3  }
0x8: {  	s31 =	ssub.s32 s3, s6;
	s6 =	simm.s32 $0x1;
	s4 =	sadd.s32 s5, s4  }
0x9: {  	v0 =	vimm.f32 $0.0e+00;
	v1 =	vimm.f32 $1.000000000e+00;
	s5 =	smax.u32 s31, $0x1;
	s3 =	sadd.s32 $0xD640, s4;
	s4 =	sadd.s32 $0x17400, s4  }
.LBB2_1:
0xa: {  	[tilespmem:s2], [sflag:$0x1] =	stream.linear.gather [hbm4b:s3+s2], $0x2710, $0x38;
	[tilespmem:$0x4E20] =	vst v63  }
0xb: {  	_ =	swait.ge [sflag:s6], $0x2710  }
0xc: {  	[sflag:s6] =	ssyncset.done $0x0  }
0xd: {  	s9 =	simm.s32 $0x0;
	[sflag:s6] =	ssyncadd.s32 $0xFFFFD8F0  }
.LBB2_2:
0xe: {  	p0 =	sne.s32 s9, $0x9C00  }
.Ltmp0:
0xf: {  	_ = 	snop;
	(pc) =	sbr.rel @p0 .LBB2_2-.Ltmp0, $3  }
0x10: {  	_ =	sdelay $0x1  }
0x11: {  	s10 =	sshra.s32 s9, $0x2  }
0x12: {  	s9 =	sadd.s32 $0x40, s9;
	[tilespmem:s10+$0x2710] =	vst v0  }
0x13: {  	s10 =	simm.s32 $0x0;
	s9 =	simm.s32 $0x40  }
.LBB2_4:
0x14: {  	p0 =	sne.s32 s9, $0x9C00;
	v2 =	vld [tilespmem:s10+$0x0];
	_ =	sdelay $0x3  }
.Ltmp1:
0x15: {  	(pc) =	sbr.rel @p0 .LBB2_4-.Ltmp1, $2  }
0x16: {  	_ =	sdelay $0x2  }
0x17: {  	s10 =	sshra.s32 s9, $0x2;
	s9 =	sadd.s32 $0x40, s9;
	[tilespmem:v2+s7+$0x0] =	vst.idx.add.f32.msk $0xffff, v1  }
0x18: {  	v2 =	vld [tilespmem:s10+$0x0];
	_ =	sdelay $0x5  }
0x19: {  	s8 =	sadd.s32 $0x1, s8  }
0x1a: {  	p0 =	sne.s32 s8, s5  }
.Ltmp2:
0x1b: {  	[tilespmem:v2+s7+$0x0] =	vst.idx.add.f32.msk $0xffff, v1;
	(pc) =	sbr.rel @p0 .LBB2_1-.Ltmp2, $4  }
0x1c: {  	[hbm4b:s4+s2] =	stream.linear.scatter [tilespmem:s7], [sflag:$0x1], $0x2710, $0x38;
	[tilespmem:$0x4E20] =	vst v63  }
0x1d: {  	_ =	swait.ge [sflag:s6], $0x2710  }
0x1e: {  	[sflag:s6] =	ssyncset.done $0x0  }
0x1f: {  	[sflag:s6] =	ssyncadd.s32 $0xFFFFD8F0  }
0x20: {  	_ =	sfence.sel $0x180000  }
0x21: {  	[bflag:$0x0] =	sbarrier.arrive $0xFFFF  }
0x22: {  	p0 =	sne.s32 s0, $0x0;
	_ =	strace $0x90000047  }
0x23: {  	s0 =	sadd.s32 @!p0 $0x100000, s1;
	[bflag:$0x2] =	sbarrier.arrive $0xFFFF  }
0x24: {  	[sflag:s0] =	ssyncadd.tile.s32 @!p0 $0x1;
	_ =	shalt  }
.Lfunc_end2:
_tile_overlayer_lowered:
.L_overlay_start_2:
0x25: {  	(tag) =	ssettag $0x2  }
0x26: {  	s0 =	rddreg [dreg:$0x0];
	s2 =	stileid.u32  }
0x27: {  	s1 =	rddreg [dreg:$0x1];
	p0 =	sne.s32 s2, $0x0  }
0x28: {  	s3 =	rddreg [dreg:$0x2];
	[bflag:$0x3] =	sbarrier.arrive $0xFFFF;
	s2 =	simm.s32 @!p0 $0x1C01  }
0x29: {  	[timem:s3], [sflag:s2] =	dma.local @!p0 [hbm:s0], s1  }
0x2a: {  	s0 =	simm.s32 @!p0 $0x1  }
0x2b: {  	_ =	swait.ge @!p0 [sflag:s0], s1  }
0x2c: {  	s1 =	ssub.s32 @!p0 $0x0, s1;
	[sflag:s0] =	ssyncset.done @!p0 $0x0  }
0x2d: {  	[sflag:s0] =	ssyncadd.s32 @!p0 s1  }
0x2e: {  	[bflag:$0x3] =	sbarrier.arrive $0xFFFF  }
0x2f: {  	_ =	shalt  }

</sc_bundles>
